<compile_context>
chip_gen: v7x
topology: tpu7x:2x2x1
jax: 0.10.2.dev20260603
libtpu: 0.0.44.dev20260713+nightly
codegen_flags: <defaults>
</compile_context>

<pallas_src>
import functools

import jax
import jax.numpy as jnp
from jax import lax
from jax.experimental import pallas as pl
from jax.experimental.pallas import tpu as pltpu
from jax.experimental.pallas import tpu_sc as plsc

N = 10000
E = 320000
D = 128
G = 64

NC = 2
NS = 16
NW = NC * NS

EPW = E // NW
CHUNK = 80
NITER = EPW // CHUNK

NPAD = 10240
ROWS_PER_TILE = NPAD // NS
ZCH = 128
DEG_PAD = NPAD
DEG_PER_TILE = DEG_PAD // NS

TCB = 512
TCG = NPAD // TCB

_mesh = plsc.VectorSubcoreMesh(core_axis_name="c", subcore_axis_name="s")


@functools.partial(
    pl.kernel,
    out_type=jax.ShapeDtypeStruct((2 * DEG_PAD,), jnp.float32),
    mesh=_mesh,
    compiler_params=pltpu.CompilerParams(needs_layout_passes=False),
    scratch_types=[
        pltpu.VMEM((EPW,), jnp.int32),
        pltpu.VMEM((DEG_PAD,), jnp.float32),
        pltpu.VMEM((NS, DEG_PER_TILE), jnp.float32),
        pltpu.VMEM((DEG_PER_TILE,), jnp.float32),
        pltpu.VMEM_SHARED((NS, DEG_PAD), jnp.float32),
    ],
)
def _deg_kernel(dst_hbm, out_hbm, dstv, hist, segs, degv, hist_sp):
    c = lax.axis_index("c")
    s = lax.axis_index("s")
    w = c * NS + s

    one = jnp.full((16,), 1.0, jnp.float32)
    zero = jnp.zeros((16,), jnp.float32)

    def zfill(i, _):
        hist[pl.ds(i * 16, 16)] = zero
        return 0
    lax.fori_loop(0, DEG_PAD // 16, zfill, 0)

    pltpu.sync_copy(dst_hbm.at[pl.ds(w * EPW, EPW)], dstv)

    def hbody(i, _):
        idx = dstv[pl.ds(i * 16, 16)]
        plsc.addupdate_scatter(hist, [idx], one)
        return 0
    lax.fori_loop(0, EPW // 16, hbody, 0)

    pltpu.sync_copy(hist, hist_sp.at[s])
    plsc.subcore_barrier()
    pltpu.sync_copy(
        hist_sp.at[pl.ds(0, NS), pl.ds(s * DEG_PER_TILE, DEG_PER_TILE)],
        segs)

    def sbody(j, _):
        a = segs[0, pl.ds(j * 16, 16)]
        for t in range(1, NS):
            a = a + segs[t, pl.ds(j * 16, 16)]
        degv[pl.ds(j * 16, 16)] = a
        return 0
    lax.fori_loop(0, DEG_PER_TILE // 16, sbody, 0)

    pltpu.sync_copy(
        degv,
        out_hbm.at[pl.ds(c * DEG_PAD + s * DEG_PER_TILE, DEG_PER_TILE)],
    )


@functools.partial(
    pl.kernel,
    out_type=jax.ShapeDtypeStruct((2 * NPAD, D), jnp.float32),
    mesh=_mesh,
    scratch_types=[
        pltpu.VMEM((EPW,), jnp.int32),
        pltpu.VMEM((CHUNK,), jnp.int32),
        pltpu.VMEM((CHUNK,), jnp.int32),
        pltpu.VMEM((CHUNK,), jnp.int32),
        pltpu.VMEM((CHUNK, D), jnp.float32),
        pltpu.VMEM((CHUNK, D), jnp.float32),
        pltpu.VMEM((CHUNK, D), jnp.float32),
        pltpu.VMEM_SHARED((NPAD, D), jnp.float32),
        pltpu.SemaphoreType.DMA,
        pltpu.SemaphoreType.DMA,
        pltpu.SemaphoreType.DMA,
        pltpu.SemaphoreType.DMA,
        pltpu.SemaphoreType.DMA,
        pltpu.SemaphoreType.DMA,
    ],
)
def _agg_kernel(table_hbm, src_hbm, dst_hbm, out_hbm,
                srcv, db0, db1, db2, rows0, rows1, rows2, acc,
                gs0, gs1, gs2, ds0, ds1, ds2):
    c = lax.axis_index("c")
    s = lax.axis_index("s")
    w = c * NS + s

    zero = jnp.zeros((16,), jnp.float32)

    def zfill(i, _):
        for j in range(D // 16):
            rows0[i, pl.ds(j * 16, 16)] = zero
        return 0
    lax.fori_loop(0, CHUNK, zfill, 0)

    pltpu.sync_copy(src_hbm.at[pl.ds(w * EPW, EPW)], srcv)

    r0 = s * ROWS_PER_TILE
    for j in range(ROWS_PER_TILE // CHUNK):
        pltpu.sync_copy(rows0, acc.at[pl.ds(r0 + j * CHUNK, CHUNK)])
    plsc.subcore_barrier()

    rows = (rows0, rows1, rows2)
    db = (db0, db1, db2)
    gsem = (gs0, gs1, gs2)
    dsem = (ds0, ds1, ds2)
    ebase = w * EPW

    def gather(q, b):
        pltpu.async_copy(
            table_hbm.at[srcv.at[pl.ds(q * CHUNK, CHUNK)]], rows[b], gsem[b])

    def didx(q, b):
        pltpu.async_copy(
            dst_hbm.at[pl.ds(ebase + q * CHUNK, CHUNK)], db[b], dsem[b])

    def consume(q, b):
        pltpu.make_async_copy(
            table_hbm.at[srcv.at[pl.ds(q * CHUNK, CHUNK)]],
            rows[b], gsem[b]).wait()
        pltpu.make_async_copy(
            dst_hbm.at[pl.ds(ebase + q * CHUNK, CHUNK)], db[b],
            dsem[b]).wait()
        pltpu.sync_copy(rows[b], acc.at[db[b]], add=True)

    for b in range(2):
        didx(b, b)
        gather(b, b)

    def body(p, _):
        for b in range(3):
            q = 3 * p + b
            nb = (b + 2) % 3
            didx(q + 2, nb)
            gather(q + 2, nb)
            consume(q, b)
        return 0
    lax.fori_loop(0, (NITER - 2) // 3, body, 0)

    consume(NITER - 2, (NITER - 2) % 3)
    consume(NITER - 1, (NITER - 1) % 3)

    plsc.subcore_barrier()
    pltpu.sync_copy(
        acc.at[pl.ds(r0, ROWS_PER_TILE)],
        out_hbm.at[pl.ds(c * NPAD + r0, ROWS_PER_TILE)],
    )


def _tc1_body(x_ref, w_ref, d0_ref, d1_ref, xs_ref, dinv_ref):
    deg = d0_ref[...] + d1_ref[...] + 1.0
    dv = lax.rsqrt(deg)
    xw = jnp.dot(x_ref[...], w_ref[...], preferred_element_type=jnp.float32)
    xs_ref[...] = dv * xw
    dinv_ref[...] = dv


def _tc2_body(a0_ref, a1_ref, xs1_ref, dinv_ref, w_ref, b_ref, xs2_ref):
    dv = dinv_ref[...]
    h = dv * (a0_ref[...] + a1_ref[...] + xs1_ref[...]) + b_ref[...]
    h = jnp.maximum(h, 0.0)
    xs2_ref[...] = dv * jnp.dot(h, w_ref[...],
                                preferred_element_type=jnp.float32)


def _tc3_body(a0_ref, a1_ref, xs2_ref, dinv_ref, b_ref, batch_ref,
              pool_ref, cnt_ref):
    i = pl.program_id(0)
    dv = dinv_ref[...]
    out = dv * (a0_ref[...] + a1_ref[...] + xs2_ref[...]) + b_ref[...]

    b_row = batch_ref[0]
    gids = lax.broadcasted_iota(jnp.int32, (G, TCB), 0)
    oht = (gids == b_row).astype(jnp.float32)

    ps = jnp.dot(oht, out, preferred_element_type=jnp.float32)
    cs = jnp.dot(oht, jnp.ones_like(out), preferred_element_type=jnp.float32)

    @pl.when(i == 0)
    def _():
        pool_ref[...] = jnp.zeros_like(pool_ref)
        cnt_ref[...] = jnp.zeros_like(cnt_ref)

    pool_ref[...] += ps
    cnt_ref[...] += cs

    @pl.when(i == TCG - 1)
    def _():
        pool_ref[...] = pool_ref[...] / jnp.maximum(cnt_ref[...], 1.0)


def _rowspec():
    return pl.BlockSpec((TCB, D), lambda i: (i, 0))


def _half2spec():
    return pl.BlockSpec((TCB, D), lambda i: (NPAD // TCB + i, 0))


def _colspec():
    return pl.BlockSpec((TCB, 1), lambda i: (i, 0))


def _fullspec(shape):
    nd = len(shape)
    return pl.BlockSpec(shape, lambda i: (0,) * nd)


def kernel(x, edge_index, batch, W1, b1, W2, b2):
    src = edge_index[0]
    dst = edge_index[1]
    x_pad = jnp.pad(x, ((0, NPAD - N), (0, 0)))
    batch3 = jnp.pad(batch, (0, NPAD - N),
                     constant_values=G).reshape(TCG, 1, TCB)

    deg2 = _deg_kernel(dst)
    d0 = deg2[:DEG_PAD].reshape(DEG_PAD, 1)
    d1 = deg2[DEG_PAD:].reshape(DEG_PAD, 1)

    b1r = b1.reshape(1, D)
    b2r = b2.reshape(1, D)

    xs1, dinv = pl.pallas_call(
        _tc1_body,
        grid=(TCG,),
        in_specs=[_rowspec(), _fullspec((D, D)), _colspec(), _colspec()],
        out_specs=[_rowspec(), _colspec()],
        out_shape=[
            jax.ShapeDtypeStruct((NPAD, D), jnp.float32),
            jax.ShapeDtypeStruct((NPAD, 1), jnp.float32),
        ],
    )(x_pad, W1, d0, d1)

    agg1 = _agg_kernel(xs1, src, dst)

    xs2 = pl.pallas_call(
        _tc2_body,
        grid=(TCG,),
        in_specs=[_rowspec(), _half2spec(), _rowspec(), _colspec(),
                  _fullspec((D, D)), _fullspec((1, D))],
        out_specs=_rowspec(),
        out_shape=jax.ShapeDtypeStruct((NPAD, D), jnp.float32),
    )(agg1, agg1, xs1, dinv, W2, b1r)

    agg2 = _agg_kernel(xs2, src, dst)

    pooled = pl.pallas_call(
        _tc3_body,
        grid=(TCG,),
        in_specs=[_rowspec(), _half2spec(), _rowspec(), _colspec(),
                  _fullspec((1, D)),
                  pl.BlockSpec((1, 1, TCB), lambda i: (i, 0, 0))],
        out_specs=pl.BlockSpec((G, D), lambda i: (0, 0)),
        out_shape=jax.ShapeDtypeStruct((G, D), jnp.float32),
        scratch_shapes=[pltpu.VMEM((G, D), jnp.float32)],
    )(agg2, agg2, xs2, dinv, b2r, batch3)

    return pooled

# --- scband reference (transcript-rebuilt; emitter-appended) ---
"""Pipeline reference for scband-graph-encoder-28939489640781 (READ-ONLY COPY).

The authoritative reference and input builder live on the scoring server;
editing this copy changes nothing except your own understanding.
"""

import jax, jax.numpy as jnp
import numpy as np

N = 10000
E = 320000
D_IN = 128
D_HID = 128
D_OUT = 128
G = 64


def setup_inputs(seed: int = 0) -> dict:
    key = jax.random.key(seed)
    ks = jax.random.split(key, 8)
    x = jax.random.normal(ks[0], (N, D_IN), dtype=jnp.float32)
    edge_index = jax.random.randint(ks[1], (2, E), 0, N, dtype=jnp.int32)
    batch = jnp.sort(jax.random.randint(ks[2], (N,), 0, G, dtype=jnp.int32))
    W1 = jax.random.normal(ks[3], (D_IN, D_HID), dtype=jnp.float32) * (1.0 / np.sqrt(D_IN))
    b1 = jnp.zeros((D_HID,), dtype=jnp.float32)
    W2 = jax.random.normal(ks[4], (D_HID, D_OUT), dtype=jnp.float32) * (1.0 / np.sqrt(D_HID))
    b2 = jnp.zeros((D_OUT,), dtype=jnp.float32)
    return {"x": x, "edge_index": edge_index, "batch": batch, "W1": W1, "b1": b1, "W2": W2, "b2": b2}


def _gcn_conv(x, edge_index, W, b):
    # GCNConv: x' = D^{-1/2} (A + I) D^{-1/2} X W + b
    src = edge_index[0]
    dst = edge_index[1]
    loop = jnp.arange(N, dtype=src.dtype)
    src = jnp.concatenate([src, loop])
    dst = jnp.concatenate([dst, loop])
    deg = jnp.zeros((N,), dtype=x.dtype).at[dst].add(1.0)
    dinv = jnp.where(deg > 0, 1.0 / jnp.sqrt(deg), 0.0)
    norm = dinv[src] * dinv[dst]
    xw = x @ W
    msg = jnp.take(xw, src, axis=0) * norm[:, None]
    out = jnp.zeros((N, W.shape[1]), dtype=x.dtype).at[dst].add(msg)
    return out + b


def _global_mean_pool(h, batch):
    s = jax.ops.segment_sum(h, batch, num_segments=G)
    cnt = jax.ops.segment_sum(jnp.ones((N, 1), dtype=h.dtype), batch, num_segments=G)
    return s / jnp.maximum(cnt, 1.0)


def reference(x, edge_index, batch, W1, b1, W2, b2):
    h = jax.nn.relu(_gcn_conv(x, edge_index, W1, b1))
    h = _gcn_conv(h, edge_index, W2, b2)
    return _global_mean_pool(h, batch)

if __name__ == "__main__":
    import jax
    _d = setup_inputs()
    print(jax.jit(kernel)(*tuple(_d.values())))

</pallas_src>

<mosaic_0001>
#map = affine_map<(d0, d1) -> (0)>
module attributes {stable_mosaic.version = 14 : i64} {
  func.func @_deg_kernel(%arg0: i32, %arg1: i32, %arg2: memref<320000xi32, #tpu.memory_space<hbm>>, %arg3: memref<20480xf32, #tpu.memory_space<hbm>>, %arg4: memref<10000xi32, #tpu.memory_space<vmem>>, %arg5: memref<10240xf32, #tpu.memory_space<vmem>>, %arg6: memref<16x640xf32, #tpu.memory_space<vmem>>, %arg7: memref<640xf32, #tpu.memory_space<vmem>>, %arg8: memref<16x10240xf32, #tpu.memory_space<vmem_shared>>) attributes {dimension_semantics = [#tpu.dimension_semantics<core_parallel>, #tpu.dimension_semantics<subcore_parallel>], iteration_bounds = array<i64: 2, 16>, scalar_prefetch = 0 : i64, scratch_operands = 5 : i64, tpu.core_type = #tpu.core_type<sc_vector_subcore>, window_params = [{transform_indices = #map}, {transform_indices = #map}]} {
    %mul3A = arith.constant 16 : i32
    %mul3A_0 = arith.muli %arg0, %mul3A : i32
    %add3A = arith.addi %mul3A_0, %arg1 : i32
    %broadcast_in_dim3A = arith.constant 1.000000e+00 : f32
    %broadcast_in_dim3A_1 = vector.broadcast %broadcast_in_dim3A : f32 to vector<16xf32>
    %broadcast_in_dim3A_2 = arith.constant 0.000000e+00 : f32
    %broadcast_in_dim3A_3 = vector.broadcast %broadcast_in_dim3A_2 : f32 to vector<16xf32>
    %scan3A = arith.constant 0 : i32
    %scan3A_4 = arith.constant 0 : i32
    %scan3A_5 = arith.constant 640 : i32
    %scan3A_6 = arith.addi %scan3A_4, %scan3A_5 : i32
    %scan3A_7 = arith.constant 1 : i32
    %scan3A_8 = scf.for %scan3A_33 = %scan3A_4 to %scan3A_6 step %scan3A_7 iter_args(%scan3A_34 = %scan3A) -> (i32)  : i32 {
      %mul3A_35 = arith.constant 16 : i32
      %mul3A_36 = arith.muli %scan3A_33, %mul3A_35 : i32
      %swap3A = arith.index_cast %mul3A_36 : i32 to index
      %swap3A_37 = tpu.vector_load %arg5[%swap3A] {strides = array<i32>} : memref<10240xf32, #tpu.memory_space<vmem>>, vector<16xf32>,
      tpu.vector_store %arg5[%swap3A], %broadcast_in_dim3A_3 {strides = array<i32>} : memref<10240xf32, #tpu.memory_space<vmem>>, vector<16xf32>,
      %scan3A_38 = arith.constant 0 : i32
      scf.yield %scan3A_38 : i32
    }
    %scan3A_9 = arith.constant 640 : i32
    %mul3A_10 = arith.constant 10000 : i32
    %mul3A_11 = arith.muli %add3A, %mul3A_10 : i32
    "tpu.region"() ({
      %run_scoped3A = tpu.sem_alloc : memref<!tpu.dma_semaphore, #tpu.memory_space<semaphore_mem>>
      %dma_start3A = tpu.memref_slice %arg2[%mul3A_11] : memref<320000xi32, #tpu.memory_space<hbm>> -> memref<10000xi32, #tpu.memory_space<hbm>>
      %dma_start3A_33 = tpu.memref_slice %arg2[%mul3A_11] : memref<320000xi32, #tpu.memory_space<hbm>> -> memref<10000xi32, #tpu.memory_space<hbm>>
      tpu.enqueue_dma source(%dma_start3A_33 : memref<10000xi32, #tpu.memory_space<hbm>>) target(%arg4 : memref<10000xi32, #tpu.memory_space<vmem>>) target_semaphore(%run_scoped3A : memref<!tpu.dma_semaphore, #tpu.memory_space<semaphore_mem>>)
      %dma_wait3A = tpu.memref_slice %arg2[%mul3A_11] : memref<320000xi32, #tpu.memory_space<hbm>> -> memref<10000xi32, #tpu.memory_space<hbm>>
      %dma_wait3A_34 = tpu.memref_slice %arg2[%mul3A_11] : memref<320000xi32, #tpu.memory_space<hbm>> -> memref<10000xi32, #tpu.memory_space<hbm>>
      tpu.wait_dma2 semaphore(%run_scoped3A : memref<!tpu.dma_semaphore, #tpu.memory_space<semaphore_mem>>) src(%dma_wait3A_34 : memref<10000xi32, #tpu.memory_space<hbm>>) dst(%arg4 : memref<10000xi32, #tpu.memory_space<vmem>>)
      tpu.yield
    }) : () -> ()
    %scan3A_12 = arith.constant 0 : i32
    %scan3A_13 = arith.constant 0 : i32
    %scan3A_14 = arith.constant 625 : i32
    %scan3A_15 = arith.addi %scan3A_13, %scan3A_14 : i32
    %scan3A_16 = arith.constant 1 : i32
    %scan3A_17 = scf.for %scan3A_33 = %scan3A_13 to %scan3A_15 step %scan3A_16 iter_args(%scan3A_34 = %scan3A_12) -> (i32)  : i32 {
      %mul3A_35 = arith.constant 16 : i32
      %mul3A_36 = arith.muli %scan3A_33, %mul3A_35 : i32
      %get3A = arith.index_cast %mul3A_36 : i32 to index
      %get3A_37 = tpu.vector_load %arg4[%get3A] {strides = array<i32>} : memref<10000xi32, #tpu.memory_space<vmem>>, vector<16xi32>,
      tpu.vector_store_idx %arg5[%get3A_37], %broadcast_in_dim3A_1 {add = true} : memref<10240xf32, #tpu.memory_space<vmem>>[vector<16xi32>], vector<16xf32>,
      %scan3A_38 = arith.constant 0 : i32
      scf.yield %scan3A_38 : i32
    }
    %scan3A_18 = arith.constant 625 : i32
    "tpu.region"() ({
      %run_scoped3A = tpu.sem_alloc : memref<!tpu.dma_semaphore, #tpu.memory_space<semaphore_mem>>
      %dma_start3A = arith.constant 0 : i32
      %dma_start3A_33 = tpu.memref_slice %arg8[%arg1, %dma_start3A] : memref<16x10240xf32, #tpu.memory_space<vmem_shared>> -> memref<1x10240xf32, #tpu.memory_space<vmem_shared>>
      %dma_start3A_34 = tpu.memref_squeeze %dma_start3A_33 : memref<1x10240xf32, #tpu.memory_space<vmem_shared>> -> memref<10240xf32, #tpu.memory_space<vmem_shared>>
      %dma_start3A_35 = arith.constant 0 : i32
      %dma_start3A_36 = tpu.memref_slice %arg8[%arg1, %dma_start3A_35] : memref<16x10240xf32, #tpu.memory_space<vmem_shared>> -> memref<1x10240xf32, #tpu.memory_space<vmem_shared>>
      %dma_start3A_37 = tpu.memref_squeeze %dma_start3A_36 : memref<1x10240xf32, #tpu.memory_space<vmem_shared>> -> memref<10240xf32, #tpu.memory_space<vmem_shared>>
      tpu.enqueue_dma source(%arg5 : memref<10240xf32, #tpu.memory_space<vmem>>) target(%dma_start3A_37 : memref<10240xf32, #tpu.memory_space<vmem_shared>>) target_semaphore(%run_scoped3A : memref<!tpu.dma_semaphore, #tpu.memory_space<semaphore_mem>>)
      %dma_wait3A = arith.constant 0 : i32
      %dma_wait3A_38 = tpu.memref_slice %arg8[%arg1, %dma_wait3A] : memref<16x10240xf32, #tpu.memory_space<vmem_shared>> -> memref<1x10240xf32, #tpu.memory_space<vmem_shared>>
      %dma_wait3A_39 = tpu.memref_squeeze %dma_wait3A_38 : memref<1x10240xf32, #tpu.memory_space<vmem_shared>> -> memref<10240xf32, #tpu.memory_space<vmem_shared>>
      %dma_wait3A_40 = arith.constant 0 : i32
      %dma_wait3A_41 = tpu.memref_slice %arg8[%arg1, %dma_wait3A_40] : memref<16x10240xf32, #tpu.memory_space<vmem_shared>> -> memref<1x10240xf32, #tpu.memory_space<vmem_shared>>
      %dma_wait3A_42 = tpu.memref_squeeze %dma_wait3A_41 : memref<1x10240xf32, #tpu.memory_space<vmem_shared>> -> memref<10240xf32, #tpu.memory_space<vmem_shared>>
      tpu.wait_dma2 semaphore(%run_scoped3A : memref<!tpu.dma_semaphore, #tpu.memory_space<semaphore_mem>>) src(%arg5 : memref<10240xf32, #tpu.memory_space<vmem>>) dst(%dma_wait3A_42 : memref<10240xf32, #tpu.memory_space<vmem_shared>>)
      tpu.yield
    }) : () -> ()
    %barrier3A = arith.constant 0 : index
    tpu.barrier barrier_id(%barrier3A)
    %mul3A_19 = arith.constant 640 : i32
    %mul3A_20 = arith.muli %arg1, %mul3A_19 : i32
    "tpu.region"() ({
      %run_scoped3A = tpu.sem_alloc : memref<!tpu.dma_semaphore, #tpu.memory_space<semaphore_mem>>
      %dma_start3A = arith.constant 0 : i32
      %dma_start3A_33 = tpu.memref_slice %arg8[%dma_start3A, %mul3A_20] : memref<16x10240xf32, #tpu.memory_space<vmem_shared>> -> memref<16x640xf32, #tpu.memory_space<vmem_shared>>
      %dma_start3A_34 = arith.constant 0 : i32
      %dma_start3A_35 = tpu.memref_slice %arg8[%dma_start3A_34, %mul3A_20] : memref<16x10240xf32, #tpu.memory_space<vmem_shared>> -> memref<16x640xf32, #tpu.memory_space<vmem_shared>>
      tpu.enqueue_dma source(%dma_start3A_35 : memref<16x640xf32, #tpu.memory_space<vmem_shared>>) target(%arg6 : memref<16x640xf32, #tpu.memory_space<vmem>>) target_semaphore(%run_scoped3A : memref<!tpu.dma_semaphore, #tpu.memory_space<semaphore_mem>>)
      %dma_wait3A = arith.constant 0 : i32
      %dma_wait3A_36 = tpu.memref_slice %arg8[%dma_wait3A, %mul3A_20] : memref<16x10240xf32, #tpu.memory_space<vmem_shared>> -> memref<16x640xf32, #tpu.memory_space<vmem_shared>>
      %dma_wait3A_37 = arith.constant 0 : i32
      %dma_wait3A_38 = tpu.memref_slice %arg8[%dma_wait3A_37, %mul3A_20] : memref<16x10240xf32, #tpu.memory_space<vmem_shared>> -> memref<16x640xf32, #tpu.memory_space<vmem_shared>>
      tpu.wait_dma2 semaphore(%run_scoped3A : memref<!tpu.dma_semaphore, #tpu.memory_space<semaphore_mem>>) src(%dma_wait3A_38 : memref<16x640xf32, #tpu.memory_space<vmem_shared>>) dst(%arg6 : memref<16x640xf32, #tpu.memory_space<vmem>>)
      tpu.yield
    }) : () -> ()
    %scan3A_21 = arith.constant 0 : i32
    %scan3A_22 = arith.constant 0 : i32
    %scan3A_23 = arith.constant 40 : i32
    %scan3A_24 = arith.addi %scan3A_22, %scan3A_23 : i32
    %scan3A_25 = arith.constant 1 : i32
    %scan3A_26 = scf.for %scan3A_33 = %scan3A_22 to %scan3A_24 step %scan3A_25 iter_args(%scan3A_34 = %scan3A_21) -> (i32)  : i32 {
      %mul3A_35 = arith.constant 16 : i32
      %mul3A_36 = arith.muli %scan3A_33, %mul3A_35 : i32
      %get3A = arith.constant 0 : i32
      %get3A_37 = arith.index_cast %get3A : i32 to index
      %get3A_38 = arith.index_cast %mul3A_36 : i32 to index
      %get3A_39 = tpu.vector_load %arg6[%get3A_37, %get3A_38] {strides = array<i32>} : memref<16x640xf32, #tpu.memory_space<vmem>>, vector<16xf32>,
      %mul3A_40 = arith.constant 16 : i32
      %mul3A_41 = arith.muli %scan3A_33, %mul3A_40 : i32
      %get3A_42 = arith.constant 1 : i32
      %get3A_43 = arith.index_cast %get3A_42 : i32 to index
      %get3A_44 = arith.index_cast %mul3A_41 : i32 to index
      %get3A_45 = tpu.vector_load %arg6[%get3A_43, %get3A_44] {strides = array<i32>} : memref<16x640xf32, #tpu.memory_space<vmem>>, vector<16xf32>,
      %add3A_46 = arith.addf %get3A_39, %get3A_45 : vector<16xf32>
      %mul3A_47 = arith.constant 16 : i32
      %mul3A_48 = arith.muli %scan3A_33, %mul3A_47 : i32
      %get3A_49 = arith.constant 2 : i32
      %get3A_50 = arith.index_cast %get3A_49 : i32 to index
      %get3A_51 = arith.index_cast %mul3A_48 : i32 to index
      %get3A_52 = tpu.vector_load %arg6[%get3A_50, %get3A_51] {strides = array<i32>} : memref<16x640xf32, #tpu.memory_space<vmem>>, vector<16xf32>,
      %add3A_53 = arith.addf %add3A_46, %get3A_52 : vector<16xf32>
      %mul3A_54 = arith.constant 16 : i32
      %mul3A_55 = arith.muli %scan3A_33, %mul3A_54 : i32
      %get3A_56 = arith.constant 3 : i32
      %get3A_57 = arith.index_cast %get3A_56 : i32 to index
      %get3A_58 = arith.index_cast %mul3A_55 : i32 to index
      %get3A_59 = tpu.vector_load %arg6[%get3A_57, %get3A_58] {strides = array<i32>} : memref<16x640xf32, #tpu.memory_space<vmem>>, vector<16xf32>,
      %add3A_60 = arith.addf %add3A_53, %get3A_59 : vector<16xf32>
      %mul3A_61 = arith.constant 16 : i32
      %mul3A_62 = arith.muli %scan3A_33, %mul3A_61 : i32
      %get3A_63 = arith.constant 4 : i32
      %get3A_64 = arith.index_cast %get3A_63 : i32 to index
      %get3A_65 = arith.index_cast %mul3A_62 : i32 to index
      %get3A_66 = tpu.vector_load %arg6[%get3A_64, %get3A_65] {strides = array<i32>} : memref<16x640xf32, #tpu.memory_space<vmem>>, vector<16xf32>,
      %add3A_67 = arith.addf %add3A_60, %get3A_66 : vector<16xf32>
      %mul3A_68 = arith.constant 16 : i32
      %mul3A_69 = arith.muli %scan3A_33, %mul3A_68 : i32
      %get3A_70 = arith.constant 5 : i32
      %get3A_71 = arith.index_cast %get3A_70 : i32 to index
      %get3A_72 = arith.index_cast %mul3A_69 : i32 to index
      %get3A_73 = tpu.vector_load %arg6[%get3A_71, %get3A_72] {strides = array<i32>} : memref<16x640xf32, #tpu.memory_space<vmem>>, vector<16xf32>,
      %add3A_74 = arith.addf %add3A_67, %get3A_73 : vector<16xf32>
      %mul3A_75 = arith.constant 16 : i32
      %mul3A_76 = arith.muli %scan3A_33, %mul3A_75 : i32
      %get3A_77 = arith.constant 6 : i32
      %get3A_78 = arith.index_cast %get3A_77 : i32 to index
      %get3A_79 = arith.index_cast %mul3A_76 : i32 to index
      %get3A_80 = tpu.vector_load %arg6[%get3A_78, %get3A_79] {strides = array<i32>} : memref<16x640xf32, #tpu.memory_space<vmem>>, vector<16xf32>,
      %add3A_81 = arith.addf %add3A_74, %get3A_80 : vector<16xf32>
      %mul3A_82 = arith.constant 16 : i32
      %mul3A_83 = arith.muli %scan3A_33, %mul3A_82 : i32
      %get3A_84 = arith.constant 7 : i32
      %get3A_85 = arith.index_cast %get3A_84 : i32 to index
      %get3A_86 = arith.index_cast %mul3A_83 : i32 to index
      %get3A_87 = tpu.vector_load %arg6[%get3A_85, %get3A_86] {strides = array<i32>} : memref<16x640xf32, #tpu.memory_space<vmem>>, vector<16xf32>,
      %add3A_88 = arith.addf %add3A_81, %get3A_87 : vector<16xf32>
      %mul3A_89 = arith.constant 16 : i32
      %mul3A_90 = arith.muli %scan3A_33, %mul3A_89 : i32
      %get3A_91 = arith.constant 8 : i32
      %get3A_92 = arith.index_cast %get3A_91 : i32 to index
      %get3A_93 = arith.index_cast %mul3A_90 : i32 to index
      %get3A_94 = tpu.vector_load %arg6[%get3A_92, %get3A_93] {strides = array<i32>} : memref<16x640xf32, #tpu.memory_space<vmem>>, vector<16xf32>,
      %add3A_95 = arith.addf %add3A_88, %get3A_94 : vector<16xf32>
      %mul3A_96 = arith.constant 16 : i32
      %mul3A_97 = arith.muli %scan3A_33, %mul3A_96 : i32
      %get3A_98 = arith.constant 9 : i32
      %get3A_99 = arith.index_cast %get3A_98 : i32 to index
      %get3A_100 = arith.index_cast %mul3A_97 : i32 to index
      %get3A_101 = tpu.vector_load %arg6[%get3A_99, %get3A_100] {strides = array<i32>} : memref<16x640xf32, #tpu.memory_space<vmem>>, vector<16xf32>,
      %add3A_102 = arith.addf %add3A_95, %get3A_101 : vector<16xf32>
      %mul3A_103 = arith.constant 16 : i32
      %mul3A_104 = arith.muli %scan3A_33, %mul3A_103 : i32
      %get3A_105 = arith.constant 10 : i32
      %get3A_106 = arith.index_cast %get3A_105 : i32 to index
      %get3A_107 = arith.index_cast %mul3A_104 : i32 to index
      %get3A_108 = tpu.vector_load %arg6[%get3A_106, %get3A_107] {strides = array<i32>} : memref<16x640xf32, #tpu.memory_space<vmem>>, vector<16xf32>,
      %add3A_109 = arith.addf %add3A_102, %get3A_108 : vector<16xf32>
      %mul3A_110 = arith.constant 16 : i32
      %mul3A_111 = arith.muli %scan3A_33, %mul3A_110 : i32
      %get3A_112 = arith.constant 11 : i32
      %get3A_113 = arith.index_cast %get3A_112 : i32 to index
      %get3A_114 = arith.index_cast %mul3A_111 : i32 to index
      %get3A_115 = tpu.vector_load %arg6[%get3A_113, %get3A_114] {strides = array<i32>} : memref<16x640xf32, #tpu.memory_space<vmem>>, vector<16xf32>,
      %add3A_116 = arith.addf %add3A_109, %get3A_115 : vector<16xf32>
      %mul3A_117 = arith.constant 16 : i32
      %mul3A_118 = arith.muli %scan3A_33, %mul3A_117 : i32
      %get3A_119 = arith.constant 12 : i32
      %get3A_120 = arith.index_cast %get3A_119 : i32 to index
      %get3A_121 = arith.index_cast %mul3A_118 : i32 to index
      %get3A_122 = tpu.vector_load %arg6[%get3A_120, %get3A_121] {strides = array<i32>} : memref<16x640xf32, #tpu.memory_space<vmem>>, vector<16xf32>,
      %add3A_123 = arith.addf %add3A_116, %get3A_122 : vector<16xf32>
      %mul3A_124 = arith.constant 16 : i32
      %mul3A_125 = arith.muli %scan3A_33, %mul3A_124 : i32
      %get3A_126 = arith.constant 13 : i32
      %get3A_127 = arith.index_cast %get3A_126 : i32 to index
      %get3A_128 = arith.index_cast %mul3A_125 : i32 to index
      %get3A_129 = tpu.vector_load %arg6[%get3A_127, %get3A_128] {strides = array<i32>} : memref<16x640xf32, #tpu.memory_space<vmem>>, vector<16xf32>,
      %add3A_130 = arith.addf %add3A_123, %get3A_129 : vector<16xf32>
      %mul3A_131 = arith.constant 16 : i32
      %mul3A_132 = arith.muli %scan3A_33, %mul3A_131 : i32
      %get3A_133 = arith.constant 14 : i32
      %get3A_134 = arith.index_cast %get3A_133 : i32 to index
      %get3A_135 = arith.index_cast %mul3A_132 : i32 to index
      %get3A_136 = tpu.vector_load %arg6[%get3A_134, %get3A_135] {strides = array<i32>} : memref<16x640xf32, #tpu.memory_space<vmem>>, vector<16xf32>,
      %add3A_137 = arith.addf %add3A_130, %get3A_136 : vector<16xf32>
      %mul3A_138 = arith.constant 16 : i32
      %mul3A_139 = arith.muli %scan3A_33, %mul3A_138 : i32
      %get3A_140 = arith.constant 15 : i32
      %get3A_141 = arith.index_cast %get3A_140 : i32 to index
      %get3A_142 = arith.index_cast %mul3A_139 : i32 to index
      %get3A_143 = tpu.vector_load %arg6[%get3A_141, %get3A_142] {strides = array<i32>} : memref<16x640xf32, #tpu.memory_space<vmem>>, vector<16xf32>,
      %add3A_144 = arith.addf %add3A_137, %get3A_143 : vector<16xf32>
      %mul3A_145 = arith.constant 16 : i32
      %mul3A_146 = arith.muli %scan3A_33, %mul3A_145 : i32
      %swap3A = arith.index_cast %mul3A_146 : i32 to index
      %swap3A_147 = tpu.vector_load %arg7[%swap3A] {strides = array<i32>} : memref<640xf32, #tpu.memory_space<vmem>>, vector<16xf32>,
      tpu.vector_store %arg7[%swap3A], %add3A_144 {strides = array<i32>} : memref<640xf32, #tpu.memory_space<vmem>>, vector<16xf32>,
      %scan3A_148 = arith.constant 0 : i32
      scf.yield %scan3A_148 : i32
    }
    %scan3A_27 = arith.constant 40 : i32
    %mul3A_28 = arith.constant 10240 : i32
    %mul3A_29 = arith.muli %arg0, %mul3A_28 : i32
    %mul3A_30 = arith.constant 640 : i32
    %mul3A_31 = arith.muli %arg1, %mul3A_30 : i32
    %add3A_32 = arith.addi %mul3A_29, %mul3A_31 : i32
    "tpu.region"() ({
      %run_scoped3A = tpu.sem_alloc : memref<!tpu.dma_semaphore, #tpu.memory_space<semaphore_mem>>
      %dma_start3A = tpu.memref_slice %arg3[%add3A_32] : memref<20480xf32, #tpu.memory_space<hbm>> -> memref<640xf32, #tpu.memory_space<hbm>>
      %dma_start3A_33 = tpu.memref_slice %arg3[%add3A_32] : memref<20480xf32, #tpu.memory_space<hbm>> -> memref<640xf32, #tpu.memory_space<hbm>>
      tpu.enqueue_dma source(%arg7 : memref<640xf32, #tpu.memory_space<vmem>>) target(%dma_start3A_33 : memref<640xf32, #tpu.memory_space<hbm>>) target_semaphore(%run_scoped3A : memref<!tpu.dma_semaphore, #tpu.memory_space<semaphore_mem>>)
      %dma_wait3A = tpu.memref_slice %arg3[%add3A_32] : memref<20480xf32, #tpu.memory_space<hbm>> -> memref<640xf32, #tpu.memory_space<hbm>>
      %dma_wait3A_34 = tpu.memref_slice %arg3[%add3A_32] : memref<20480xf32, #tpu.memory_space<hbm>> -> memref<640xf32, #tpu.memory_space<hbm>>
      tpu.wait_dma2 semaphore(%run_scoped3A : memref<!tpu.dma_semaphore, #tpu.memory_space<semaphore_mem>>) src(%arg7 : memref<640xf32, #tpu.memory_space<vmem>>) dst(%dma_wait3A_34 : memref<640xf32, #tpu.memory_space<hbm>>)
      tpu.yield
    }) : () -> ()
    return
  }
}

#map = affine_map<(d0, d1) -> (0, 0)>
#map1 = affine_map<(d0, d1) -> (0)>
module attributes {stable_mosaic.version = 14 : i64} {
  func.func @_agg_kernel(%arg0: i32, %arg1: i32, %arg2: memref<10240x128xf32, #tpu.memory_space<hbm>>, %arg3: memref<320000xi32, #tpu.memory_space<hbm>>, %arg4: memref<320000xi32, #tpu.memory_space<hbm>>, %arg5: memref<20480x128xf32, #tpu.memory_space<hbm>>, %arg6: memref<10000xi32, #tpu.memory_space<vmem>>, %arg7: memref<80xi32, #tpu.memory_space<vmem>>, %arg8: memref<80xi32, #tpu.memory_space<vmem>>, %arg9: memref<80xi32, #tpu.memory_space<vmem>>, %arg10: memref<80x128xf32, #tpu.memory_space<vmem>>, %arg11: memref<80x128xf32, #tpu.memory_space<vmem>>, %arg12: memref<80x128xf32, #tpu.memory_space<vmem>>, %arg13: memref<10240x128xf32, #tpu.memory_space<vmem_shared>>, %arg14: memref<!tpu.dma_semaphore, #tpu.memory_space<semaphore_mem>>, %arg15: memref<!tpu.dma_semaphore, #tpu.memory_space<semaphore_mem>>, %arg16: memref<!tpu.dma_semaphore, #tpu.memory_space<semaphore_mem>>, %arg17: memref<!tpu.dma_semaphore, #tpu.memory_space<semaphore_mem>>, %arg18: memref<!tpu.dma_semaphore, #tpu.memory_space<semaphore_mem>>, %arg19: memref<!tpu.dma_semaphore, #tpu.memory_space<semaphore_mem>>) attributes {dimension_semantics = [#tpu.dimension_semantics<core_parallel>, #tpu.dimension_semantics<subcore_parallel>], iteration_bounds = array<i64: 2, 16>, scalar_prefetch = 0 : i64, scratch_operands = 14 : i64, tpu.core_type = #tpu.core_type<sc_vector_subcore>, window_params = [{transform_indices = #map}, {transform_indices = #map1}, {transform_indices = #map1}, {transform_indices = #map}]} {
    %mul3A = arith.constant 16 : i32
    %mul3A_0 = arith.muli %arg0, %mul3A : i32
    %add3A = arith.addi %mul3A_0, %arg1 : i32
    %broadcast_in_dim3A = arith.constant 0.000000e+00 : f32
    %broadcast_in_dim3A_1 = vector.broadcast %broadcast_in_dim3A : f32 to vector<16xf32>
    %scan3A = arith.constant 0 : i32
    %scan3A_2 = arith.constant 0 : i32
    %scan3A_3 = arith.constant 80 : i32
    %scan3A_4 = arith.addi %scan3A_2, %scan3A_3 : i32
    %scan3A_5 = arith.constant 1 : i32
    %scan3A_6 = scf.for %scan3A_75 = %scan3A_2 to %scan3A_4 step %scan3A_5 iter_args(%scan3A_76 = %scan3A) -> (i32)  : i32 {
      %swap3A = arith.index_cast %scan3A_75 : i32 to index
      %swap3A_77 = arith.constant 0 : index
      %swap3A_78 = tpu.vector_load %arg10[%swap3A, %swap3A_77] {strides = array<i32>} : memref<80x128xf32, #tpu.memory_space<vmem>>, vector<1x16xf32>,
      %swap3A_79 = vector.shape_cast %swap3A_78 : vector<1x16xf32> to vector<16xf32>
      %swap3A_80 = vector.shape_cast %broadcast_in_dim3A_1 : vector<16xf32> to vector<1x16xf32>
      tpu.vector_store %arg10[%swap3A, %swap3A_77], %swap3A_80 {strides = array<i32>} : memref<80x128xf32, #tpu.memory_space<vmem>>, vector<1x16xf32>,
      %swap3A_81 = arith.index_cast %scan3A_75 : i32 to index
      %swap3A_82 = arith.constant 16 : index
      %swap3A_83 = tpu.vector_load %arg10[%swap3A_81, %swap3A_82] {strides = array<i32>} : memref<80x128xf32, #tpu.memory_space<vmem>>, vector<1x16xf32>,
      %swap3A_84 = vector.shape_cast %swap3A_83 : vector<1x16xf32> to vector<16xf32>
      %swap3A_85 = vector.shape_cast %broadcast_in_dim3A_1 : vector<16xf32> to vector<1x16xf32>
      tpu.vector_store %arg10[%swap3A_81, %swap3A_82], %swap3A_85 {strides = array<i32>} : memref<80x128xf32, #tpu.memory_space<vmem>>, vector<1x16xf32>,
      %swap3A_86 = arith.index_cast %scan3A_75 : i32 to index
      %swap3A_87 = arith.constant 32 : index
      %swap3A_88 = tpu.vector_load %arg10[%swap3A_86, %swap3A_87] {strides = array<i32>} : memref<80x128xf32, #tpu.memory_space<vmem>>, vector<1x16xf32>,
      %swap3A_89 = vector.shape_cast %swap3A_88 : vector<1x16xf32> to vector<16xf32>
      %swap3A_90 = vector.shape_cast %broadcast_in_dim3A_1 : vector<16xf32> to vector<1x16xf32>
      tpu.vector_store %arg10[%swap3A_86, %swap3A_87], %swap3A_90 {strides = array<i32>} : memref<80x128xf32, #tpu.memory_space<vmem>>, vector<1x16xf32>,
      %swap3A_91 = arith.index_cast %scan3A_75 : i32 to index
      %swap3A_92 = arith.constant 48 : index
      %swap3A_93 = tpu.vector_load %arg10[%swap3A_91, %swap3A_92] {strides = array<i32>} : memref<80x128xf32, #tpu.memory_space<vmem>>, vector<1x16xf32>,
      %swap3A_94 = vector.shape_cast %swap3A_93 : vector<1x16xf32> to vector<16xf32>
      %swap3A_95 = vector.shape_cast %broadcast_in_dim3A_1 : vector<16xf32> to vector<1x16xf32>
      tpu.vector_store %arg10[%swap3A_91, %swap3A_92], %swap3A_95 {strides = array<i32>} : memref<80x128xf32, #tpu.memory_space<vmem>>, vector<1x16xf32>,
      %swap3A_96 = arith.index_cast %scan3A_75 : i32 to index
      %swap3A_97 = arith.constant 64 : index
      %swap3A_98 = tpu.vector_load %arg10[%swap3A_96, %swap3A_97] {strides = array<i32>} : memref<80x128xf32, #tpu.memory_space<vmem>>, vector<1x16xf32>,
      %swap3A_99 = vector.shape_cast %swap3A_98 : vector<1x16xf32> to vector<16xf32>
      %swap3A_100 = vector.shape_cast %broadcast_in_dim3A_1 : vector<16xf32> to vector<1x16xf32>
      tpu.vector_store %arg10[%swap3A_96, %swap3A_97], %swap3A_100 {strides = array<i32>} : memref<80x128xf32, #tpu.memory_space<vmem>>, vector<1x16xf32>,
      %swap3A_101 = arith.index_cast %scan3A_75 : i32 to index
      %swap3A_102 = arith.constant 80 : index
      %swap3A_103 = tpu.vector_load %arg10[%swap3A_101, %swap3A_102] {strides = array<i32>} : memref<80x128xf32, #tpu.memory_space<vmem>>, vector<1x16xf32>,
      %swap3A_104 = vector.shape_cast %swap3A_103 : vector<1x16xf32> to vector<16xf32>
      %swap3A_105 = vector.shape_cast %broadcast_in_dim3A_1 : vector<16xf32> to vector<1x16xf32>
      tpu.vector_store %arg10[%swap3A_101, %swap3A_102], %swap3A_105 {strides = array<i32>} : memref<80x128xf32, #tpu.memory_space<vmem>>, vector<1x16xf32>,
      %swap3A_106 = arith.index_cast %scan3A_75 : i32 to index
      %swap3A_107 = arith.constant 96 : index
      %swap3A_108 = tpu.vector_load %arg10[%swap3A_106, %swap3A_107] {strides = array<i32>} : memref<80x128xf32, #tpu.memory_space<vmem>>, vector<1x16xf32>,
      %swap3A_109 = vector.shape_cast %swap3A_108 : vector<1x16xf32> to vector<16xf32>
      %swap3A_110 = vector.shape_cast %broadcast_in_dim3A_1 : vector<16xf32> to vector<1x16xf32>
      tpu.vector_store %arg10[%swap3A_106, %swap3A_107], %swap3A_110 {strides = array<i32>} : memref<80x128xf32, #tpu.memory_space<vmem>>, vector<1x16xf32>,
      %swap3A_111 = arith.index_cast %scan3A_75 : i32 to index
      %swap3A_112 = arith.constant 112 : index
      %swap3A_113 = tpu.vector_load %arg10[%swap3A_111, %swap3A_112] {strides = array<i32>} : memref<80x128xf32, #tpu.memory_space<vmem>>, vector<1x16xf32>,
      %swap3A_114 = vector.shape_cast %swap3A_113 : vector<1x16xf32> to vector<16xf32>
      %swap3A_115 = vector.shape_cast %broadcast_in_dim3A_1 : vector<16xf32> to vector<1x16xf32>
      tpu.vector_store %arg10[%swap3A_111, %swap3A_112], %swap3A_115 {strides = array<i32>} : memref<80x128xf32, #tpu.memory_space<vmem>>, vector<1x16xf32>,
      %scan3A_116 = arith.constant 0 : i32
      scf.yield %scan3A_116 : i32
    }
    %scan3A_7 = arith.constant 80 : i32
    %mul3A_8 = arith.constant 10000 : i32
    %mul3A_9 = arith.muli %add3A, %mul3A_8 : i32
    "tpu.region"() ({
      %run_scoped3A = tpu.sem_alloc : memref<!tpu.dma_semaphore, #tpu.memory_space<semaphore_mem>>
      %dma_start3A_75 = tpu.memref_slice %arg3[%mul3A_9] : memref<320000xi32, #tpu.memory_space<hbm>> -> memref<10000xi32, #tpu.memory_space<hbm>>
      %dma_start3A_76 = tpu.memref_slice %arg3[%mul3A_9] : memref<320000xi32, #tpu.memory_space<hbm>> -> memref<10000xi32, #tpu.memory_space<hbm>>
      tpu.enqueue_dma source(%dma_start3A_76 : memref<10000xi32, #tpu.memory_space<hbm>>) target(%arg6 : memref<10000xi32, #tpu.memory_space<vmem>>) target_semaphore(%run_scoped3A : memref<!tpu.dma_semaphore, #tpu.memory_space<semaphore_mem>>)
      %dma_wait3A_77 = tpu.memref_slice %arg3[%mul3A_9] : memref<320000xi32, #tpu.memory_space<hbm>> -> memref<10000xi32, #tpu.memory_space<hbm>>
      %dma_wait3A_78 = tpu.memref_slice %arg3[%mul3A_9] : memref<320000xi32, #tpu.memory_space<hbm>> -> memref<10000xi32, #tpu.memory_space<hbm>>
      tpu.wait_dma2 semaphore(%run_scoped3A : memref<!tpu.dma_semaphore, #tpu.memory_space<semaphore_mem>>) src(%dma_wait3A_78 : memref<10000xi32, #tpu.memory_space<hbm>>) dst(%arg6 : memref<10000xi32, #tpu.memory_space<vmem>>)
      tpu.yield
    }) : () -> ()
    %mul3A_10 = arith.constant 640 : i32
    %mul3A_11 = arith.muli %arg1, %mul3A_10 : i32
    %add3A_12 = arith.constant 0 : i32
    %add3A_13 = arith.addi %mul3A_11, %add3A_12 : i32
    "tpu.region"() ({
      %run_scoped3A = tpu.sem_alloc : memref<!tpu.dma_semaphore, #tpu.memory_space<semaphore_mem>>
      %dma_start3A_75 = arith.constant 0 : i32
      %dma_start3A_76 = tpu.memref_slice %arg13[%add3A_13, %dma_start3A_75] : memref<10240x128xf32, #tpu.memory_space<vmem_shared>> -> memref<80x128xf32, #tpu.memory_space<vmem_shared>>
      %dma_start3A_77 = arith.constant 0 : i32
      %dma_start3A_78 = tpu.memref_slice %arg13[%add3A_13, %dma_start3A_77] : memref<10240x128xf32, #tpu.memory_space<vmem_shared>> -> memref<80x128xf32, #tpu.memory_space<vmem_shared>>
      tpu.enqueue_dma source(%arg10 : memref<80x128xf32, #tpu.memory_space<vmem>>) target(%dma_start3A_78 : memref<80x128xf32, #tpu.memory_space<vmem_shared>>) target_semaphore(%run_scoped3A : memref<!tpu.dma_semaphore, #tpu.memory_space<semaphore_mem>>)
      %dma_wait3A_79 = arith.constant 0 : i32
      %dma_wait3A_80 = tpu.memref_slice %arg13[%add3A_13, %dma_wait3A_79] : memref<10240x128xf32, #tpu.memory_space<vmem_shared>> -> memref<80x128xf32, #tpu.memory_space<vmem_shared>>
      %dma_wait3A_81 = arith.constant 0 : i32
      %dma_wait3A_82 = tpu.memref_slice %arg13[%add3A_13, %dma_wait3A_81] : memref<10240x128xf32, #tpu.memory_space<vmem_shared>> -> memref<80x128xf32, #tpu.memory_space<vmem_shared>>
      tpu.wait_dma2 semaphore(%run_scoped3A : memref<!tpu.dma_semaphore, #tpu.memory_space<semaphore_mem>>) src(%arg10 : memref<80x128xf32, #tpu.memory_space<vmem>>) dst(%dma_wait3A_82 : memref<80x128xf32, #tpu.memory_space<vmem_shared>>)
      tpu.yield
    }) : () -> ()
    %add3A_14 = arith.constant 80 : i32
    %add3A_15 = arith.addi %mul3A_11, %add3A_14 : i32
    "tpu.region"() ({
      %run_scoped3A = tpu.sem_alloc : memref<!tpu.dma_semaphore, #tpu.memory_space<semaphore_mem>>
      %dma_start3A_75 = arith.constant 0 : i32
      %dma_start3A_76 = tpu.memref_slice %arg13[%add3A_15, %dma_start3A_75] : memref<10240x128xf32, #tpu.memory_space<vmem_shared>> -> memref<80x128xf32, #tpu.memory_space<vmem_shared>>
      %dma_start3A_77 = arith.constant 0 : i32
      %dma_start3A_78 = tpu.memref_slice %arg13[%add3A_15, %dma_start3A_77] : memref<10240x128xf32, #tpu.memory_space<vmem_shared>> -> memref<80x128xf32, #tpu.memory_space<vmem_shared>>
      tpu.enqueue_dma source(%arg10 : memref<80x128xf32, #tpu.memory_space<vmem>>) target(%dma_start3A_78 : memref<80x128xf32, #tpu.memory_space<vmem_shared>>) target_semaphore(%run_scoped3A : memref<!tpu.dma_semaphore, #tpu.memory_space<semaphore_mem>>)
      %dma_wait3A_79 = arith.constant 0 : i32
      %dma_wait3A_80 = tpu.memref_slice %arg13[%add3A_15, %dma_wait3A_79] : memref<10240x128xf32, #tpu.memory_space<vmem_shared>> -> memref<80x128xf32, #tpu.memory_space<vmem_shared>>
      %dma_wait3A_81 = arith.constant 0 : i32
      %dma_wait3A_82 = tpu.memref_slice %arg13[%add3A_15, %dma_wait3A_81] : memref<10240x128xf32, #tpu.memory_space<vmem_shared>> -> memref<80x128xf32, #tpu.memory_space<vmem_shared>>
      tpu.wait_dma2 semaphore(%run_scoped3A : memref<!tpu.dma_semaphore, #tpu.memory_space<semaphore_mem>>) src(%arg10 : memref<80x128xf32, #tpu.memory_space<vmem>>) dst(%dma_wait3A_82 : memref<80x128xf32, #tpu.memory_space<vmem_shared>>)
      tpu.yield
    }) : () -> ()
    %add3A_16 = arith.constant 160 : i32
    %add3A_17 = arith.addi %mul3A_11, %add3A_16 : i32
    "tpu.region"() ({
      %run_scoped3A = tpu.sem_alloc : memref<!tpu.dma_semaphore, #tpu.memory_space<semaphore_mem>>
      %dma_start3A_75 = arith.constant 0 : i32
      %dma_start3A_76 = tpu.memref_slice %arg13[%add3A_17, %dma_start3A_75] : memref<10240x128xf32, #tpu.memory_space<vmem_shared>> -> memref<80x128xf32, #tpu.memory_space<vmem_shared>>
      %dma_start3A_77 = arith.constant 0 : i32
      %dma_start3A_78 = tpu.memref_slice %arg13[%add3A_17, %dma_start3A_77] : memref<10240x128xf32, #tpu.memory_space<vmem_shared>> -> memref<80x128xf32, #tpu.memory_space<vmem_shared>>
      tpu.enqueue_dma source(%arg10 : memref<80x128xf32, #tpu.memory_space<vmem>>) target(%dma_start3A_78 : memref<80x128xf32, #tpu.memory_space<vmem_shared>>) target_semaphore(%run_scoped3A : memref<!tpu.dma_semaphore, #tpu.memory_space<semaphore_mem>>)
      %dma_wait3A_79 = arith.constant 0 : i32
      %dma_wait3A_80 = tpu.memref_slice %arg13[%add3A_17, %dma_wait3A_79] : memref<10240x128xf32, #tpu.memory_space<vmem_shared>> -> memref<80x128xf32, #tpu.memory_space<vmem_shared>>
      %dma_wait3A_81 = arith.constant 0 : i32
      %dma_wait3A_82 = tpu.memref_slice %arg13[%add3A_17, %dma_wait3A_81] : memref<10240x128xf32, #tpu.memory_space<vmem_shared>> -> memref<80x128xf32, #tpu.memory_space<vmem_shared>>
      tpu.wait_dma2 semaphore(%run_scoped3A : memref<!tpu.dma_semaphore, #tpu.memory_space<semaphore_mem>>) src(%arg10 : memref<80x128xf32, #tpu.memory_space<vmem>>) dst(%dma_wait3A_82 : memref<80x128xf32, #tpu.memory_space<vmem_shared>>)
      tpu.yield
    }) : () -> ()
    %add3A_18 = arith.constant 240 : i32
    %add3A_19 = arith.addi %mul3A_11, %add3A_18 : i32
    "tpu.region"() ({
      %run_scoped3A = tpu.sem_alloc : memref<!tpu.dma_semaphore, #tpu.memory_space<semaphore_mem>>
      %dma_start3A_75 = arith.constant 0 : i32
      %dma_start3A_76 = tpu.memref_slice %arg13[%add3A_19, %dma_start3A_75] : memref<10240x128xf32, #tpu.memory_space<vmem_shared>> -> memref<80x128xf32, #tpu.memory_space<vmem_shared>>
      %dma_start3A_77 = arith.constant 0 : i32
      %dma_start3A_78 = tpu.memref_slice %arg13[%add3A_19, %dma_start3A_77] : memref<10240x128xf32, #tpu.memory_space<vmem_shared>> -> memref<80x128xf32, #tpu.memory_space<vmem_shared>>
      tpu.enqueue_dma source(%arg10 : memref<80x128xf32, #tpu.memory_space<vmem>>) target(%dma_start3A_78 : memref<80x128xf32, #tpu.memory_space<vmem_shared>>) target_semaphore(%run_scoped3A : memref<!tpu.dma_semaphore, #tpu.memory_space<semaphore_mem>>)
      %dma_wait3A_79 = arith.constant 0 : i32
      %dma_wait3A_80 = tpu.memref_slice %arg13[%add3A_19, %dma_wait3A_79] : memref<10240x128xf32, #tpu.memory_space<vmem_shared>> -> memref<80x128xf32, #tpu.memory_space<vmem_shared>>
      %dma_wait3A_81 = arith.constant 0 : i32
      %dma_wait3A_82 = tpu.memref_slice %arg13[%add3A_19, %dma_wait3A_81] : memref<10240x128xf32, #tpu.memory_space<vmem_shared>> -> memref<80x128xf32, #tpu.memory_space<vmem_shared>>
      tpu.wait_dma2 semaphore(%run_scoped3A : memref<!tpu.dma_semaphore, #tpu.memory_space<semaphore_mem>>) src(%arg10 : memref<80x128xf32, #tpu.memory_space<vmem>>) dst(%dma_wait3A_82 : memref<80x128xf32, #tpu.memory_space<vmem_shared>>)
      tpu.yield
    }) : () -> ()
    %add3A_20 = arith.constant 320 : i32
    %add3A_21 = arith.addi %mul3A_11, %add3A_20 : i32
    "tpu.region"() ({
      %run_scoped3A = tpu.sem_alloc : memref<!tpu.dma_semaphore, #tpu.memory_space<semaphore_mem>>
      %dma_start3A_75 = arith.constant 0 : i32
      %dma_start3A_76 = tpu.memref_slice %arg13[%add3A_21, %dma_start3A_75] : memref<10240x128xf32, #tpu.memory_space<vmem_shared>> -> memref<80x128xf32, #tpu.memory_space<vmem_shared>>
      %dma_start3A_77 = arith.constant 0 : i32
      %dma_start3A_78 = tpu.memref_slice %arg13[%add3A_21, %dma_start3A_77] : memref<10240x128xf32, #tpu.memory_space<vmem_shared>> -> memref<80x128xf32, #tpu.memory_space<vmem_shared>>
      tpu.enqueue_dma source(%arg10 : memref<80x128xf32, #tpu.memory_space<vmem>>) target(%dma_start3A_78 : memref<80x128xf32, #tpu.memory_space<vmem_shared>>) target_semaphore(%run_scoped3A : memref<!tpu.dma_semaphore, #tpu.memory_space<semaphore_mem>>)
      %dma_wait3A_79 = arith.constant 0 : i32
      %dma_wait3A_80 = tpu.memref_slice %arg13[%add3A_21, %dma_wait3A_79] : memref<10240x128xf32, #tpu.memory_space<vmem_shared>> -> memref<80x128xf32, #tpu.memory_space<vmem_shared>>
      %dma_wait3A_81 = arith.constant 0 : i32
      %dma_wait3A_82 = tpu.memref_slice %arg13[%add3A_21, %dma_wait3A_81] : memref<10240x128xf32, #tpu.memory_space<vmem_shared>> -> memref<80x128xf32, #tpu.memory_space<vmem_shared>>
      tpu.wait_dma2 semaphore(%run_scoped3A : memref<!tpu.dma_semaphore, #tpu.memory_space<semaphore_mem>>) src(%arg10 : memref<80x128xf32, #tpu.memory_space<vmem>>) dst(%dma_wait3A_82 : memref<80x128xf32, #tpu.memory_space<vmem_shared>>)
      tpu.yield
    }) : () -> ()
    %add3A_22 = arith.constant 400 : i32
    %add3A_23 = arith.addi %mul3A_11, %add3A_22 : i32
    "tpu.region"() ({
      %run_scoped3A = tpu.sem_alloc : memref<!tpu.dma_semaphore, #tpu.memory_space<semaphore_mem>>
      %dma_start3A_75 = arith.constant 0 : i32
      %dma_start3A_76 = tpu.memref_slice %arg13[%add3A_23, %dma_start3A_75] : memref<10240x128xf32, #tpu.memory_space<vmem_shared>> -> memref<80x128xf32, #tpu.memory_space<vmem_shared>>
      %dma_start3A_77 = arith.constant 0 : i32
      %dma_start3A_78 = tpu.memref_slice %arg13[%add3A_23, %dma_start3A_77] : memref<10240x128xf32, #tpu.memory_space<vmem_shared>> -> memref<80x128xf32, #tpu.memory_space<vmem_shared>>
      tpu.enqueue_dma source(%arg10 : memref<80x128xf32, #tpu.memory_space<vmem>>) target(%dma_start3A_78 : memref<80x128xf32, #tpu.memory_space<vmem_shared>>) target_semaphore(%run_scoped3A : memref<!tpu.dma_semaphore, #tpu.memory_space<semaphore_mem>>)
      %dma_wait3A_79 = arith.constant 0 : i32
      %dma_wait3A_80 = tpu.memref_slice %arg13[%add3A_23, %dma_wait3A_79] : memref<10240x128xf32, #tpu.memory_space<vmem_shared>> -> memref<80x128xf32, #tpu.memory_space<vmem_shared>>
      %dma_wait3A_81 = arith.constant 0 : i32
      %dma_wait3A_82 = tpu.memref_slice %arg13[%add3A_23, %dma_wait3A_81] : memref<10240x128xf32, #tpu.memory_space<vmem_shared>> -> memref<80x128xf32, #tpu.memory_space<vmem_shared>>
      tpu.wait_dma2 semaphore(%run_scoped3A : memref<!tpu.dma_semaphore, #tpu.memory_space<semaphore_mem>>) src(%arg10 : memref<80x128xf32, #tpu.memory_space<vmem>>) dst(%dma_wait3A_82 : memref<80x128xf32, #tpu.memory_space<vmem_shared>>)
      tpu.yield
    }) : () -> ()
    %add3A_24 = arith.constant 480 : i32
    %add3A_25 = arith.addi %mul3A_11, %add3A_24 : i32
    "tpu.region"() ({
      %run_scoped3A = tpu.sem_alloc : memref<!tpu.dma_semaphore, #tpu.memory_space<semaphore_mem>>
      %dma_start3A_75 = arith.constant 0 : i32
      %dma_start3A_76 = tpu.memref_slice %arg13[%add3A_25, %dma_start3A_75] : memref<10240x128xf32, #tpu.memory_space<vmem_shared>> -> memref<80x128xf32, #tpu.memory_space<vmem_shared>>
      %dma_start3A_77 = arith.constant 0 : i32
      %dma_start3A_78 = tpu.memref_slice %arg13[%add3A_25, %dma_start3A_77] : memref<10240x128xf32, #tpu.memory_space<vmem_shared>> -> memref<80x128xf32, #tpu.memory_space<vmem_shared>>
      tpu.enqueue_dma source(%arg10 : memref<80x128xf32, #tpu.memory_space<vmem>>) target(%dma_start3A_78 : memref<80x128xf32, #tpu.memory_space<vmem_shared>>) target_semaphore(%run_scoped3A : memref<!tpu.dma_semaphore, #tpu.memory_space<semaphore_mem>>)
      %dma_wait3A_79 = arith.constant 0 : i32
      %dma_wait3A_80 = tpu.memref_slice %arg13[%add3A_25, %dma_wait3A_79] : memref<10240x128xf32, #tpu.memory_space<vmem_shared>> -> memref<80x128xf32, #tpu.memory_space<vmem_shared>>
      %dma_wait3A_81 = arith.constant 0 : i32
      %dma_wait3A_82 = tpu.memref_slice %arg13[%add3A_25, %dma_wait3A_81] : memref<10240x128xf32, #tpu.memory_space<vmem_shared>> -> memref<80x128xf32, #tpu.memory_space<vmem_shared>>
      tpu.wait_dma2 semaphore(%run_scoped3A : memref<!tpu.dma_semaphore, #tpu.memory_space<semaphore_mem>>) src(%arg10 : memref<80x128xf32, #tpu.memory_space<vmem>>) dst(%dma_wait3A_82 : memref<80x128xf32, #tpu.memory_space<vmem_shared>>)
      tpu.yield
    }) : () -> ()
    %add3A_26 = arith.constant 560 : i32
    %add3A_27 = arith.addi %mul3A_11, %add3A_26 : i32
    "tpu.region"() ({
      %run_scoped3A = tpu.sem_alloc : memref<!tpu.dma_semaphore, #tpu.memory_space<semaphore_mem>>
      %dma_start3A_75 = arith.constant 0 : i32
      %dma_start3A_76 = tpu.memref_slice %arg13[%add3A_27, %dma_start3A_75] : memref<10240x128xf32, #tpu.memory_space<vmem_shared>> -> memref<80x128xf32, #tpu.memory_space<vmem_shared>>
      %dma_start3A_77 = arith.constant 0 : i32
      %dma_start3A_78 = tpu.memref_slice %arg13[%add3A_27, %dma_start3A_77] : memref<10240x128xf32, #tpu.memory_space<vmem_shared>> -> memref<80x128xf32, #tpu.memory_space<vmem_shared>>
      tpu.enqueue_dma source(%arg10 : memref<80x128xf32, #tpu.memory_space<vmem>>) target(%dma_start3A_78 : memref<80x128xf32, #tpu.memory_space<vmem_shared>>) target_semaphore(%run_scoped3A : memref<!tpu.dma_semaphore, #tpu.memory_space<semaphore_mem>>)
      %dma_wait3A_79 = arith.constant 0 : i32
      %dma_wait3A_80 = tpu.memref_slice %arg13[%add3A_27, %dma_wait3A_79] : memref<10240x128xf32, #tpu.memory_space<vmem_shared>> -> memref<80x128xf32, #tpu.memory_space<vmem_shared>>
      %dma_wait3A_81 = arith.constant 0 : i32
      %dma_wait3A_82 = tpu.memref_slice %arg13[%add3A_27, %dma_wait3A_81] : memref<10240x128xf32, #tpu.memory_space<vmem_shared>> -> memref<80x128xf32, #tpu.memory_space<vmem_shared>>
      tpu.wait_dma2 semaphore(%run_scoped3A : memref<!tpu.dma_semaphore, #tpu.memory_space<semaphore_mem>>) src(%arg10 : memref<80x128xf32, #tpu.memory_space<vmem>>) dst(%dma_wait3A_82 : memref<80x128xf32, #tpu.memory_space<vmem_shared>>)
      tpu.yield
    }) : () -> ()
    %barrier3A = arith.constant 0 : index
    tpu.barrier barrier_id(%barrier3A)
    %mul3A_28 = arith.constant 10000 : i32
    %mul3A_29 = arith.muli %add3A, %mul3A_28 : i32
    %add3A_30 = arith.constant 0 : i32
    %add3A_31 = arith.addi %mul3A_29, %add3A_30 : i32
    %dma_start3A = tpu.memref_slice %arg4[%add3A_31] : memref<320000xi32, #tpu.memory_space<hbm>> -> memref<80xi32, #tpu.memory_space<hbm>>
    %dma_start3A_32 = tpu.memref_slice %arg4[%add3A_31] : memref<320000xi32, #tpu.memory_space<hbm>> -> memref<80xi32, #tpu.memory_space<hbm>>
    tpu.enqueue_dma source(%dma_start3A_32 : memref<80xi32, #tpu.memory_space<hbm>>) target(%arg7 : memref<80xi32, #tpu.memory_space<vmem>>) target_semaphore(%arg17 : memref<!tpu.dma_semaphore, #tpu.memory_space<semaphore_mem>>)
    %dma_start3A_33 = arith.constant 0 : i32
    %dma_start3A_34 = tpu.memref_slice %arg6[%dma_start3A_33] : memref<10000xi32, #tpu.memory_space<vmem>> -> memref<80xi32, #tpu.memory_space<vmem>>
    %dma_start3A_35 = arith.constant 0 : i32
    %dma_start3A_36 = arith.constant 0 : i32
    %dma_start3A_37 = tpu.memref_slice %arg2[%dma_start3A_35, %dma_start3A_36] : memref<10240x128xf32, #tpu.memory_space<hbm>> -> memref<10240x128xf32, #tpu.memory_space<hbm>>
    tpu.enqueue_indirect_dma source(%dma_start3A_37 : memref<10240x128xf32, #tpu.memory_space<hbm>>) target(%arg10 : memref<80x128xf32, #tpu.memory_space<vmem>>) offsets(%dma_start3A_34 : memref<80xi32, #tpu.memory_space<vmem>>) semaphore(%arg14 : memref<!tpu.dma_semaphore, #tpu.memory_space<semaphore_mem>>)
    %add3A_38 = arith.constant 80 : i32
    %add3A_39 = arith.addi %mul3A_29, %add3A_38 : i32
    %dma_start3A_40 = tpu.memref_slice %arg4[%add3A_39] : memref<320000xi32, #tpu.memory_space<hbm>> -> memref<80xi32, #tpu.memory_space<hbm>>
    %dma_start3A_41 = tpu.memref_slice %arg4[%add3A_39] : memref<320000xi32, #tpu.memory_space<hbm>> -> memref<80xi32, #tpu.memory_space<hbm>>
    tpu.enqueue_dma source(%dma_start3A_41 : memref<80xi32, #tpu.memory_space<hbm>>) target(%arg8 : memref<80xi32, #tpu.memory_space<vmem>>) target_semaphore(%arg18 : memref<!tpu.dma_semaphore, #tpu.memory_space<semaphore_mem>>)
    %dma_start3A_42 = arith.constant 80 : i32
    %dma_start3A_43 = tpu.memref_slice %arg6[%dma_start3A_42] : memref<10000xi32, #tpu.memory_space<vmem>> -> memref<80xi32, #tpu.memory_space<vmem>>
    %dma_start3A_44 = arith.constant 0 : i32
    %dma_start3A_45 = arith.constant 0 : i32
    %dma_start3A_46 = tpu.memref_slice %arg2[%dma_start3A_44, %dma_start3A_45] : memref<10240x128xf32, #tpu.memory_space<hbm>> -> memref<10240x128xf32, #tpu.memory_space<hbm>>
    tpu.enqueue_indirect_dma source(%dma_start3A_46 : memref<10240x128xf32, #tpu.memory_space<hbm>>) target(%arg11 : memref<80x128xf32, #tpu.memory_space<vmem>>) offsets(%dma_start3A_43 : memref<80xi32, #tpu.memory_space<vmem>>) semaphore(%arg15 : memref<!tpu.dma_semaphore, #tpu.memory_space<semaphore_mem>>)
    %scan3A_47 = arith.constant 0 : i32
    %scan3A_48 = arith.constant 0 : i32
    %scan3A_49 = arith.constant 41 : i32
    %scan3A_50 = arith.addi %scan3A_48, %scan3A_49 : i32
    %scan3A_51 = arith.constant 1 : i32
    %scan3A_52 = scf.for %scan3A_75 = %scan3A_48 to %scan3A_50 step %scan3A_51 iter_args(%scan3A_76 = %scan3A_47) -> (i32)  : i32 {
      %mul3A_77 = arith.constant 3 : i32
      %mul3A_78 = arith.muli %mul3A_77, %scan3A_75 : i32
      %add3A_79 = arith.constant 0 : i32
      %add3A_80 = arith.addi %mul3A_78, %add3A_79 : i32
      %add3A_81 = arith.constant 2 : i32
      %add3A_82 = arith.addi %add3A_80, %add3A_81 : i32
      %mul3A_83 = arith.constant 80 : i32
      %mul3A_84 = arith.muli %add3A_82, %mul3A_83 : i32
      %add3A_85 = arith.addi %mul3A_29, %mul3A_84 : i32
      %dma_start3A_86 = tpu.memref_slice %arg4[%add3A_85] : memref<320000xi32, #tpu.memory_space<hbm>> -> memref<80xi32, #tpu.memory_space<hbm>>
      %dma_start3A_87 = tpu.memref_slice %arg4[%add3A_85] : memref<320000xi32, #tpu.memory_space<hbm>> -> memref<80xi32, #tpu.memory_space<hbm>>
      tpu.enqueue_dma source(%dma_start3A_87 : memref<80xi32, #tpu.memory_space<hbm>>) target(%arg9 : memref<80xi32, #tpu.memory_space<vmem>>) target_semaphore(%arg19 : memref<!tpu.dma_semaphore, #tpu.memory_space<semaphore_mem>>)
      %add3A_88 = arith.constant 2 : i32
      %add3A_89 = arith.addi %add3A_80, %add3A_88 : i32
      %mul3A_90 = arith.constant 80 : i32
      %mul3A_91 = arith.muli %add3A_89, %mul3A_90 : i32
      %dma_start3A_92 = tpu.memref_slice %arg6[%mul3A_91] : memref<10000xi32, #tpu.memory_space<vmem>> -> memref<80xi32, #tpu.memory_space<vmem>>
      %dma_start3A_93 = arith.constant 0 : i32
      %dma_start3A_94 = arith.constant 0 : i32
      %dma_start3A_95 = tpu.memref_slice %arg2[%dma_start3A_93, %dma_start3A_94] : memref<10240x128xf32, #tpu.memory_space<hbm>> -> memref<10240x128xf32, #tpu.memory_space<hbm>>
      tpu.enqueue_indirect_dma source(%dma_start3A_95 : memref<10240x128xf32, #tpu.memory_space<hbm>>) target(%arg12 : memref<80x128xf32, #tpu.memory_space<vmem>>) offsets(%dma_start3A_92 : memref<80xi32, #tpu.memory_space<vmem>>) semaphore(%arg16 : memref<!tpu.dma_semaphore, #tpu.memory_space<semaphore_mem>>)
      %mul3A_96 = arith.constant 80 : i32
      %mul3A_97 = arith.muli %add3A_80, %mul3A_96 : i32
      %dma_wait3A_98 = tpu.memref_slice %arg6[%mul3A_97] : memref<10000xi32, #tpu.memory_space<vmem>> -> memref<80xi32, #tpu.memory_space<vmem>>
      %dma_wait3A_99 = arith.constant 0 : i32
      %dma_wait3A_100 = arith.constant 0 : i32
      %dma_wait3A_101 = tpu.memref_slice %arg2[%dma_wait3A_99, %dma_wait3A_100] : memref<10240x128xf32, #tpu.memory_space<hbm>> -> memref<10240x128xf32, #tpu.memory_space<hbm>>
      tpu.wait_indirect_dma semaphore(%arg14 : memref<!tpu.dma_semaphore, #tpu.memory_space<semaphore_mem>>) src(%dma_wait3A_101 : memref<10240x128xf32, #tpu.memory_space<hbm>>) dst(%arg10 : memref<80x128xf32, #tpu.memory_space<vmem>>)
      %mul3A_102 = arith.constant 80 : i32
      %mul3A_103 = arith.muli %add3A_80, %mul3A_102 : i32
      %add3A_104 = arith.addi %mul3A_29, %mul3A_103 : i32
      %dma_wait3A_105 = tpu.memref_slice %arg4[%add3A_104] : memref<320000xi32, #tpu.memory_space<hbm>> -> memref<80xi32, #tpu.memory_space<hbm>>
      %dma_wait3A_106 = tpu.memref_slice %arg4[%add3A_104] : memref<320000xi32, #tpu.memory_space<hbm>> -> memref<80xi32, #tpu.memory_space<hbm>>
      tpu.wait_dma2 semaphore(%arg17 : memref<!tpu.dma_semaphore, #tpu.memory_space<semaphore_mem>>) src(%dma_wait3A_106 : memref<80xi32, #tpu.memory_space<hbm>>) dst(%arg7 : memref<80xi32, #tpu.memory_space<vmem>>)
      "tpu.region"() ({
        %run_scoped3A = tpu.sem_alloc : memref<!tpu.dma_semaphore, #tpu.memory_space<semaphore_mem>>
        %dma_start3A_168 = arith.constant 0 : i32
        %dma_start3A_169 = arith.constant 0 : i32
        %dma_start3A_170 = tpu.memref_slice %arg13[%dma_start3A_168, %dma_start3A_169] : memref<10240x128xf32, #tpu.memory_space<vmem_shared>> -> memref<10240x128xf32, #tpu.memory_space<vmem_shared>>
        tpu.enqueue_indirect_dma source(%arg10 : memref<80x128xf32, #tpu.memory_space<vmem>>) target(%dma_start3A_170 : memref<10240x128xf32, #tpu.memory_space<vmem_shared>>) offsets(%arg7 : memref<80xi32, #tpu.memory_space<vmem>>) semaphore(%run_scoped3A : memref<!tpu.dma_semaphore, #tpu.memory_space<semaphore_mem>>) {add = true}
        %dma_wait3A_171 = arith.constant 0 : i32
        %dma_wait3A_172 = arith.constant 0 : i32
        %dma_wait3A_173 = tpu.memref_slice %arg13[%dma_wait3A_171, %dma_wait3A_172] : memref<10240x128xf32, #tpu.memory_space<vmem_shared>> -> memref<10240x128xf32, #tpu.memory_space<vmem_shared>>
        tpu.wait_indirect_dma semaphore(%run_scoped3A : memref<!tpu.dma_semaphore, #tpu.memory_space<semaphore_mem>>) src(%arg10 : memref<80x128xf32, #tpu.memory_space<vmem>>) dst(%dma_wait3A_173 : memref<10240x128xf32, #tpu.memory_space<vmem_shared>>)
        tpu.yield
      }) : () -> ()
      %mul3A_107 = arith.constant 3 : i32
      %mul3A_108 = arith.muli %mul3A_107, %scan3A_75 : i32
      %add3A_109 = arith.constant 1 : i32
      %add3A_110 = arith.addi %mul3A_108, %add3A_109 : i32
      %add3A_111 = arith.constant 2 : i32
      %add3A_112 = arith.addi %add3A_110, %add3A_111 : i32
      %mul3A_113 = arith.constant 80 : i32
      %mul3A_114 = arith.muli %add3A_112, %mul3A_113 : i32
      %add3A_115 = arith.addi %mul3A_29, %mul3A_114 : i32
      %dma_start3A_116 = tpu.memref_slice %arg4[%add3A_115] : memref<320000xi32, #tpu.memory_space<hbm>> -> memref<80xi32, #tpu.memory_space<hbm>>
      %dma_start3A_117 = tpu.memref_slice %arg4[%add3A_115] : memref<320000xi32, #tpu.memory_space<hbm>> -> memref<80xi32, #tpu.memory_space<hbm>>
      tpu.enqueue_dma source(%dma_start3A_117 : memref<80xi32, #tpu.memory_space<hbm>>) target(%arg7 : memref<80xi32, #tpu.memory_space<vmem>>) target_semaphore(%arg17 : memref<!tpu.dma_semaphore, #tpu.memory_space<semaphore_mem>>)
      %add3A_118 = arith.constant 2 : i32
      %add3A_119 = arith.addi %add3A_110, %add3A_118 : i32
      %mul3A_120 = arith.constant 80 : i32
      %mul3A_121 = arith.muli %add3A_119, %mul3A_120 : i32
      %dma_start3A_122 = tpu.memref_slice %arg6[%mul3A_121] : memref<10000xi32, #tpu.memory_space<vmem>> -> memref<80xi32, #tpu.memory_space<vmem>>
      %dma_start3A_123 = arith.constant 0 : i32
      %dma_start3A_124 = arith.constant 0 : i32
      %dma_start3A_125 = tpu.memref_slice %arg2[%dma_start3A_123, %dma_start3A_124] : memref<10240x128xf32, #tpu.memory_space<hbm>> -> memref<10240x128xf32, #tpu.memory_space<hbm>>
      tpu.enqueue_indirect_dma source(%dma_start3A_125 : memref<10240x128xf32, #tpu.memory_space<hbm>>) target(%arg10 : memref<80x128xf32, #tpu.memory_space<vmem>>) offsets(%dma_start3A_122 : memref<80xi32, #tpu.memory_space<vmem>>) semaphore(%arg14 : memref<!tpu.dma_semaphore, #tpu.memory_space<semaphore_mem>>)
      %mul3A_126 = arith.constant 80 : i32
      %mul3A_127 = arith.muli %add3A_110, %mul3A_126 : i32
      %dma_wait3A_128 = tpu.memref_slice %arg6[%mul3A_127] : memref<10000xi32, #tpu.memory_space<vmem>> -> memref<80xi32, #tpu.memory_space<vmem>>
      %dma_wait3A_129 = arith.constant 0 : i32
      %dma_wait3A_130 = arith.constant 0 : i32
      %dma_wait3A_131 = tpu.memref_slice %arg2[%dma_wait3A_129, %dma_wait3A_130] : memref<10240x128xf32, #tpu.memory_space<hbm>> -> memref<10240x128xf32, #tpu.memory_space<hbm>>
      tpu.wait_indirect_dma semaphore(%arg15 : memref<!tpu.dma_semaphore, #tpu.memory_space<semaphore_mem>>) src(%dma_wait3A_131 : memref<10240x128xf32, #tpu.memory_space<hbm>>) dst(%arg11 : memref<80x128xf32, #tpu.memory_space<vmem>>)
      %mul3A_132 = arith.constant 80 : i32
      %mul3A_133 = arith.muli %add3A_110, %mul3A_132 : i32
      %add3A_134 = arith.addi %mul3A_29, %mul3A_133 : i32
      %dma_wait3A_135 = tpu.memref_slice %arg4[%add3A_134] : memref<320000xi32, #tpu.memory_space<hbm>> -> memref<80xi32, #tpu.memory_space<hbm>>
      %dma_wait3A_136 = tpu.memref_slice %arg4[%add3A_134] : memref<320000xi32, #tpu.memory_space<hbm>> -> memref<80xi32, #tpu.memory_space<hbm>>
      tpu.wait_dma2 semaphore(%arg18 : memref<!tpu.dma_semaphore, #tpu.memory_space<semaphore_mem>>) src(%dma_wait3A_136 : memref<80xi32, #tpu.memory_space<hbm>>) dst(%arg8 : memref<80xi32, #tpu.memory_space<vmem>>)
      "tpu.region"() ({
        %run_scoped3A = tpu.sem_alloc : memref<!tpu.dma_semaphore, #tpu.memory_space<semaphore_mem>>
        %dma_start3A_168 = arith.constant 0 : i32
        %dma_start3A_169 = arith.constant 0 : i32
        %dma_start3A_170 = tpu.memref_slice %arg13[%dma_start3A_168, %dma_start3A_169] : memref<10240x128xf32, #tpu.memory_space<vmem_shared>> -> memref<10240x128xf32, #tpu.memory_space<vmem_shared>>
        tpu.enqueue_indirect_dma source(%arg11 : memref<80x128xf32, #tpu.memory_space<vmem>>) target(%dma_start3A_170 : memref<10240x128xf32, #tpu.memory_space<vmem_shared>>) offsets(%arg8 : memref<80xi32, #tpu.memory_space<vmem>>) semaphore(%run_scoped3A : memref<!tpu.dma_semaphore, #tpu.memory_space<semaphore_mem>>) {add = true}
        %dma_wait3A_171 = arith.constant 0 : i32
        %dma_wait3A_172 = arith.constant 0 : i32
        %dma_wait3A_173 = tpu.memref_slice %arg13[%dma_wait3A_171, %dma_wait3A_172] : memref<10240x128xf32, #tpu.memory_space<vmem_shared>> -> memref<10240x128xf32, #tpu.memory_space<vmem_shared>>
        tpu.wait_indirect_dma semaphore(%run_scoped3A : memref<!tpu.dma_semaphore, #tpu.memory_space<semaphore_mem>>) src(%arg11 : memref<80x128xf32, #tpu.memory_space<vmem>>) dst(%dma_wait3A_173 : memref<10240x128xf32, #tpu.memory_space<vmem_shared>>)
        tpu.yield
      }) : () -> ()
      %mul3A_137 = arith.constant 3 : i32
      %mul3A_138 = arith.muli %mul3A_137, %scan3A_75 : i32
      %add3A_139 = arith.constant 2 : i32
      %add3A_140 = arith.addi %mul3A_138, %add3A_139 : i32
      %add3A_141 = arith.constant 2 : i32
      %add3A_142 = arith.addi %add3A_140, %add3A_141 : i32
      %mul3A_143 = arith.constant 80 : i32
      %mul3A_144 = arith.muli %add3A_142, %mul3A_143 : i32
      %add3A_145 = arith.addi %mul3A_29, %mul3A_144 : i32
      %dma_start3A_146 = tpu.memref_slice %arg4[%add3A_145] : memref<320000xi32, #tpu.memory_space<hbm>> -> memref<80xi32, #tpu.memory_space<hbm>>
      %dma_start3A_147 = tpu.memref_slice %arg4[%add3A_145] : memref<320000xi32, #tpu.memory_space<hbm>> -> memref<80xi32, #tpu.memory_space<hbm>>
      tpu.enqueue_dma source(%dma_start3A_147 : memref<80xi32, #tpu.memory_space<hbm>>) target(%arg8 : memref<80xi32, #tpu.memory_space<vmem>>) target_semaphore(%arg18 : memref<!tpu.dma_semaphore, #tpu.memory_space<semaphore_mem>>)
      %add3A_148 = arith.constant 2 : i32
      %add3A_149 = arith.addi %add3A_140, %add3A_148 : i32
      %mul3A_150 = arith.constant 80 : i32
      %mul3A_151 = arith.muli %add3A_149, %mul3A_150 : i32
      %dma_start3A_152 = tpu.memref_slice %arg6[%mul3A_151] : memref<10000xi32, #tpu.memory_space<vmem>> -> memref<80xi32, #tpu.memory_space<vmem>>
      %dma_start3A_153 = arith.constant 0 : i32
      %dma_start3A_154 = arith.constant 0 : i32
      %dma_start3A_155 = tpu.memref_slice %arg2[%dma_start3A_153, %dma_start3A_154] : memref<10240x128xf32, #tpu.memory_space<hbm>> -> memref<10240x128xf32, #tpu.memory_space<hbm>>
      tpu.enqueue_indirect_dma source(%dma_start3A_155 : memref<10240x128xf32, #tpu.memory_space<hbm>>) target(%arg11 : memref<80x128xf32, #tpu.memory_space<vmem>>) offsets(%dma_start3A_152 : memref<80xi32, #tpu.memory_space<vmem>>) semaphore(%arg15 : memref<!tpu.dma_semaphore, #tpu.memory_space<semaphore_mem>>)
      %mul3A_156 = arith.constant 80 : i32
      %mul3A_157 = arith.muli %add3A_140, %mul3A_156 : i32
      %dma_wait3A_158 = tpu.memref_slice %arg6[%mul3A_157] : memref<10000xi32, #tpu.memory_space<vmem>> -> memref<80xi32, #tpu.memory_space<vmem>>
      %dma_wait3A_159 = arith.constant 0 : i32
      %dma_wait3A_160 = arith.constant 0 : i32
      %dma_wait3A_161 = tpu.memref_slice %arg2[%dma_wait3A_159, %dma_wait3A_160] : memref<10240x128xf32, #tpu.memory_space<hbm>> -> memref<10240x128xf32, #tpu.memory_space<hbm>>
      tpu.wait_indirect_dma semaphore(%arg16 : memref<!tpu.dma_semaphore, #tpu.memory_space<semaphore_mem>>) src(%dma_wait3A_161 : memref<10240x128xf32, #tpu.memory_space<hbm>>) dst(%arg12 : memref<80x128xf32, #tpu.memory_space<vmem>>)
      %mul3A_162 = arith.constant 80 : i32
      %mul3A_163 = arith.muli %add3A_140, %mul3A_162 : i32
      %add3A_164 = arith.addi %mul3A_29, %mul3A_163 : i32
      %dma_wait3A_165 = tpu.memref_slice %arg4[%add3A_164] : memref<320000xi32, #tpu.memory_space<hbm>> -> memref<80xi32, #tpu.memory_space<hbm>>
      %dma_wait3A_166 = tpu.memref_slice %arg4[%add3A_164] : memref<320000xi32, #tpu.memory_space<hbm>> -> memref<80xi32, #tpu.memory_space<hbm>>
      tpu.wait_dma2 semaphore(%arg19 : memref<!tpu.dma_semaphore, #tpu.memory_space<semaphore_mem>>) src(%dma_wait3A_166 : memref<80xi32, #tpu.memory_space<hbm>>) dst(%arg9 : memref<80xi32, #tpu.memory_space<vmem>>)
      "tpu.region"() ({
        %run_scoped3A = tpu.sem_alloc : memref<!tpu.dma_semaphore, #tpu.memory_space<semaphore_mem>>
        %dma_start3A_168 = arith.constant 0 : i32
        %dma_start3A_169 = arith.constant 0 : i32
        %dma_start3A_170 = tpu.memref_slice %arg13[%dma_start3A_168, %dma_start3A_169] : memref<10240x128xf32, #tpu.memory_space<vmem_shared>> -> memref<10240x128xf32, #tpu.memory_space<vmem_shared>>
        tpu.enqueue_indirect_dma source(%arg12 : memref<80x128xf32, #tpu.memory_space<vmem>>) target(%dma_start3A_170 : memref<10240x128xf32, #tpu.memory_space<vmem_shared>>) offsets(%arg9 : memref<80xi32, #tpu.memory_space<vmem>>) semaphore(%run_scoped3A : memref<!tpu.dma_semaphore, #tpu.memory_space<semaphore_mem>>) {add = true}
        %dma_wait3A_171 = arith.constant 0 : i32
        %dma_wait3A_172 = arith.constant 0 : i32
        %dma_wait3A_173 = tpu.memref_slice %arg13[%dma_wait3A_171, %dma_wait3A_172] : memref<10240x128xf32, #tpu.memory_space<vmem_shared>> -> memref<10240x128xf32, #tpu.memory_space<vmem_shared>>
        tpu.wait_indirect_dma semaphore(%run_scoped3A : memref<!tpu.dma_semaphore, #tpu.memory_space<semaphore_mem>>) src(%arg12 : memref<80x128xf32, #tpu.memory_space<vmem>>) dst(%dma_wait3A_173 : memref<10240x128xf32, #tpu.memory_space<vmem_shared>>)
        tpu.yield
      }) : () -> ()
      %scan3A_167 = arith.constant 0 : i32
      scf.yield %scan3A_167 : i32
    }
    %scan3A_53 = arith.constant 41 : i32
    %dma_wait3A = arith.constant 9840 : i32
    %dma_wait3A_54 = tpu.memref_slice %arg6[%dma_wait3A] : memref<10000xi32, #tpu.memory_space<vmem>> -> memref<80xi32, #tpu.memory_space<vmem>>
    %dma_wait3A_55 = arith.constant 0 : i32
    %dma_wait3A_56 = arith.constant 0 : i32
    %dma_wait3A_57 = tpu.memref_slice %arg2[%dma_wait3A_55, %dma_wait3A_56] : memref<10240x128xf32, #tpu.memory_space<hbm>> -> memref<10240x128xf32, #tpu.memory_space<hbm>>
    tpu.wait_indirect_dma semaphore(%arg14 : memref<!tpu.dma_semaphore, #tpu.memory_space<semaphore_mem>>) src(%dma_wait3A_57 : memref<10240x128xf32, #tpu.memory_space<hbm>>) dst(%arg10 : memref<80x128xf32, #tpu.memory_space<vmem>>)
    %add3A_58 = arith.constant 9840 : i32
    %add3A_59 = arith.addi %mul3A_29, %add3A_58 : i32
    %dma_wait3A_60 = tpu.memref_slice %arg4[%add3A_59] : memref<320000xi32, #tpu.memory_space<hbm>> -> memref<80xi32, #tpu.memory_space<hbm>>
    %dma_wait3A_61 = tpu.memref_slice %arg4[%add3A_59] : memref<320000xi32, #tpu.memory_space<hbm>> -> memref<80xi32, #tpu.memory_space<hbm>>
    tpu.wait_dma2 semaphore(%arg17 : memref<!tpu.dma_semaphore, #tpu.memory_space<semaphore_mem>>) src(%dma_wait3A_61 : memref<80xi32, #tpu.memory_space<hbm>>) dst(%arg7 : memref<80xi32, #tpu.memory_space<vmem>>)
    "tpu.region"() ({
      %run_scoped3A = tpu.sem_alloc : memref<!tpu.dma_semaphore, #tpu.memory_space<semaphore_mem>>
      %dma_start3A_75 = arith.constant 0 : i32
      %dma_start3A_76 = arith.constant 0 : i32
      %dma_start3A_77 = tpu.memref_slice %arg13[%dma_start3A_75, %dma_start3A_76] : memref<10240x128xf32, #tpu.memory_space<vmem_shared>> -> memref<10240x128xf32, #tpu.memory_space<vmem_shared>>
      tpu.enqueue_indirect_dma source(%arg10 : memref<80x128xf32, #tpu.memory_space<vmem>>) target(%dma_start3A_77 : memref<10240x128xf32, #tpu.memory_space<vmem_shared>>) offsets(%arg7 : memref<80xi32, #tpu.memory_space<vmem>>) semaphore(%run_scoped3A : memref<!tpu.dma_semaphore, #tpu.memory_space<semaphore_mem>>) {add = true}
      %dma_wait3A_78 = arith.constant 0 : i32
      %dma_wait3A_79 = arith.constant 0 : i32
      %dma_wait3A_80 = tpu.memref_slice %arg13[%dma_wait3A_78, %dma_wait3A_79] : memref<10240x128xf32, #tpu.memory_space<vmem_shared>> -> memref<10240x128xf32, #tpu.memory_space<vmem_shared>>
      tpu.wait_indirect_dma semaphore(%run_scoped3A : memref<!tpu.dma_semaphore, #tpu.memory_space<semaphore_mem>>) src(%arg10 : memref<80x128xf32, #tpu.memory_space<vmem>>) dst(%dma_wait3A_80 : memref<10240x128xf32, #tpu.memory_space<vmem_shared>>)
      tpu.yield
    }) : () -> ()
    %dma_wait3A_62 = arith.constant 9920 : i32
    %dma_wait3A_63 = tpu.memref_slice %arg6[%dma_wait3A_62] : memref<10000xi32, #tpu.memory_space<vmem>> -> memref<80xi32, #tpu.memory_space<vmem>>
    %dma_wait3A_64 = arith.constant 0 : i32
    %dma_wait3A_65 = arith.constant 0 : i32
    %dma_wait3A_66 = tpu.memref_slice %arg2[%dma_wait3A_64, %dma_wait3A_65] : memref<10240x128xf32, #tpu.memory_space<hbm>> -> memref<10240x128xf32, #tpu.memory_space<hbm>>
    tpu.wait_indirect_dma semaphore(%arg15 : memref<!tpu.dma_semaphore, #tpu.memory_space<semaphore_mem>>) src(%dma_wait3A_66 : memref<10240x128xf32, #tpu.memory_space<hbm>>) dst(%arg11 : memref<80x128xf32, #tpu.memory_space<vmem>>)
    %add3A_67 = arith.constant 9920 : i32
    %add3A_68 = arith.addi %mul3A_29, %add3A_67 : i32
    %dma_wait3A_69 = tpu.memref_slice %arg4[%add3A_68] : memref<320000xi32, #tpu.memory_space<hbm>> -> memref<80xi32, #tpu.memory_space<hbm>>
    %dma_wait3A_70 = tpu.memref_slice %arg4[%add3A_68] : memref<320000xi32, #tpu.memory_space<hbm>> -> memref<80xi32, #tpu.memory_space<hbm>>
    tpu.wait_dma2 semaphore(%arg18 : memref<!tpu.dma_semaphore, #tpu.memory_space<semaphore_mem>>) src(%dma_wait3A_70 : memref<80xi32, #tpu.memory_space<hbm>>) dst(%arg8 : memref<80xi32, #tpu.memory_space<vmem>>)
    "tpu.region"() ({
      %run_scoped3A = tpu.sem_alloc : memref<!tpu.dma_semaphore, #tpu.memory_space<semaphore_mem>>
      %dma_start3A_75 = arith.constant 0 : i32
      %dma_start3A_76 = arith.constant 0 : i32
      %dma_start3A_77 = tpu.memref_slice %arg13[%dma_start3A_75, %dma_start3A_76] : memref<10240x128xf32, #tpu.memory_space<vmem_shared>> -> memref<10240x128xf32, #tpu.memory_space<vmem_shared>>
      tpu.enqueue_indirect_dma source(%arg11 : memref<80x128xf32, #tpu.memory_space<vmem>>) target(%dma_start3A_77 : memref<10240x128xf32, #tpu.memory_space<vmem_shared>>) offsets(%arg8 : memref<80xi32, #tpu.memory_space<vmem>>) semaphore(%run_scoped3A : memref<!tpu.dma_semaphore, #tpu.memory_space<semaphore_mem>>) {add = true}
      %dma_wait3A_78 = arith.constant 0 : i32
      %dma_wait3A_79 = arith.constant 0 : i32
      %dma_wait3A_80 = tpu.memref_slice %arg13[%dma_wait3A_78, %dma_wait3A_79] : memref<10240x128xf32, #tpu.memory_space<vmem_shared>> -> memref<10240x128xf32, #tpu.memory_space<vmem_shared>>
      tpu.wait_indirect_dma semaphore(%run_scoped3A : memref<!tpu.dma_semaphore, #tpu.memory_space<semaphore_mem>>) src(%arg11 : memref<80x128xf32, #tpu.memory_space<vmem>>) dst(%dma_wait3A_80 : memref<10240x128xf32, #tpu.memory_space<vmem_shared>>)
      tpu.yield
    }) : () -> ()
    %barrier3A_71 = arith.constant 0 : index
    tpu.barrier barrier_id(%barrier3A_71)
    %mul3A_72 = arith.constant 10240 : i32
    %mul3A_73 = arith.muli %arg0, %mul3A_72 : i32
    %add3A_74 = arith.addi %mul3A_73, %mul3A_11 : i32
    "tpu.region"() ({
      %run_scoped3A = tpu.sem_alloc : memref<!tpu.dma_semaphore, #tpu.memory_space<semaphore_mem>>
      %dma_start3A_75 = arith.constant 0 : i32
      %dma_start3A_76 = tpu.memref_slice %arg5[%add3A_74, %dma_start3A_75] : memref<20480x128xf32, #tpu.memory_space<hbm>> -> memref<640x128xf32, #tpu.memory_space<hbm>>
      %dma_start3A_77 = arith.constant 0 : i32
      %dma_start3A_78 = tpu.memref_slice %arg13[%mul3A_11, %dma_start3A_77] : memref<10240x128xf32, #tpu.memory_space<vmem_shared>> -> memref<640x128xf32, #tpu.memory_space<vmem_shared>>
      tpu.enqueue_dma source(%dma_start3A_78 : memref<640x128xf32, #tpu.memory_space<vmem_shared>>) target(%dma_start3A_76 : memref<640x128xf32, #tpu.memory_space<hbm>>) target_semaphore(%run_scoped3A : memref<!tpu.dma_semaphore, #tpu.memory_space<semaphore_mem>>)
      %dma_wait3A_79 = arith.constant 0 : i32
      %dma_wait3A_80 = tpu.memref_slice %arg5[%add3A_74, %dma_wait3A_79] : memref<20480x128xf32, #tpu.memory_space<hbm>> -> memref<640x128xf32, #tpu.memory_space<hbm>>
      %dma_wait3A_81 = arith.constant 0 : i32
      %dma_wait3A_82 = tpu.memref_slice %arg13[%mul3A_11, %dma_wait3A_81] : memref<10240x128xf32, #tpu.memory_space<vmem_shared>> -> memref<640x128xf32, #tpu.memory_space<vmem_shared>>
      tpu.wait_dma2 semaphore(%run_scoped3A : memref<!tpu.dma_semaphore, #tpu.memory_space<semaphore_mem>>) src(%dma_wait3A_82 : memref<640x128xf32, #tpu.memory_space<vmem_shared>>) dst(%dma_wait3A_80 : memref<640x128xf32, #tpu.memory_space<hbm>>)
      tpu.yield
    }) : () -> ()
    return
  }
}

#map = affine_map<(d0, d1) -> (0, 0)>
#map1 = affine_map<(d0, d1) -> (0)>
module attributes {stable_mosaic.version = 14 : i64} {
  func.func @_agg_kernel(%arg0: i32, %arg1: i32, %arg2: memref<10240x128xf32, #tpu.memory_space<hbm>>, %arg3: memref<320000xi32, #tpu.memory_space<hbm>>, %arg4: memref<320000xi32, #tpu.memory_space<hbm>>, %arg5: memref<20480x128xf32, #tpu.memory_space<hbm>>, %arg6: memref<10000xi32, #tpu.memory_space<vmem>>, %arg7: memref<80xi32, #tpu.memory_space<vmem>>, %arg8: memref<80xi32, #tpu.memory_space<vmem>>, %arg9: memref<80xi32, #tpu.memory_space<vmem>>, %arg10: memref<80x128xf32, #tpu.memory_space<vmem>>, %arg11: memref<80x128xf32, #tpu.memory_space<vmem>>, %arg12: memref<80x128xf32, #tpu.memory_space<vmem>>, %arg13: memref<10240x128xf32, #tpu.memory_space<vmem_shared>>, %arg14: memref<!tpu.dma_semaphore, #tpu.memory_space<semaphore_mem>>, %arg15: memref<!tpu.dma_semaphore, #tpu.memory_space<semaphore_mem>>, %arg16: memref<!tpu.dma_semaphore, #tpu.memory_space<semaphore_mem>>, %arg17: memref<!tpu.dma_semaphore, #tpu.memory_space<semaphore_mem>>, %arg18: memref<!tpu.dma_semaphore, #tpu.memory_space<semaphore_mem>>, %arg19: memref<!tpu.dma_semaphore, #tpu.memory_space<semaphore_mem>>) attributes {dimension_semantics = [#tpu.dimension_semantics<core_parallel>, #tpu.dimension_semantics<subcore_parallel>], iteration_bounds = array<i64: 2, 16>, scalar_prefetch = 0 : i64, scratch_operands = 14 : i64, tpu.core_type = #tpu.core_type<sc_vector_subcore>, window_params = [{transform_indices = #map}, {transform_indices = #map1}, {transform_indices = #map1}, {transform_indices = #map}]} {
    %mul3A = arith.constant 16 : i32
    %mul3A_0 = arith.muli %arg0, %mul3A : i32
    %add3A = arith.addi %mul3A_0, %arg1 : i32
    %broadcast_in_dim3A = arith.constant 0.000000e+00 : f32
    %broadcast_in_dim3A_1 = vector.broadcast %broadcast_in_dim3A : f32 to vector<16xf32>
    %scan3A = arith.constant 0 : i32
    %scan3A_2 = arith.constant 0 : i32
    %scan3A_3 = arith.constant 80 : i32
    %scan3A_4 = arith.addi %scan3A_2, %scan3A_3 : i32
    %scan3A_5 = arith.constant 1 : i32
    %scan3A_6 = scf.for %scan3A_75 = %scan3A_2 to %scan3A_4 step %scan3A_5 iter_args(%scan3A_76 = %scan3A) -> (i32)  : i32 {
      %swap3A = arith.index_cast %scan3A_75 : i32 to index
      %swap3A_77 = arith.constant 0 : index
      %swap3A_78 = tpu.vector_load %arg10[%swap3A, %swap3A_77] {strides = array<i32>} : memref<80x128xf32, #tpu.memory_space<vmem>>, vector<1x16xf32>,
      %swap3A_79 = vector.shape_cast %swap3A_78 : vector<1x16xf32> to vector<16xf32>
      %swap3A_80 = vector.shape_cast %broadcast_in_dim3A_1 : vector<16xf32> to vector<1x16xf32>
      tpu.vector_store %arg10[%swap3A, %swap3A_77], %swap3A_80 {strides = array<i32>} : memref<80x128xf32, #tpu.memory_space<vmem>>, vector<1x16xf32>,
      %swap3A_81 = arith.index_cast %scan3A_75 : i32 to index
      %swap3A_82 = arith.constant 16 : index
      %swap3A_83 = tpu.vector_load %arg10[%swap3A_81, %swap3A_82] {strides = array<i32>} : memref<80x128xf32, #tpu.memory_space<vmem>>, vector<1x16xf32>,
      %swap3A_84 = vector.shape_cast %swap3A_83 : vector<1x16xf32> to vector<16xf32>
      %swap3A_85 = vector.shape_cast %broadcast_in_dim3A_1 : vector<16xf32> to vector<1x16xf32>
      tpu.vector_store %arg10[%swap3A_81, %swap3A_82], %swap3A_85 {strides = array<i32>} : memref<80x128xf32, #tpu.memory_space<vmem>>, vector<1x16xf32>,
      %swap3A_86 = arith.index_cast %scan3A_75 : i32 to index
      %swap3A_87 = arith.constant 32 : index
      %swap3A_88 = tpu.vector_load %arg10[%swap3A_86, %swap3A_87] {strides = array<i32>} : memref<80x128xf32, #tpu.memory_space<vmem>>, vector<1x16xf32>,
      %swap3A_89 = vector.shape_cast %swap3A_88 : vector<1x16xf32> to vector<16xf32>
      %swap3A_90 = vector.shape_cast %broadcast_in_dim3A_1 : vector<16xf32> to vector<1x16xf32>
      tpu.vector_store %arg10[%swap3A_86, %swap3A_87], %swap3A_90 {strides = array<i32>} : memref<80x128xf32, #tpu.memory_space<vmem>>, vector<1x16xf32>,
      %swap3A_91 = arith.index_cast %scan3A_75 : i32 to index
      %swap3A_92 = arith.constant 48 : index
      %swap3A_93 = tpu.vector_load %arg10[%swap3A_91, %swap3A_92] {strides = array<i32>} : memref<80x128xf32, #tpu.memory_space<vmem>>, vector<1x16xf32>,
      %swap3A_94 = vector.shape_cast %swap3A_93 : vector<1x16xf32> to vector<16xf32>
      %swap3A_95 = vector.shape_cast %broadcast_in_dim3A_1 : vector<16xf32> to vector<1x16xf32>
      tpu.vector_store %arg10[%swap3A_91, %swap3A_92], %swap3A_95 {strides = array<i32>} : memref<80x128xf32, #tpu.memory_space<vmem>>, vector<1x16xf32>,
      %swap3A_96 = arith.index_cast %scan3A_75 : i32 to index
      %swap3A_97 = arith.constant 64 : index
      %swap3A_98 = tpu.vector_load %arg10[%swap3A_96, %swap3A_97] {strides = array<i32>} : memref<80x128xf32, #tpu.memory_space<vmem>>, vector<1x16xf32>,
      %swap3A_99 = vector.shape_cast %swap3A_98 : vector<1x16xf32> to vector<16xf32>
      %swap3A_100 = vector.shape_cast %broadcast_in_dim3A_1 : vector<16xf32> to vector<1x16xf32>
      tpu.vector_store %arg10[%swap3A_96, %swap3A_97], %swap3A_100 {strides = array<i32>} : memref<80x128xf32, #tpu.memory_space<vmem>>, vector<1x16xf32>,
      %swap3A_101 = arith.index_cast %scan3A_75 : i32 to index
      %swap3A_102 = arith.constant 80 : index
      %swap3A_103 = tpu.vector_load %arg10[%swap3A_101, %swap3A_102] {strides = array<i32>} : memref<80x128xf32, #tpu.memory_space<vmem>>, vector<1x16xf32>,
      %swap3A_104 = vector.shape_cast %swap3A_103 : vector<1x16xf32> to vector<16xf32>
      %swap3A_105 = vector.shape_cast %broadcast_in_dim3A_1 : vector<16xf32> to vector<1x16xf32>
      tpu.vector_store %arg10[%swap3A_101, %swap3A_102], %swap3A_105 {strides = array<i32>} : memref<80x128xf32, #tpu.memory_space<vmem>>, vector<1x16xf32>,
      %swap3A_106 = arith.index_cast %scan3A_75 : i32 to index
      %swap3A_107 = arith.constant 96 : index
      %swap3A_108 = tpu.vector_load %arg10[%swap3A_106, %swap3A_107] {strides = array<i32>} : memref<80x128xf32, #tpu.memory_space<vmem>>, vector<1x16xf32>,
      %swap3A_109 = vector.shape_cast %swap3A_108 : vector<1x16xf32> to vector<16xf32>
      %swap3A_110 = vector.shape_cast %broadcast_in_dim3A_1 : vector<16xf32> to vector<1x16xf32>
      tpu.vector_store %arg10[%swap3A_106, %swap3A_107], %swap3A_110 {strides = array<i32>} : memref<80x128xf32, #tpu.memory_space<vmem>>, vector<1x16xf32>,
      %swap3A_111 = arith.index_cast %scan3A_75 : i32 to index
      %swap3A_112 = arith.constant 112 : index
      %swap3A_113 = tpu.vector_load %arg10[%swap3A_111, %swap3A_112] {strides = array<i32>} : memref<80x128xf32, #tpu.memory_space<vmem>>, vector<1x16xf32>,
      %swap3A_114 = vector.shape_cast %swap3A_113 : vector<1x16xf32> to vector<16xf32>
      %swap3A_115 = vector.shape_cast %broadcast_in_dim3A_1 : vector<16xf32> to vector<1x16xf32>
      tpu.vector_store %arg10[%swap3A_111, %swap3A_112], %swap3A_115 {strides = array<i32>} : memref<80x128xf32, #tpu.memory_space<vmem>>, vector<1x16xf32>,
      %scan3A_116 = arith.constant 0 : i32
      scf.yield %scan3A_116 : i32
    }
    %scan3A_7 = arith.constant 80 : i32
    %mul3A_8 = arith.constant 10000 : i32
    %mul3A_9 = arith.muli %add3A, %mul3A_8 : i32
    "tpu.region"() ({
      %run_scoped3A = tpu.sem_alloc : memref<!tpu.dma_semaphore, #tpu.memory_space<semaphore_mem>>
      %dma_start3A_75 = tpu.memref_slice %arg3[%mul3A_9] : memref<320000xi32, #tpu.memory_space<hbm>> -> memref<10000xi32, #tpu.memory_space<hbm>>
      %dma_start3A_76 = tpu.memref_slice %arg3[%mul3A_9] : memref<320000xi32, #tpu.memory_space<hbm>> -> memref<10000xi32, #tpu.memory_space<hbm>>
      tpu.enqueue_dma source(%dma_start3A_76 : memref<10000xi32, #tpu.memory_space<hbm>>) target(%arg6 : memref<10000xi32, #tpu.memory_space<vmem>>) target_semaphore(%run_scoped3A : memref<!tpu.dma_semaphore, #tpu.memory_space<semaphore_mem>>)
      %dma_wait3A_77 = tpu.memref_slice %arg3[%mul3A_9] : memref<320000xi32, #tpu.memory_space<hbm>> -> memref<10000xi32, #tpu.memory_space<hbm>>
      %dma_wait3A_78 = tpu.memref_slice %arg3[%mul3A_9] : memref<320000xi32, #tpu.memory_space<hbm>> -> memref<10000xi32, #tpu.memory_space<hbm>>
      tpu.wait_dma2 semaphore(%run_scoped3A : memref<!tpu.dma_semaphore, #tpu.memory_space<semaphore_mem>>) src(%dma_wait3A_78 : memref<10000xi32, #tpu.memory_space<hbm>>) dst(%arg6 : memref<10000xi32, #tpu.memory_space<vmem>>)
      tpu.yield
    }) : () -> ()
    %mul3A_10 = arith.constant 640 : i32
    %mul3A_11 = arith.muli %arg1, %mul3A_10 : i32
    %add3A_12 = arith.constant 0 : i32
    %add3A_13 = arith.addi %mul3A_11, %add3A_12 : i32
    "tpu.region"() ({
      %run_scoped3A = tpu.sem_alloc : memref<!tpu.dma_semaphore, #tpu.memory_space<semaphore_mem>>
      %dma_start3A_75 = arith.constant 0 : i32
      %dma_start3A_76 = tpu.memref_slice %arg13[%add3A_13, %dma_start3A_75] : memref<10240x128xf32, #tpu.memory_space<vmem_shared>> -> memref<80x128xf32, #tpu.memory_space<vmem_shared>>
      %dma_start3A_77 = arith.constant 0 : i32
      %dma_start3A_78 = tpu.memref_slice %arg13[%add3A_13, %dma_start3A_77] : memref<10240x128xf32, #tpu.memory_space<vmem_shared>> -> memref<80x128xf32, #tpu.memory_space<vmem_shared>>
      tpu.enqueue_dma source(%arg10 : memref<80x128xf32, #tpu.memory_space<vmem>>) target(%dma_start3A_78 : memref<80x128xf32, #tpu.memory_space<vmem_shared>>) target_semaphore(%run_scoped3A : memref<!tpu.dma_semaphore, #tpu.memory_space<semaphore_mem>>)
      %dma_wait3A_79 = arith.constant 0 : i32
      %dma_wait3A_80 = tpu.memref_slice %arg13[%add3A_13, %dma_wait3A_79] : memref<10240x128xf32, #tpu.memory_space<vmem_shared>> -> memref<80x128xf32, #tpu.memory_space<vmem_shared>>
      %dma_wait3A_81 = arith.constant 0 : i32
      %dma_wait3A_82 = tpu.memref_slice %arg13[%add3A_13, %dma_wait3A_81] : memref<10240x128xf32, #tpu.memory_space<vmem_shared>> -> memref<80x128xf32, #tpu.memory_space<vmem_shared>>
      tpu.wait_dma2 semaphore(%run_scoped3A : memref<!tpu.dma_semaphore, #tpu.memory_space<semaphore_mem>>) src(%arg10 : memref<80x128xf32, #tpu.memory_space<vmem>>) dst(%dma_wait3A_82 : memref<80x128xf32, #tpu.memory_space<vmem_shared>>)
      tpu.yield
    }) : () -> ()
    %add3A_14 = arith.constant 80 : i32
    %add3A_15 = arith.addi %mul3A_11, %add3A_14 : i32
    "tpu.region"() ({
      %run_scoped3A = tpu.sem_alloc : memref<!tpu.dma_semaphore, #tpu.memory_space<semaphore_mem>>
      %dma_start3A_75 = arith.constant 0 : i32
      %dma_start3A_76 = tpu.memref_slice %arg13[%add3A_15, %dma_start3A_75] : memref<10240x128xf32, #tpu.memory_space<vmem_shared>> -> memref<80x128xf32, #tpu.memory_space<vmem_shared>>
      %dma_start3A_77 = arith.constant 0 : i32
      %dma_start3A_78 = tpu.memref_slice %arg13[%add3A_15, %dma_start3A_77] : memref<10240x128xf32, #tpu.memory_space<vmem_shared>> -> memref<80x128xf32, #tpu.memory_space<vmem_shared>>
      tpu.enqueue_dma source(%arg10 : memref<80x128xf32, #tpu.memory_space<vmem>>) target(%dma_start3A_78 : memref<80x128xf32, #tpu.memory_space<vmem_shared>>) target_semaphore(%run_scoped3A : memref<!tpu.dma_semaphore, #tpu.memory_space<semaphore_mem>>)
      %dma_wait3A_79 = arith.constant 0 : i32
      %dma_wait3A_80 = tpu.memref_slice %arg13[%add3A_15, %dma_wait3A_79] : memref<10240x128xf32, #tpu.memory_space<vmem_shared>> -> memref<80x128xf32, #tpu.memory_space<vmem_shared>>
      %dma_wait3A_81 = arith.constant 0 : i32
      %dma_wait3A_82 = tpu.memref_slice %arg13[%add3A_15, %dma_wait3A_81] : memref<10240x128xf32, #tpu.memory_space<vmem_shared>> -> memref<80x128xf32, #tpu.memory_space<vmem_shared>>
      tpu.wait_dma2 semaphore(%run_scoped3A : memref<!tpu.dma_semaphore, #tpu.memory_space<semaphore_mem>>) src(%arg10 : memref<80x128xf32, #tpu.memory_space<vmem>>) dst(%dma_wait3A_82 : memref<80x128xf32, #tpu.memory_space<vmem_shared>>)
      tpu.yield
    }) : () -> ()
    %add3A_16 = arith.constant 160 : i32
    %add3A_17 = arith.addi %mul3A_11, %add3A_16 : i32
    "tpu.region"() ({
      %run_scoped3A = tpu.sem_alloc : memref<!tpu.dma_semaphore, #tpu.memory_space<semaphore_mem>>
      %dma_start3A_75 = arith.constant 0 : i32
      %dma_start3A_76 = tpu.memref_slice %arg13[%add3A_17, %dma_start3A_75] : memref<10240x128xf32, #tpu.memory_space<vmem_shared>> -> memref<80x128xf32, #tpu.memory_space<vmem_shared>>
      %dma_start3A_77 = arith.constant 0 : i32
      %dma_start3A_78 = tpu.memref_slice %arg13[%add3A_17, %dma_start3A_77] : memref<10240x128xf32, #tpu.memory_space<vmem_shared>> -> memref<80x128xf32, #tpu.memory_space<vmem_shared>>
      tpu.enqueue_dma source(%arg10 : memref<80x128xf32, #tpu.memory_space<vmem>>) target(%dma_start3A_78 : memref<80x128xf32, #tpu.memory_space<vmem_shared>>) target_semaphore(%run_scoped3A : memref<!tpu.dma_semaphore, #tpu.memory_space<semaphore_mem>>)
      %dma_wait3A_79 = arith.constant 0 : i32
      %dma_wait3A_80 = tpu.memref_slice %arg13[%add3A_17, %dma_wait3A_79] : memref<10240x128xf32, #tpu.memory_space<vmem_shared>> -> memref<80x128xf32, #tpu.memory_space<vmem_shared>>
      %dma_wait3A_81 = arith.constant 0 : i32
      %dma_wait3A_82 = tpu.memref_slice %arg13[%add3A_17, %dma_wait3A_81] : memref<10240x128xf32, #tpu.memory_space<vmem_shared>> -> memref<80x128xf32, #tpu.memory_space<vmem_shared>>
      tpu.wait_dma2 semaphore(%run_scoped3A : memref<!tpu.dma_semaphore, #tpu.memory_space<semaphore_mem>>) src(%arg10 : memref<80x128xf32, #tpu.memory_space<vmem>>) dst(%dma_wait3A_82 : memref<80x128xf32, #tpu.memory_space<vmem_shared>>)
      tpu.yield
    }) : () -> ()
    %add3A_18 = arith.constant 240 : i32
    %add3A_19 = arith.addi %mul3A_11, %add3A_18 : i32
    "tpu.region"() ({
      %run_scoped3A = tpu.sem_alloc : memref<!tpu.dma_semaphore, #tpu.memory_space<semaphore_mem>>
      %dma_start3A_75 = arith.constant 0 : i32
      %dma_start3A_76 = tpu.memref_slice %arg13[%add3A_19, %dma_start3A_75] : memref<10240x128xf32, #tpu.memory_space<vmem_shared>> -> memref<80x128xf32, #tpu.memory_space<vmem_shared>>
      %dma_start3A_77 = arith.constant 0 : i32
      %dma_start3A_78 = tpu.memref_slice %arg13[%add3A_19, %dma_start3A_77] : memref<10240x128xf32, #tpu.memory_space<vmem_shared>> -> memref<80x128xf32, #tpu.memory_space<vmem_shared>>
      tpu.enqueue_dma source(%arg10 : memref<80x128xf32, #tpu.memory_space<vmem>>) target(%dma_start3A_78 : memref<80x128xf32, #tpu.memory_space<vmem_shared>>) target_semaphore(%run_scoped3A : memref<!tpu.dma_semaphore, #tpu.memory_space<semaphore_mem>>)
      %dma_wait3A_79 = arith.constant 0 : i32
      %dma_wait3A_80 = tpu.memref_slice %arg13[%add3A_19, %dma_wait3A_79] : memref<10240x128xf32, #tpu.memory_space<vmem_shared>> -> memref<80x128xf32, #tpu.memory_space<vmem_shared>>
      %dma_wait3A_81 = arith.constant 0 : i32
      %dma_wait3A_82 = tpu.memref_slice %arg13[%add3A_19, %dma_wait3A_81] : memref<10240x128xf32, #tpu.memory_space<vmem_shared>> -> memref<80x128xf32, #tpu.memory_space<vmem_shared>>
      tpu.wait_dma2 semaphore(%run_scoped3A : memref<!tpu.dma_semaphore, #tpu.memory_space<semaphore_mem>>) src(%arg10 : memref<80x128xf32, #tpu.memory_space<vmem>>) dst(%dma_wait3A_82 : memref<80x128xf32, #tpu.memory_space<vmem_shared>>)
      tpu.yield
    }) : () -> ()
    %add3A_20 = arith.constant 320 : i32
    %add3A_21 = arith.addi %mul3A_11, %add3A_20 : i32
    "tpu.region"() ({
      %run_scoped3A = tpu.sem_alloc : memref<!tpu.dma_semaphore, #tpu.memory_space<semaphore_mem>>
      %dma_start3A_75 = arith.constant 0 : i32
      %dma_start3A_76 = tpu.memref_slice %arg13[%add3A_21, %dma_start3A_75] : memref<10240x128xf32, #tpu.memory_space<vmem_shared>> -> memref<80x128xf32, #tpu.memory_space<vmem_shared>>
      %dma_start3A_77 = arith.constant 0 : i32
      %dma_start3A_78 = tpu.memref_slice %arg13[%add3A_21, %dma_start3A_77] : memref<10240x128xf32, #tpu.memory_space<vmem_shared>> -> memref<80x128xf32, #tpu.memory_space<vmem_shared>>
      tpu.enqueue_dma source(%arg10 : memref<80x128xf32, #tpu.memory_space<vmem>>) target(%dma_start3A_78 : memref<80x128xf32, #tpu.memory_space<vmem_shared>>) target_semaphore(%run_scoped3A : memref<!tpu.dma_semaphore, #tpu.memory_space<semaphore_mem>>)
      %dma_wait3A_79 = arith.constant 0 : i32
      %dma_wait3A_80 = tpu.memref_slice %arg13[%add3A_21, %dma_wait3A_79] : memref<10240x128xf32, #tpu.memory_space<vmem_shared>> -> memref<80x128xf32, #tpu.memory_space<vmem_shared>>
      %dma_wait3A_81 = arith.constant 0 : i32
      %dma_wait3A_82 = tpu.memref_slice %arg13[%add3A_21, %dma_wait3A_81] : memref<10240x128xf32, #tpu.memory_space<vmem_shared>> -> memref<80x128xf32, #tpu.memory_space<vmem_shared>>
      tpu.wait_dma2 semaphore(%run_scoped3A : memref<!tpu.dma_semaphore, #tpu.memory_space<semaphore_mem>>) src(%arg10 : memref<80x128xf32, #tpu.memory_space<vmem>>) dst(%dma_wait3A_82 : memref<80x128xf32, #tpu.memory_space<vmem_shared>>)
      tpu.yield
    }) : () -> ()
    %add3A_22 = arith.constant 400 : i32
    %add3A_23 = arith.addi %mul3A_11, %add3A_22 : i32
    "tpu.region"() ({
      %run_scoped3A = tpu.sem_alloc : memref<!tpu.dma_semaphore, #tpu.memory_space<semaphore_mem>>
      %dma_start3A_75 = arith.constant 0 : i32
      %dma_start3A_76 = tpu.memref_slice %arg13[%add3A_23, %dma_start3A_75] : memref<10240x128xf32, #tpu.memory_space<vmem_shared>> -> memref<80x128xf32, #tpu.memory_space<vmem_shared>>
      %dma_start3A_77 = arith.constant 0 : i32
      %dma_start3A_78 = tpu.memref_slice %arg13[%add3A_23, %dma_start3A_77] : memref<10240x128xf32, #tpu.memory_space<vmem_shared>> -> memref<80x128xf32, #tpu.memory_space<vmem_shared>>
      tpu.enqueue_dma source(%arg10 : memref<80x128xf32, #tpu.memory_space<vmem>>) target(%dma_start3A_78 : memref<80x128xf32, #tpu.memory_space<vmem_shared>>) target_semaphore(%run_scoped3A : memref<!tpu.dma_semaphore, #tpu.memory_space<semaphore_mem>>)
      %dma_wait3A_79 = arith.constant 0 : i32
      %dma_wait3A_80 = tpu.memref_slice %arg13[%add3A_23, %dma_wait3A_79] : memref<10240x128xf32, #tpu.memory_space<vmem_shared>> -> memref<80x128xf32, #tpu.memory_space<vmem_shared>>
      %dma_wait3A_81 = arith.constant 0 : i32
      %dma_wait3A_82 = tpu.memref_slice %arg13[%add3A_23, %dma_wait3A_81] : memref<10240x128xf32, #tpu.memory_space<vmem_shared>> -> memref<80x128xf32, #tpu.memory_space<vmem_shared>>
      tpu.wait_dma2 semaphore(%run_scoped3A : memref<!tpu.dma_semaphore, #tpu.memory_space<semaphore_mem>>) src(%arg10 : memref<80x128xf32, #tpu.memory_space<vmem>>) dst(%dma_wait3A_82 : memref<80x128xf32, #tpu.memory_space<vmem_shared>>)
      tpu.yield
    }) : () -> ()
    %add3A_24 = arith.constant 480 : i32
    %add3A_25 = arith.addi %mul3A_11, %add3A_24 : i32
    "tpu.region"() ({
      %run_scoped3A = tpu.sem_alloc : memref<!tpu.dma_semaphore, #tpu.memory_space<semaphore_mem>>
      %dma_start3A_75 = arith.constant 0 : i32
      %dma_start3A_76 = tpu.memref_slice %arg13[%add3A_25, %dma_start3A_75] : memref<10240x128xf32, #tpu.memory_space<vmem_shared>> -> memref<80x128xf32, #tpu.memory_space<vmem_shared>>
      %dma_start3A_77 = arith.constant 0 : i32
      %dma_start3A_78 = tpu.memref_slice %arg13[%add3A_25, %dma_start3A_77] : memref<10240x128xf32, #tpu.memory_space<vmem_shared>> -> memref<80x128xf32, #tpu.memory_space<vmem_shared>>
      tpu.enqueue_dma source(%arg10 : memref<80x128xf32, #tpu.memory_space<vmem>>) target(%dma_start3A_78 : memref<80x128xf32, #tpu.memory_space<vmem_shared>>) target_semaphore(%run_scoped3A : memref<!tpu.dma_semaphore, #tpu.memory_space<semaphore_mem>>)
      %dma_wait3A_79 = arith.constant 0 : i32
      %dma_wait3A_80 = tpu.memref_slice %arg13[%add3A_25, %dma_wait3A_79] : memref<10240x128xf32, #tpu.memory_space<vmem_shared>> -> memref<80x128xf32, #tpu.memory_space<vmem_shared>>
      %dma_wait3A_81 = arith.constant 0 : i32
      %dma_wait3A_82 = tpu.memref_slice %arg13[%add3A_25, %dma_wait3A_81] : memref<10240x128xf32, #tpu.memory_space<vmem_shared>> -> memref<80x128xf32, #tpu.memory_space<vmem_shared>>
      tpu.wait_dma2 semaphore(%run_scoped3A : memref<!tpu.dma_semaphore, #tpu.memory_space<semaphore_mem>>) src(%arg10 : memref<80x128xf32, #tpu.memory_space<vmem>>) dst(%dma_wait3A_82 : memref<80x128xf32, #tpu.memory_space<vmem_shared>>)
      tpu.yield
    }) : () -> ()
    %add3A_26 = arith.constant 560 : i32
    %add3A_27 = arith.addi %mul3A_11, %add3A_26 : i32
    "tpu.region"() ({
      %run_scoped3A = tpu.sem_alloc : memref<!tpu.dma_semaphore, #tpu.memory_space<semaphore_mem>>
      %dma_start3A_75 = arith.constant 0 : i32
      %dma_start3A_76 = tpu.memref_slice %arg13[%add3A_27, %dma_start3A_75] : memref<10240x128xf32, #tpu.memory_space<vmem_shared>> -> memref<80x128xf32, #tpu.memory_space<vmem_shared>>
      %dma_start3A_77 = arith.constant 0 : i32
      %dma_start3A_78 = tpu.memref_slice %arg13[%add3A_27, %dma_start3A_77] : memref<10240x128xf32, #tpu.memory_space<vmem_shared>> -> memref<80x128xf32, #tpu.memory_space<vmem_shared>>
      tpu.enqueue_dma source(%arg10 : memref<80x128xf32, #tpu.memory_space<vmem>>) target(%dma_start3A_78 : memref<80x128xf32, #tpu.memory_space<vmem_shared>>) target_semaphore(%run_scoped3A : memref<!tpu.dma_semaphore, #tpu.memory_space<semaphore_mem>>)
      %dma_wait3A_79 = arith.constant 0 : i32
      %dma_wait3A_80 = tpu.memref_slice %arg13[%add3A_27, %dma_wait3A_79] : memref<10240x128xf32, #tpu.memory_space<vmem_shared>> -> memref<80x128xf32, #tpu.memory_space<vmem_shared>>
      %dma_wait3A_81 = arith.constant 0 : i32
      %dma_wait3A_82 = tpu.memref_slice %arg13[%add3A_27, %dma_wait3A_81] : memref<10240x128xf32, #tpu.memory_space<vmem_shared>> -> memref<80x128xf32, #tpu.memory_space<vmem_shared>>
      tpu.wait_dma2 semaphore(%run_scoped3A : memref<!tpu.dma_semaphore, #tpu.memory_space<semaphore_mem>>) src(%arg10 : memref<80x128xf32, #tpu.memory_space<vmem>>) dst(%dma_wait3A_82 : memref<80x128xf32, #tpu.memory_space<vmem_shared>>)
      tpu.yield
    }) : () -> ()
    %barrier3A = arith.constant 0 : index
    tpu.barrier barrier_id(%barrier3A)
    %mul3A_28 = arith.constant 10000 : i32
    %mul3A_29 = arith.muli %add3A, %mul3A_28 : i32
    %add3A_30 = arith.constant 0 : i32
    %add3A_31 = arith.addi %mul3A_29, %add3A_30 : i32
    %dma_start3A = tpu.memref_slice %arg4[%add3A_31] : memref<320000xi32, #tpu.memory_space<hbm>> -> memref<80xi32, #tpu.memory_space<hbm>>
    %dma_start3A_32 = tpu.memref_slice %arg4[%add3A_31] : memref<320000xi32, #tpu.memory_space<hbm>> -> memref<80xi32, #tpu.memory_space<hbm>>
    tpu.enqueue_dma source(%dma_start3A_32 : memref<80xi32, #tpu.memory_space<hbm>>) target(%arg7 : memref<80xi32, #tpu.memory_space<vmem>>) target_semaphore(%arg17 : memref<!tpu.dma_semaphore, #tpu.memory_space<semaphore_mem>>)
    %dma_start3A_33 = arith.constant 0 : i32
    %dma_start3A_34 = tpu.memref_slice %arg6[%dma_start3A_33] : memref<10000xi32, #tpu.memory_space<vmem>> -> memref<80xi32, #tpu.memory_space<vmem>>
    %dma_start3A_35 = arith.constant 0 : i32
    %dma_start3A_36 = arith.constant 0 : i32
    %dma_start3A_37 = tpu.memref_slice %arg2[%dma_start3A_35, %dma_start3A_36] : memref<10240x128xf32, #tpu.memory_space<hbm>> -> memref<10240x128xf32, #tpu.memory_space<hbm>>
    tpu.enqueue_indirect_dma source(%dma_start3A_37 : memref<10240x128xf32, #tpu.memory_space<hbm>>) target(%arg10 : memref<80x128xf32, #tpu.memory_space<vmem>>) offsets(%dma_start3A_34 : memref<80xi32, #tpu.memory_space<vmem>>) semaphore(%arg14 : memref<!tpu.dma_semaphore, #tpu.memory_space<semaphore_mem>>)
    %add3A_38 = arith.constant 80 : i32
    %add3A_39 = arith.addi %mul3A_29, %add3A_38 : i32
    %dma_start3A_40 = tpu.memref_slice %arg4[%add3A_39] : memref<320000xi32, #tpu.memory_space<hbm>> -> memref<80xi32, #tpu.memory_space<hbm>>
    %dma_start3A_41 = tpu.memref_slice %arg4[%add3A_39] : memref<320000xi32, #tpu.memory_space<hbm>> -> memref<80xi32, #tpu.memory_space<hbm>>
    tpu.enqueue_dma source(%dma_start3A_41 : memref<80xi32, #tpu.memory_space<hbm>>) target(%arg8 : memref<80xi32, #tpu.memory_space<vmem>>) target_semaphore(%arg18 : memref<!tpu.dma_semaphore, #tpu.memory_space<semaphore_mem>>)
    %dma_start3A_42 = arith.constant 80 : i32
    %dma_start3A_43 = tpu.memref_slice %arg6[%dma_start3A_42] : memref<10000xi32, #tpu.memory_space<vmem>> -> memref<80xi32, #tpu.memory_space<vmem>>
    %dma_start3A_44 = arith.constant 0 : i32
    %dma_start3A_45 = arith.constant 0 : i32
    %dma_start3A_46 = tpu.memref_slice %arg2[%dma_start3A_44, %dma_start3A_45] : memref<10240x128xf32, #tpu.memory_space<hbm>> -> memref<10240x128xf32, #tpu.memory_space<hbm>>
    tpu.enqueue_indirect_dma source(%dma_start3A_46 : memref<10240x128xf32, #tpu.memory_space<hbm>>) target(%arg11 : memref<80x128xf32, #tpu.memory_space<vmem>>) offsets(%dma_start3A_43 : memref<80xi32, #tpu.memory_space<vmem>>) semaphore(%arg15 : memref<!tpu.dma_semaphore, #tpu.memory_space<semaphore_mem>>)
    %scan3A_47 = arith.constant 0 : i32
    %scan3A_48 = arith.constant 0 : i32
    %scan3A_49 = arith.constant 41 : i32
    %scan3A_50 = arith.addi %scan3A_48, %scan3A_49 : i32
    %scan3A_51 = arith.constant 1 : i32
    %scan3A_52 = scf.for %scan3A_75 = %scan3A_48 to %scan3A_50 step %scan3A_51 iter_args(%scan3A_76 = %scan3A_47) -> (i32)  : i32 {
      %mul3A_77 = arith.constant 3 : i32
      %mul3A_78 = arith.muli %mul3A_77, %scan3A_75 : i32
      %add3A_79 = arith.constant 0 : i32
      %add3A_80 = arith.addi %mul3A_78, %add3A_79 : i32
      %add3A_81 = arith.constant 2 : i32
      %add3A_82 = arith.addi %add3A_80, %add3A_81 : i32
      %mul3A_83 = arith.constant 80 : i32
      %mul3A_84 = arith.muli %add3A_82, %mul3A_83 : i32
      %add3A_85 = arith.addi %mul3A_29, %mul3A_84 : i32
      %dma_start3A_86 = tpu.memref_slice %arg4[%add3A_85] : memref<320000xi32, #tpu.memory_space<hbm>> -> memref<80xi32, #tpu.memory_space<hbm>>
      %dma_start3A_87 = tpu.memref_slice %arg4[%add3A_85] : memref<320000xi32, #tpu.memory_space<hbm>> -> memref<80xi32, #tpu.memory_space<hbm>>
      tpu.enqueue_dma source(%dma_start3A_87 : memref<80xi32, #tpu.memory_space<hbm>>) target(%arg9 : memref<80xi32, #tpu.memory_space<vmem>>) target_semaphore(%arg19 : memref<!tpu.dma_semaphore, #tpu.memory_space<semaphore_mem>>)
      %add3A_88 = arith.constant 2 : i32
      %add3A_89 = arith.addi %add3A_80, %add3A_88 : i32
      %mul3A_90 = arith.constant 80 : i32
      %mul3A_91 = arith.muli %add3A_89, %mul3A_90 : i32
      %dma_start3A_92 = tpu.memref_slice %arg6[%mul3A_91] : memref<10000xi32, #tpu.memory_space<vmem>> -> memref<80xi32, #tpu.memory_space<vmem>>
      %dma_start3A_93 = arith.constant 0 : i32
      %dma_start3A_94 = arith.constant 0 : i32
      %dma_start3A_95 = tpu.memref_slice %arg2[%dma_start3A_93, %dma_start3A_94] : memref<10240x128xf32, #tpu.memory_space<hbm>> -> memref<10240x128xf32, #tpu.memory_space<hbm>>
      tpu.enqueue_indirect_dma source(%dma_start3A_95 : memref<10240x128xf32, #tpu.memory_space<hbm>>) target(%arg12 : memref<80x128xf32, #tpu.memory_space<vmem>>) offsets(%dma_start3A_92 : memref<80xi32, #tpu.memory_space<vmem>>) semaphore(%arg16 : memref<!tpu.dma_semaphore, #tpu.memory_space<semaphore_mem>>)
      %mul3A_96 = arith.constant 80 : i32
      %mul3A_97 = arith.muli %add3A_80, %mul3A_96 : i32
      %dma_wait3A_98 = tpu.memref_slice %arg6[%mul3A_97] : memref<10000xi32, #tpu.memory_space<vmem>> -> memref<80xi32, #tpu.memory_space<vmem>>
      %dma_wait3A_99 = arith.constant 0 : i32
      %dma_wait3A_100 = arith.constant 0 : i32
      %dma_wait3A_101 = tpu.memref_slice %arg2[%dma_wait3A_99, %dma_wait3A_100] : memref<10240x128xf32, #tpu.memory_space<hbm>> -> memref<10240x128xf32, #tpu.memory_space<hbm>>
      tpu.wait_indirect_dma semaphore(%arg14 : memref<!tpu.dma_semaphore, #tpu.memory_space<semaphore_mem>>) src(%dma_wait3A_101 : memref<10240x128xf32, #tpu.memory_space<hbm>>) dst(%arg10 : memref<80x128xf32, #tpu.memory_space<vmem>>)
      %mul3A_102 = arith.constant 80 : i32
      %mul3A_103 = arith.muli %add3A_80, %mul3A_102 : i32
      %add3A_104 = arith.addi %mul3A_29, %mul3A_103 : i32
      %dma_wait3A_105 = tpu.memref_slice %arg4[%add3A_104] : memref<320000xi32, #tpu.memory_space<hbm>> -> memref<80xi32, #tpu.memory_space<hbm>>
      %dma_wait3A_106 = tpu.memref_slice %arg4[%add3A_104] : memref<320000xi32, #tpu.memory_space<hbm>> -> memref<80xi32, #tpu.memory_space<hbm>>
      tpu.wait_dma2 semaphore(%arg17 : memref<!tpu.dma_semaphore, #tpu.memory_space<semaphore_mem>>) src(%dma_wait3A_106 : memref<80xi32, #tpu.memory_space<hbm>>) dst(%arg7 : memref<80xi32, #tpu.memory_space<vmem>>)
      "tpu.region"() ({
        %run_scoped3A = tpu.sem_alloc : memref<!tpu.dma_semaphore, #tpu.memory_space<semaphore_mem>>
        %dma_start3A_168 = arith.constant 0 : i32
        %dma_start3A_169 = arith.constant 0 : i32
        %dma_start3A_170 = tpu.memref_slice %arg13[%dma_start3A_168, %dma_start3A_169] : memref<10240x128xf32, #tpu.memory_space<vmem_shared>> -> memref<10240x128xf32, #tpu.memory_space<vmem_shared>>
        tpu.enqueue_indirect_dma source(%arg10 : memref<80x128xf32, #tpu.memory_space<vmem>>) target(%dma_start3A_170 : memref<10240x128xf32, #tpu.memory_space<vmem_shared>>) offsets(%arg7 : memref<80xi32, #tpu.memory_space<vmem>>) semaphore(%run_scoped3A : memref<!tpu.dma_semaphore, #tpu.memory_space<semaphore_mem>>) {add = true}
        %dma_wait3A_171 = arith.constant 0 : i32
        %dma_wait3A_172 = arith.constant 0 : i32
        %dma_wait3A_173 = tpu.memref_slice %arg13[%dma_wait3A_171, %dma_wait3A_172] : memref<10240x128xf32, #tpu.memory_space<vmem_shared>> -> memref<10240x128xf32, #tpu.memory_space<vmem_shared>>
        tpu.wait_indirect_dma semaphore(%run_scoped3A : memref<!tpu.dma_semaphore, #tpu.memory_space<semaphore_mem>>) src(%arg10 : memref<80x128xf32, #tpu.memory_space<vmem>>) dst(%dma_wait3A_173 : memref<10240x128xf32, #tpu.memory_space<vmem_shared>>)
        tpu.yield
      }) : () -> ()
      %mul3A_107 = arith.constant 3 : i32
      %mul3A_108 = arith.muli %mul3A_107, %scan3A_75 : i32
      %add3A_109 = arith.constant 1 : i32
      %add3A_110 = arith.addi %mul3A_108, %add3A_109 : i32
      %add3A_111 = arith.constant 2 : i32
      %add3A_112 = arith.addi %add3A_110, %add3A_111 : i32
      %mul3A_113 = arith.constant 80 : i32
      %mul3A_114 = arith.muli %add3A_112, %mul3A_113 : i32
      %add3A_115 = arith.addi %mul3A_29, %mul3A_114 : i32
      %dma_start3A_116 = tpu.memref_slice %arg4[%add3A_115] : memref<320000xi32, #tpu.memory_space<hbm>> -> memref<80xi32, #tpu.memory_space<hbm>>
      %dma_start3A_117 = tpu.memref_slice %arg4[%add3A_115] : memref<320000xi32, #tpu.memory_space<hbm>> -> memref<80xi32, #tpu.memory_space<hbm>>
      tpu.enqueue_dma source(%dma_start3A_117 : memref<80xi32, #tpu.memory_space<hbm>>) target(%arg7 : memref<80xi32, #tpu.memory_space<vmem>>) target_semaphore(%arg17 : memref<!tpu.dma_semaphore, #tpu.memory_space<semaphore_mem>>)
      %add3A_118 = arith.constant 2 : i32
      %add3A_119 = arith.addi %add3A_110, %add3A_118 : i32
      %mul3A_120 = arith.constant 80 : i32
      %mul3A_121 = arith.muli %add3A_119, %mul3A_120 : i32
      %dma_start3A_122 = tpu.memref_slice %arg6[%mul3A_121] : memref<10000xi32, #tpu.memory_space<vmem>> -> memref<80xi32, #tpu.memory_space<vmem>>
      %dma_start3A_123 = arith.constant 0 : i32
      %dma_start3A_124 = arith.constant 0 : i32
      %dma_start3A_125 = tpu.memref_slice %arg2[%dma_start3A_123, %dma_start3A_124] : memref<10240x128xf32, #tpu.memory_space<hbm>> -> memref<10240x128xf32, #tpu.memory_space<hbm>>
      tpu.enqueue_indirect_dma source(%dma_start3A_125 : memref<10240x128xf32, #tpu.memory_space<hbm>>) target(%arg10 : memref<80x128xf32, #tpu.memory_space<vmem>>) offsets(%dma_start3A_122 : memref<80xi32, #tpu.memory_space<vmem>>) semaphore(%arg14 : memref<!tpu.dma_semaphore, #tpu.memory_space<semaphore_mem>>)
      %mul3A_126 = arith.constant 80 : i32
      %mul3A_127 = arith.muli %add3A_110, %mul3A_126 : i32
      %dma_wait3A_128 = tpu.memref_slice %arg6[%mul3A_127] : memref<10000xi32, #tpu.memory_space<vmem>> -> memref<80xi32, #tpu.memory_space<vmem>>
      %dma_wait3A_129 = arith.constant 0 : i32
      %dma_wait3A_130 = arith.constant 0 : i32
      %dma_wait3A_131 = tpu.memref_slice %arg2[%dma_wait3A_129, %dma_wait3A_130] : memref<10240x128xf32, #tpu.memory_space<hbm>> -> memref<10240x128xf32, #tpu.memory_space<hbm>>
      tpu.wait_indirect_dma semaphore(%arg15 : memref<!tpu.dma_semaphore, #tpu.memory_space<semaphore_mem>>) src(%dma_wait3A_131 : memref<10240x128xf32, #tpu.memory_space<hbm>>) dst(%arg11 : memref<80x128xf32, #tpu.memory_space<vmem>>)
      %mul3A_132 = arith.constant 80 : i32
      %mul3A_133 = arith.muli %add3A_110, %mul3A_132 : i32
      %add3A_134 = arith.addi %mul3A_29, %mul3A_133 : i32
      %dma_wait3A_135 = tpu.memref_slice %arg4[%add3A_134] : memref<320000xi32, #tpu.memory_space<hbm>> -> memref<80xi32, #tpu.memory_space<hbm>>
      %dma_wait3A_136 = tpu.memref_slice %arg4[%add3A_134] : memref<320000xi32, #tpu.memory_space<hbm>> -> memref<80xi32, #tpu.memory_space<hbm>>
      tpu.wait_dma2 semaphore(%arg18 : memref<!tpu.dma_semaphore, #tpu.memory_space<semaphore_mem>>) src(%dma_wait3A_136 : memref<80xi32, #tpu.memory_space<hbm>>) dst(%arg8 : memref<80xi32, #tpu.memory_space<vmem>>)
      "tpu.region"() ({
        %run_scoped3A = tpu.sem_alloc : memref<!tpu.dma_semaphore, #tpu.memory_space<semaphore_mem>>
        %dma_start3A_168 = arith.constant 0 : i32
        %dma_start3A_169 = arith.constant 0 : i32
        %dma_start3A_170 = tpu.memref_slice %arg13[%dma_start3A_168, %dma_start3A_169] : memref<10240x128xf32, #tpu.memory_space<vmem_shared>> -> memref<10240x128xf32, #tpu.memory_space<vmem_shared>>
        tpu.enqueue_indirect_dma source(%arg11 : memref<80x128xf32, #tpu.memory_space<vmem>>) target(%dma_start3A_170 : memref<10240x128xf32, #tpu.memory_space<vmem_shared>>) offsets(%arg8 : memref<80xi32, #tpu.memory_space<vmem>>) semaphore(%run_scoped3A : memref<!tpu.dma_semaphore, #tpu.memory_space<semaphore_mem>>) {add = true}
        %dma_wait3A_171 = arith.constant 0 : i32
        %dma_wait3A_172 = arith.constant 0 : i32
        %dma_wait3A_173 = tpu.memref_slice %arg13[%dma_wait3A_171, %dma_wait3A_172] : memref<10240x128xf32, #tpu.memory_space<vmem_shared>> -> memref<10240x128xf32, #tpu.memory_space<vmem_shared>>
        tpu.wait_indirect_dma semaphore(%run_scoped3A : memref<!tpu.dma_semaphore, #tpu.memory_space<semaphore_mem>>) src(%arg11 : memref<80x128xf32, #tpu.memory_space<vmem>>) dst(%dma_wait3A_173 : memref<10240x128xf32, #tpu.memory_space<vmem_shared>>)
        tpu.yield
      }) : () -> ()
      %mul3A_137 = arith.constant 3 : i32
      %mul3A_138 = arith.muli %mul3A_137, %scan3A_75 : i32
      %add3A_139 = arith.constant 2 : i32
      %add3A_140 = arith.addi %mul3A_138, %add3A_139 : i32
      %add3A_141 = arith.constant 2 : i32
      %add3A_142 = arith.addi %add3A_140, %add3A_141 : i32
      %mul3A_143 = arith.constant 80 : i32
      %mul3A_144 = arith.muli %add3A_142, %mul3A_143 : i32
      %add3A_145 = arith.addi %mul3A_29, %mul3A_144 : i32
      %dma_start3A_146 = tpu.memref_slice %arg4[%add3A_145] : memref<320000xi32, #tpu.memory_space<hbm>> -> memref<80xi32, #tpu.memory_space<hbm>>
      %dma_start3A_147 = tpu.memref_slice %arg4[%add3A_145] : memref<320000xi32, #tpu.memory_space<hbm>> -> memref<80xi32, #tpu.memory_space<hbm>>
      tpu.enqueue_dma source(%dma_start3A_147 : memref<80xi32, #tpu.memory_space<hbm>>) target(%arg8 : memref<80xi32, #tpu.memory_space<vmem>>) target_semaphore(%arg18 : memref<!tpu.dma_semaphore, #tpu.memory_space<semaphore_mem>>)
      %add3A_148 = arith.constant 2 : i32
      %add3A_149 = arith.addi %add3A_140, %add3A_148 : i32
      %mul3A_150 = arith.constant 80 : i32
      %mul3A_151 = arith.muli %add3A_149, %mul3A_150 : i32
      %dma_start3A_152 = tpu.memref_slice %arg6[%mul3A_151] : memref<10000xi32, #tpu.memory_space<vmem>> -> memref<80xi32, #tpu.memory_space<vmem>>
      %dma_start3A_153 = arith.constant 0 : i32
      %dma_start3A_154 = arith.constant 0 : i32
      %dma_start3A_155 = tpu.memref_slice %arg2[%dma_start3A_153, %dma_start3A_154] : memref<10240x128xf32, #tpu.memory_space<hbm>> -> memref<10240x128xf32, #tpu.memory_space<hbm>>
      tpu.enqueue_indirect_dma source(%dma_start3A_155 : memref<10240x128xf32, #tpu.memory_space<hbm>>) target(%arg11 : memref<80x128xf32, #tpu.memory_space<vmem>>) offsets(%dma_start3A_152 : memref<80xi32, #tpu.memory_space<vmem>>) semaphore(%arg15 : memref<!tpu.dma_semaphore, #tpu.memory_space<semaphore_mem>>)
      %mul3A_156 = arith.constant 80 : i32
      %mul3A_157 = arith.muli %add3A_140, %mul3A_156 : i32
      %dma_wait3A_158 = tpu.memref_slice %arg6[%mul3A_157] : memref<10000xi32, #tpu.memory_space<vmem>> -> memref<80xi32, #tpu.memory_space<vmem>>
      %dma_wait3A_159 = arith.constant 0 : i32
      %dma_wait3A_160 = arith.constant 0 : i32
      %dma_wait3A_161 = tpu.memref_slice %arg2[%dma_wait3A_159, %dma_wait3A_160] : memref<10240x128xf32, #tpu.memory_space<hbm>> -> memref<10240x128xf32, #tpu.memory_space<hbm>>
      tpu.wait_indirect_dma semaphore(%arg16 : memref<!tpu.dma_semaphore, #tpu.memory_space<semaphore_mem>>) src(%dma_wait3A_161 : memref<10240x128xf32, #tpu.memory_space<hbm>>) dst(%arg12 : memref<80x128xf32, #tpu.memory_space<vmem>>)
      %mul3A_162 = arith.constant 80 : i32
      %mul3A_163 = arith.muli %add3A_140, %mul3A_162 : i32
      %add3A_164 = arith.addi %mul3A_29, %mul3A_163 : i32
      %dma_wait3A_165 = tpu.memref_slice %arg4[%add3A_164] : memref<320000xi32, #tpu.memory_space<hbm>> -> memref<80xi32, #tpu.memory_space<hbm>>
      %dma_wait3A_166 = tpu.memref_slice %arg4[%add3A_164] : memref<320000xi32, #tpu.memory_space<hbm>> -> memref<80xi32, #tpu.memory_space<hbm>>
      tpu.wait_dma2 semaphore(%arg19 : memref<!tpu.dma_semaphore, #tpu.memory_space<semaphore_mem>>) src(%dma_wait3A_166 : memref<80xi32, #tpu.memory_space<hbm>>) dst(%arg9 : memref<80xi32, #tpu.memory_space<vmem>>)
      "tpu.region"() ({
        %run_scoped3A = tpu.sem_alloc : memref<!tpu.dma_semaphore, #tpu.memory_space<semaphore_mem>>
        %dma_start3A_168 = arith.constant 0 : i32
        %dma_start3A_169 = arith.constant 0 : i32
        %dma_start3A_170 = tpu.memref_slice %arg13[%dma_start3A_168, %dma_start3A_169] : memref<10240x128xf32, #tpu.memory_space<vmem_shared>> -> memref<10240x128xf32, #tpu.memory_space<vmem_shared>>
        tpu.enqueue_indirect_dma source(%arg12 : memref<80x128xf32, #tpu.memory_space<vmem>>) target(%dma_start3A_170 : memref<10240x128xf32, #tpu.memory_space<vmem_shared>>) offsets(%arg9 : memref<80xi32, #tpu.memory_space<vmem>>) semaphore(%run_scoped3A : memref<!tpu.dma_semaphore, #tpu.memory_space<semaphore_mem>>) {add = true}
        %dma_wait3A_171 = arith.constant 0 : i32
        %dma_wait3A_172 = arith.constant 0 : i32
        %dma_wait3A_173 = tpu.memref_slice %arg13[%dma_wait3A_171, %dma_wait3A_172] : memref<10240x128xf32, #tpu.memory_space<vmem_shared>> -> memref<10240x128xf32, #tpu.memory_space<vmem_shared>>
        tpu.wait_indirect_dma semaphore(%run_scoped3A : memref<!tpu.dma_semaphore, #tpu.memory_space<semaphore_mem>>) src(%arg12 : memref<80x128xf32, #tpu.memory_space<vmem>>) dst(%dma_wait3A_173 : memref<10240x128xf32, #tpu.memory_space<vmem_shared>>)
        tpu.yield
      }) : () -> ()
      %scan3A_167 = arith.constant 0 : i32
      scf.yield %scan3A_167 : i32
    }
    %scan3A_53 = arith.constant 41 : i32
    %dma_wait3A = arith.constant 9840 : i32
    %dma_wait3A_54 = tpu.memref_slice %arg6[%dma_wait3A] : memref<10000xi32, #tpu.memory_space<vmem>> -> memref<80xi32, #tpu.memory_space<vmem>>
    %dma_wait3A_55 = arith.constant 0 : i32
    %dma_wait3A_56 = arith.constant 0 : i32
    %dma_wait3A_57 = tpu.memref_slice %arg2[%dma_wait3A_55, %dma_wait3A_56] : memref<10240x128xf32, #tpu.memory_space<hbm>> -> memref<10240x128xf32, #tpu.memory_space<hbm>>
    tpu.wait_indirect_dma semaphore(%arg14 : memref<!tpu.dma_semaphore, #tpu.memory_space<semaphore_mem>>) src(%dma_wait3A_57 : memref<10240x128xf32, #tpu.memory_space<hbm>>) dst(%arg10 : memref<80x128xf32, #tpu.memory_space<vmem>>)
    %add3A_58 = arith.constant 9840 : i32
    %add3A_59 = arith.addi %mul3A_29, %add3A_58 : i32
    %dma_wait3A_60 = tpu.memref_slice %arg4[%add3A_59] : memref<320000xi32, #tpu.memory_space<hbm>> -> memref<80xi32, #tpu.memory_space<hbm>>
    %dma_wait3A_61 = tpu.memref_slice %arg4[%add3A_59] : memref<320000xi32, #tpu.memory_space<hbm>> -> memref<80xi32, #tpu.memory_space<hbm>>
    tpu.wait_dma2 semaphore(%arg17 : memref<!tpu.dma_semaphore, #tpu.memory_space<semaphore_mem>>) src(%dma_wait3A_61 : memref<80xi32, #tpu.memory_space<hbm>>) dst(%arg7 : memref<80xi32, #tpu.memory_space<vmem>>)
    "tpu.region"() ({
      %run_scoped3A = tpu.sem_alloc : memref<!tpu.dma_semaphore, #tpu.memory_space<semaphore_mem>>
      %dma_start3A_75 = arith.constant 0 : i32
      %dma_start3A_76 = arith.constant 0 : i32
      %dma_start3A_77 = tpu.memref_slice %arg13[%dma_start3A_75, %dma_start3A_76] : memref<10240x128xf32, #tpu.memory_space<vmem_shared>> -> memref<10240x128xf32, #tpu.memory_space<vmem_shared>>
      tpu.enqueue_indirect_dma source(%arg10 : memref<80x128xf32, #tpu.memory_space<vmem>>) target(%dma_start3A_77 : memref<10240x128xf32, #tpu.memory_space<vmem_shared>>) offsets(%arg7 : memref<80xi32, #tpu.memory_space<vmem>>) semaphore(%run_scoped3A : memref<!tpu.dma_semaphore, #tpu.memory_space<semaphore_mem>>) {add = true}
      %dma_wait3A_78 = arith.constant 0 : i32
      %dma_wait3A_79 = arith.constant 0 : i32
      %dma_wait3A_80 = tpu.memref_slice %arg13[%dma_wait3A_78, %dma_wait3A_79] : memref<10240x128xf32, #tpu.memory_space<vmem_shared>> -> memref<10240x128xf32, #tpu.memory_space<vmem_shared>>
      tpu.wait_indirect_dma semaphore(%run_scoped3A : memref<!tpu.dma_semaphore, #tpu.memory_space<semaphore_mem>>) src(%arg10 : memref<80x128xf32, #tpu.memory_space<vmem>>) dst(%dma_wait3A_80 : memref<10240x128xf32, #tpu.memory_space<vmem_shared>>)
      tpu.yield
    }) : () -> ()
    %dma_wait3A_62 = arith.constant 9920 : i32
    %dma_wait3A_63 = tpu.memref_slice %arg6[%dma_wait3A_62] : memref<10000xi32, #tpu.memory_space<vmem>> -> memref<80xi32, #tpu.memory_space<vmem>>
    %dma_wait3A_64 = arith.constant 0 : i32
    %dma_wait3A_65 = arith.constant 0 : i32
    %dma_wait3A_66 = tpu.memref_slice %arg2[%dma_wait3A_64, %dma_wait3A_65] : memref<10240x128xf32, #tpu.memory_space<hbm>> -> memref<10240x128xf32, #tpu.memory_space<hbm>>
    tpu.wait_indirect_dma semaphore(%arg15 : memref<!tpu.dma_semaphore, #tpu.memory_space<semaphore_mem>>) src(%dma_wait3A_66 : memref<10240x128xf32, #tpu.memory_space<hbm>>) dst(%arg11 : memref<80x128xf32, #tpu.memory_space<vmem>>)
    %add3A_67 = arith.constant 9920 : i32
    %add3A_68 = arith.addi %mul3A_29, %add3A_67 : i32
    %dma_wait3A_69 = tpu.memref_slice %arg4[%add3A_68] : memref<320000xi32, #tpu.memory_space<hbm>> -> memref<80xi32, #tpu.memory_space<hbm>>
    %dma_wait3A_70 = tpu.memref_slice %arg4[%add3A_68] : memref<320000xi32, #tpu.memory_space<hbm>> -> memref<80xi32, #tpu.memory_space<hbm>>
    tpu.wait_dma2 semaphore(%arg18 : memref<!tpu.dma_semaphore, #tpu.memory_space<semaphore_mem>>) src(%dma_wait3A_70 : memref<80xi32, #tpu.memory_space<hbm>>) dst(%arg8 : memref<80xi32, #tpu.memory_space<vmem>>)
    "tpu.region"() ({
      %run_scoped3A = tpu.sem_alloc : memref<!tpu.dma_semaphore, #tpu.memory_space<semaphore_mem>>
      %dma_start3A_75 = arith.constant 0 : i32
      %dma_start3A_76 = arith.constant 0 : i32
      %dma_start3A_77 = tpu.memref_slice %arg13[%dma_start3A_75, %dma_start3A_76] : memref<10240x128xf32, #tpu.memory_space<vmem_shared>> -> memref<10240x128xf32, #tpu.memory_space<vmem_shared>>
      tpu.enqueue_indirect_dma source(%arg11 : memref<80x128xf32, #tpu.memory_space<vmem>>) target(%dma_start3A_77 : memref<10240x128xf32, #tpu.memory_space<vmem_shared>>) offsets(%arg8 : memref<80xi32, #tpu.memory_space<vmem>>) semaphore(%run_scoped3A : memref<!tpu.dma_semaphore, #tpu.memory_space<semaphore_mem>>) {add = true}
      %dma_wait3A_78 = arith.constant 0 : i32
      %dma_wait3A_79 = arith.constant 0 : i32
      %dma_wait3A_80 = tpu.memref_slice %arg13[%dma_wait3A_78, %dma_wait3A_79] : memref<10240x128xf32, #tpu.memory_space<vmem_shared>> -> memref<10240x128xf32, #tpu.memory_space<vmem_shared>>
      tpu.wait_indirect_dma semaphore(%run_scoped3A : memref<!tpu.dma_semaphore, #tpu.memory_space<semaphore_mem>>) src(%arg11 : memref<80x128xf32, #tpu.memory_space<vmem>>) dst(%dma_wait3A_80 : memref<10240x128xf32, #tpu.memory_space<vmem_shared>>)
      tpu.yield
    }) : () -> ()
    %barrier3A_71 = arith.constant 0 : index
    tpu.barrier barrier_id(%barrier3A_71)
    %mul3A_72 = arith.constant 10240 : i32
    %mul3A_73 = arith.muli %arg0, %mul3A_72 : i32
    %add3A_74 = arith.addi %mul3A_73, %mul3A_11 : i32
    "tpu.region"() ({
      %run_scoped3A = tpu.sem_alloc : memref<!tpu.dma_semaphore, #tpu.memory_space<semaphore_mem>>
      %dma_start3A_75 = arith.constant 0 : i32
      %dma_start3A_76 = tpu.memref_slice %arg5[%add3A_74, %dma_start3A_75] : memref<20480x128xf32, #tpu.memory_space<hbm>> -> memref<640x128xf32, #tpu.memory_space<hbm>>
      %dma_start3A_77 = arith.constant 0 : i32
      %dma_start3A_78 = tpu.memref_slice %arg13[%mul3A_11, %dma_start3A_77] : memref<10240x128xf32, #tpu.memory_space<vmem_shared>> -> memref<640x128xf32, #tpu.memory_space<vmem_shared>>
      tpu.enqueue_dma source(%dma_start3A_78 : memref<640x128xf32, #tpu.memory_space<vmem_shared>>) target(%dma_start3A_76 : memref<640x128xf32, #tpu.memory_space<hbm>>) target_semaphore(%run_scoped3A : memref<!tpu.dma_semaphore, #tpu.memory_space<semaphore_mem>>)
      %dma_wait3A_79 = arith.constant 0 : i32
      %dma_wait3A_80 = tpu.memref_slice %arg5[%add3A_74, %dma_wait3A_79] : memref<20480x128xf32, #tpu.memory_space<hbm>> -> memref<640x128xf32, #tpu.memory_space<hbm>>
      %dma_wait3A_81 = arith.constant 0 : i32
      %dma_wait3A_82 = tpu.memref_slice %arg13[%mul3A_11, %dma_wait3A_81] : memref<10240x128xf32, #tpu.memory_space<vmem_shared>> -> memref<640x128xf32, #tpu.memory_space<vmem_shared>>
      tpu.wait_dma2 semaphore(%run_scoped3A : memref<!tpu.dma_semaphore, #tpu.memory_space<semaphore_mem>>) src(%dma_wait3A_82 : memref<640x128xf32, #tpu.memory_space<vmem_shared>>) dst(%dma_wait3A_80 : memref<640x128xf32, #tpu.memory_space<hbm>>)
      tpu.yield
    }) : () -> ()
    return
  }
}

module attributes {stable_mosaic.version = 14 : i64} {
  func.func @_tc1_body(%arg0: i32, %arg1: memref<512x128xf32, #tpu.memory_space<vmem>>, %arg2: memref<128x128xf32, #tpu.memory_space<vmem>>, %arg3: memref<512x1xf32, #tpu.memory_space<vmem>>, %arg4: memref<512x1xf32, #tpu.memory_space<vmem>>, %arg5: memref<512x128xf32, #tpu.memory_space<vmem>>, %arg6: memref<512x1xf32, #tpu.memory_space<vmem>>) attributes {dimension_semantics = [#tpu.dimension_semantics<arbitrary>], iteration_bounds = array<i64: 20>, scalar_prefetch = 0 : i64, scratch_operands = 0 : i64, tpu.core_type = #tpu.core_type<tc>, window_params = [{transform_indices = @transform_0, window_bounds = array<i64: 512, 128>}, {pipeline_mode = #tpu.pipeline_mode<synchronous>, transform_indices = @transform_1, window_bounds = array<i64: 128, 128>}, {transform_indices = @transform_2, window_bounds = array<i64: 512, 1>}, {transform_indices = @transform_3, window_bounds = array<i64: 512, 1>}, {transform_indices = @transform_4, window_bounds = array<i64: 512, 128>}, {transform_indices = @transform_5, window_bounds = array<i64: 512, 1>}]} {
    %get3A = arith.constant 0 : index
    %get3A_0 = arith.constant 0 : index
    %get3A_1 = vector.load %arg3[%get3A, %get3A_0] : memref<512x1xf32, #tpu.memory_space<vmem>>, vector<512x1xf32>
    %get3A_2 = arith.constant 0 : index
    %get3A_3 = arith.constant 0 : index
    %get3A_4 = vector.load %arg4[%get3A_2, %get3A_3] : memref<512x1xf32, #tpu.memory_space<vmem>>, vector<512x1xf32>
    %add3A = arith.addf %get3A_1, %get3A_4 : vector<512x1xf32>
    %add3A_5 = arith.constant 1.000000e+00 : f32
    %add3A_6 = vector.broadcast %add3A_5 : f32 to vector<512x1xf32>
    %add3A_7 = arith.addf %add3A, %add3A_6 : vector<512x1xf32>
    %rsqrt3A = math.rsqrt %add3A_7 : vector<512x1xf32>
    %get3A_8 = arith.constant 0 : index
    %get3A_9 = arith.constant 0 : index
    %get3A_10 = vector.load %arg1[%get3A_8, %get3A_9] : memref<512x128xf32, #tpu.memory_space<vmem>>, vector<512x128xf32>
    %get3A_11 = arith.constant 0 : index
    %get3A_12 = arith.constant 0 : index
    %get3A_13 = vector.load %arg2[%get3A_11, %get3A_12] : memref<128x128xf32, #tpu.memory_space<vmem>>, vector<128x128xf32>
    %dot_general3A = arith.constant dense<0.000000e+00> : vector<512x128xf32>
    %dot_general3A_14 = tpu.matmul %get3A_10, %get3A_13, %dot_general3A {dimension_numbers = #tpu.dot_dimension_numbers<[1], [0], [0], [1], [0, 0, 1, 1], [], []>, transpose_lhs_hint = false} : vector<512x128xf32>, vector<128x128xf32>, vector<512x128xf32> -> vector<512x128xf32>
    %mul3A = vector.broadcast %rsqrt3A : vector<512x1xf32> to vector<512x128xf32>
    %mul3A_15 = arith.mulf %mul3A, %dot_general3A_14 : vector<512x128xf32>
    %swap3A = arith.constant 0 : index
    %swap3A_16 = arith.constant 0 : index
    %swap3A_17 = vector.load %arg5[%swap3A, %swap3A_16] : memref<512x128xf32, #tpu.memory_space<vmem>>, vector<512x128xf32>
    tpu.vector_store %arg5[%swap3A, %swap3A_16], %mul3A_15 {strides = array<i32>} : memref<512x128xf32, #tpu.memory_space<vmem>>, vector<512x128xf32>,
    %swap3A_18 = arith.constant 0 : index
    %swap3A_19 = arith.constant 0 : index
    %swap3A_20 = vector.load %arg6[%swap3A_18, %swap3A_19] : memref<512x1xf32, #tpu.memory_space<vmem>>, vector<512x1xf32>
    tpu.vector_store %arg6[%swap3A_18, %swap3A_19], %rsqrt3A {strides = array<i32>} : memref<512x1xf32, #tpu.memory_space<vmem>>, vector<512x1xf32>,
    return
  }
  func.func @transform_0(%arg0: i32) -> (i32, i32) {
    %c0_i32 = arith.constant 0 : i32
    %c0_i32_0 = arith.constant 0 : i32
    return %arg0, %c0_i32 : i32, i32
  }
  func.func @transform_1(%arg0: i32) -> (i32, i32) {
    %c0_i32 = arith.constant 0 : i32
    %c0_i32_0 = arith.constant 0 : i32
    %c0_i32_1 = arith.constant 0 : i32
    return %c0_i32, %c0_i32_0 : i32, i32
  }
  func.func @transform_2(%arg0: i32) -> (i32, i32) {
    %c0_i32 = arith.constant 0 : i32
    %c0_i32_0 = arith.constant 0 : i32
    return %arg0, %c0_i32 : i32, i32
  }
  func.func @transform_3(%arg0: i32) -> (i32, i32) {
    %c0_i32 = arith.constant 0 : i32
    %c0_i32_0 = arith.constant 0 : i32
    return %arg0, %c0_i32 : i32, i32
  }
  func.func @transform_4(%arg0: i32) -> (i32, i32) {
    %c0_i32 = arith.constant 0 : i32
    %c0_i32_0 = arith.constant 0 : i32
    return %arg0, %c0_i32 : i32, i32
  }
  func.func @transform_5(%arg0: i32) -> (i32, i32) {
    %c0_i32 = arith.constant 0 : i32
    %c0_i32_0 = arith.constant 0 : i32
    return %arg0, %c0_i32 : i32, i32
  }
}

module attributes {stable_mosaic.version = 14 : i64} {
  func.func @_tc2_body(%arg0: i32, %arg1: memref<512x128xf32, #tpu.memory_space<vmem>>, %arg2: memref<512x128xf32, #tpu.memory_space<vmem>>, %arg3: memref<512x128xf32, #tpu.memory_space<vmem>>, %arg4: memref<512x1xf32, #tpu.memory_space<vmem>>, %arg5: memref<128x128xf32, #tpu.memory_space<vmem>>, %arg6: memref<1x128xf32, #tpu.memory_space<vmem>>, %arg7: memref<512x128xf32, #tpu.memory_space<vmem>>) attributes {dimension_semantics = [#tpu.dimension_semantics<arbitrary>], iteration_bounds = array<i64: 20>, scalar_prefetch = 0 : i64, scratch_operands = 0 : i64, tpu.core_type = #tpu.core_type<tc>, window_params = [{transform_indices = @transform_0, window_bounds = array<i64: 512, 128>}, {transform_indices = @transform_1, window_bounds = array<i64: 512, 128>}, {transform_indices = @transform_2, window_bounds = array<i64: 512, 128>}, {transform_indices = @transform_3, window_bounds = array<i64: 512, 1>}, {pipeline_mode = #tpu.pipeline_mode<synchronous>, transform_indices = @transform_4, window_bounds = array<i64: 128, 128>}, {pipeline_mode = #tpu.pipeline_mode<synchronous>, transform_indices = @transform_5, window_bounds = array<i64: 1, 128>}, {transform_indices = @transform_6, window_bounds = array<i64: 512, 128>}]} {
    %get3A = arith.constant 0 : index
    %get3A_0 = arith.constant 0 : index
    %get3A_1 = vector.load %arg4[%get3A, %get3A_0] : memref<512x1xf32, #tpu.memory_space<vmem>>, vector<512x1xf32>
    %get3A_2 = arith.constant 0 : index
    %get3A_3 = arith.constant 0 : index
    %get3A_4 = vector.load %arg1[%get3A_2, %get3A_3] : memref<512x128xf32, #tpu.memory_space<vmem>>, vector<512x128xf32>
    %get3A_5 = arith.constant 0 : index
    %get3A_6 = arith.constant 0 : index
    %get3A_7 = vector.load %arg2[%get3A_5, %get3A_6] : memref<512x128xf32, #tpu.memory_space<vmem>>, vector<512x128xf32>
    %add3A = arith.addf %get3A_4, %get3A_7 : vector<512x128xf32>
    %get3A_8 = arith.constant 0 : index
    %get3A_9 = arith.constant 0 : index
    %get3A_10 = vector.load %arg3[%get3A_8, %get3A_9] : memref<512x128xf32, #tpu.memory_space<vmem>>, vector<512x128xf32>
    %add3A_11 = arith.addf %add3A, %get3A_10 : vector<512x128xf32>
    %mul3A = vector.broadcast %get3A_1 : vector<512x1xf32> to vector<512x128xf32>
    %mul3A_12 = arith.mulf %mul3A, %add3A_11 : vector<512x128xf32>
    %get3A_13 = arith.constant 0 : index
    %get3A_14 = arith.constant 0 : index
    %get3A_15 = vector.load %arg6[%get3A_13, %get3A_14] : memref<1x128xf32, #tpu.memory_space<vmem>>, vector<1x128xf32>
    %add3A_16 = vector.broadcast %get3A_15 : vector<1x128xf32> to vector<512x128xf32>
    %add3A_17 = arith.addf %mul3A_12, %add3A_16 : vector<512x128xf32>
    %max3A = arith.constant 0.000000e+00 : f32
    %max3A_18 = vector.broadcast %max3A : f32 to vector<512x128xf32>
    %max3A_19 = arith.maximumf %add3A_17, %max3A_18 : vector<512x128xf32>
    %get3A_20 = arith.constant 0 : index
    %get3A_21 = arith.constant 0 : index
    %get3A_22 = vector.load %arg5[%get3A_20, %get3A_21] : memref<128x128xf32, #tpu.memory_space<vmem>>, vector<128x128xf32>
    %dot_general3A = arith.constant dense<0.000000e+00> : vector<512x128xf32>
    %dot_general3A_23 = tpu.matmul %max3A_19, %get3A_22, %dot_general3A {dimension_numbers = #tpu.dot_dimension_numbers<[1], [0], [0], [1], [0, 0, 1, 1], [], []>, transpose_lhs_hint = false} : vector<512x128xf32>, vector<128x128xf32>, vector<512x128xf32> -> vector<512x128xf32>
    %mul3A_24 = vector.broadcast %get3A_1 : vector<512x1xf32> to vector<512x128xf32>
    %mul3A_25 = arith.mulf %mul3A_24, %dot_general3A_23 : vector<512x128xf32>
    %swap3A = arith.constant 0 : index
    %swap3A_26 = arith.constant 0 : index
    %swap3A_27 = vector.load %arg7[%swap3A, %swap3A_26] : memref<512x128xf32, #tpu.memory_space<vmem>>, vector<512x128xf32>
    tpu.vector_store %arg7[%swap3A, %swap3A_26], %mul3A_25 {strides = array<i32>} : memref<512x128xf32, #tpu.memory_space<vmem>>, vector<512x128xf32>,
    return
  }
  func.func @transform_0(%arg0: i32) -> (i32, i32) {
    %c0_i32 = arith.constant 0 : i32
    %c0_i32_0 = arith.constant 0 : i32
    return %arg0, %c0_i32 : i32, i32
  }
  func.func @transform_1(%arg0: i32) -> (i32, i32) {
    %add3A = arith.constant 20 : i32
    %add3A_0 = arith.addi %add3A, %arg0 : i32
    %c0_i32 = arith.constant 0 : i32
    %c0_i32_1 = arith.constant 0 : i32
    return %add3A_0, %c0_i32 : i32, i32
  }
  func.func @transform_2(%arg0: i32) -> (i32, i32) {
    %c0_i32 = arith.constant 0 : i32
    %c0_i32_0 = arith.constant 0 : i32
    return %arg0, %c0_i32 : i32, i32
  }
  func.func @transform_3(%arg0: i32) -> (i32, i32) {
    %c0_i32 = arith.constant 0 : i32
    %c0_i32_0 = arith.constant 0 : i32
    return %arg0, %c0_i32 : i32, i32
  }
  func.func @transform_4(%arg0: i32) -> (i32, i32) {
    %c0_i32 = arith.constant 0 : i32
    %c0_i32_0 = arith.constant 0 : i32
    %c0_i32_1 = arith.constant 0 : i32
    return %c0_i32, %c0_i32_0 : i32, i32
  }
  func.func @transform_5(%arg0: i32) -> (i32, i32) {
    %c0_i32 = arith.constant 0 : i32
    %c0_i32_0 = arith.constant 0 : i32
    %c0_i32_1 = arith.constant 0 : i32
    return %c0_i32, %c0_i32_0 : i32, i32
  }
  func.func @transform_6(%arg0: i32) -> (i32, i32) {
    %c0_i32 = arith.constant 0 : i32
    %c0_i32_0 = arith.constant 0 : i32
    return %arg0, %c0_i32 : i32, i32
  }
}

module attributes {stable_mosaic.version = 14 : i64} {
  func.func @_tc3_body(%arg0: i32, %arg1: memref<512x128xf32, #tpu.memory_space<vmem>>, %arg2: memref<512x128xf32, #tpu.memory_space<vmem>>, %arg3: memref<512x128xf32, #tpu.memory_space<vmem>>, %arg4: memref<512x1xf32, #tpu.memory_space<vmem>>, %arg5: memref<1x128xf32, #tpu.memory_space<vmem>>, %arg6: memref<1x1x512xi32, #tpu.memory_space<vmem>>, %arg7: memref<64x128xf32, #tpu.memory_space<vmem>>, %arg8: memref<64x128xf32, #tpu.memory_space<vmem>>) attributes {dimension_semantics = [#tpu.dimension_semantics<arbitrary>], iteration_bounds = array<i64: 20>, scalar_prefetch = 0 : i64, scratch_operands = 1 : i64, tpu.core_type = #tpu.core_type<tc>, window_params = [{transform_indices = @transform_0, window_bounds = array<i64: 512, 128>}, {transform_indices = @transform_1, window_bounds = array<i64: 512, 128>}, {transform_indices = @transform_2, window_bounds = array<i64: 512, 128>}, {transform_indices = @transform_3, window_bounds = array<i64: 512, 1>}, {pipeline_mode = #tpu.pipeline_mode<synchronous>, transform_indices = @transform_4, window_bounds = array<i64: 1, 128>}, {transform_indices = @transform_5, window_bounds = array<i64: 1, 1, 512>}, {pipeline_mode = #tpu.pipeline_mode<synchronous>, transform_indices = @transform_6, window_bounds = array<i64: 64, 128>}]} {
    %get3A = arith.constant 0 : index
    %get3A_0 = arith.constant 0 : index
    %get3A_1 = vector.load %arg4[%get3A, %get3A_0] : memref<512x1xf32, #tpu.memory_space<vmem>>, vector<512x1xf32>
    %get3A_2 = arith.constant 0 : index
    %get3A_3 = arith.constant 0 : index
    %get3A_4 = vector.load %arg1[%get3A_2, %get3A_3] : memref<512x128xf32, #tpu.memory_space<vmem>>, vector<512x128xf32>
    %get3A_5 = arith.constant 0 : index
    %get3A_6 = arith.constant 0 : index
    %get3A_7 = vector.load %arg2[%get3A_5, %get3A_6] : memref<512x128xf32, #tpu.memory_space<vmem>>, vector<512x128xf32>
    %add3A = arith.addf %get3A_4, %get3A_7 : vector<512x128xf32>
    %get3A_8 = arith.constant 0 : index
    %get3A_9 = arith.constant 0 : index
    %get3A_10 = vector.load %arg3[%get3A_8, %get3A_9] : memref<512x128xf32, #tpu.memory_space<vmem>>, vector<512x128xf32>
    %add3A_11 = arith.addf %add3A, %get3A_10 : vector<512x128xf32>
    %mul3A = vector.broadcast %get3A_1 : vector<512x1xf32> to vector<512x128xf32>
    %mul3A_12 = arith.mulf %mul3A, %add3A_11 : vector<512x128xf32>
    %get3A_13 = arith.constant 0 : index
    %get3A_14 = arith.constant 0 : index
    %get3A_15 = vector.load %arg5[%get3A_13, %get3A_14] : memref<1x128xf32, #tpu.memory_space<vmem>>, vector<1x128xf32>
    %add3A_16 = vector.broadcast %get3A_15 : vector<1x128xf32> to vector<512x128xf32>
    %add3A_17 = arith.addf %mul3A_12, %add3A_16 : vector<512x128xf32>
    %get3A_18 = arith.constant 0 : index
    %get3A_19 = arith.constant 0 : index
    %get3A_20 = arith.constant 0 : index
    %get3A_21 = vector.load %arg6[%get3A_18, %get3A_19, %get3A_20] : memref<1x1x512xi32, #tpu.memory_space<vmem>>, vector<1x1x512xi32>
    %get3A_22 = vector.shape_cast %get3A_21 : vector<1x1x512xi32> to vector<1x512xi32>
    %iota3A = tpu.iota {dimensions = array<i32: 0>} : vector<64x512xi32>
    %eq3A = vector.broadcast %get3A_22 : vector<1x512xi32> to vector<64x512xi32>
    %eq3A_23 = arith.cmpi eq, %iota3A, %eq3A : vector<64x512xi32>
    %convert_element_type3A = arith.extui %eq3A_23 : vector<64x512xi1> to vector<64x512xi32>
    %convert_element_type3A_24 = arith.sitofp %convert_element_type3A : vector<64x512xi32> to vector<64x512xf32>
    %dot_general3A = arith.constant dense<0.000000e+00> : vector<64x128xf32>
    %dot_general3A_25 = tpu.matmul %convert_element_type3A_24, %add3A_17, %dot_general3A {dimension_numbers = #tpu.dot_dimension_numbers<[1], [0], [0], [1], [0, 0, 1, 1], [], []>, transpose_lhs_hint = false} : vector<64x512xf32>, vector<512x128xf32>, vector<64x128xf32> -> vector<64x128xf32>
    %broadcast_in_dim3A = arith.constant 1.000000e+00 : f32
    %broadcast_in_dim3A_26 = vector.broadcast %broadcast_in_dim3A : f32 to vector<512x128xf32>
    %dot_general3A_27 = arith.constant dense<0.000000e+00> : vector<64x128xf32>
    %dot_general3A_28 = tpu.matmul %convert_element_type3A_24, %broadcast_in_dim3A_26, %dot_general3A_27 {dimension_numbers = #tpu.dot_dimension_numbers<[1], [0], [0], [1], [0, 0, 1, 1], [], []>, transpose_lhs_hint = false} : vector<64x512xf32>, vector<512x128xf32>, vector<64x128xf32> -> vector<64x128xf32>
    %eq3A_29 = arith.constant 0 : i32
    %eq3A_30 = arith.cmpi eq, %arg0, %eq3A_29 : i32
    %convert_element_type3A_31 = arith.extui %eq3A_30 : i1 to i32
    %cond3A = arith.constant 0 : i32
    %cond3A_32 = arith.cmpi ne, %convert_element_type3A_31, %cond3A : i32
    scf.if %cond3A_32 {
      %broadcast_in_dim3A_51 = arith.constant 0.000000e+00 : f32
      %broadcast_in_dim3A_52 = vector.broadcast %broadcast_in_dim3A_51 : f32 to vector<64x128xf32>
      %swap3A_53 = arith.constant 0 : index
      %swap3A_54 = arith.constant 0 : index
      %swap3A_55 = vector.load %arg7[%swap3A_53, %swap3A_54] : memref<64x128xf32, #tpu.memory_space<vmem>>, vector<64x128xf32>
      tpu.vector_store %arg7[%swap3A_53, %swap3A_54], %broadcast_in_dim3A_52 {strides = array<i32>} : memref<64x128xf32, #tpu.memory_space<vmem>>, vector<64x128xf32>,
      %broadcast_in_dim3A_56 = arith.constant 0.000000e+00 : f32
      %broadcast_in_dim3A_57 = vector.broadcast %broadcast_in_dim3A_56 : f32 to vector<64x128xf32>
      %swap3A_58 = arith.constant 0 : index
      %swap3A_59 = arith.constant 0 : index
      %swap3A_60 = vector.load %arg8[%swap3A_58, %swap3A_59] : memref<64x128xf32, #tpu.memory_space<vmem>>, vector<64x128xf32>
      tpu.vector_store %arg8[%swap3A_58, %swap3A_59], %broadcast_in_dim3A_57 {strides = array<i32>} : memref<64x128xf32, #tpu.memory_space<vmem>>, vector<64x128xf32>,
    } else {
    }
    %get3A_33 = arith.constant 0 : index
    %get3A_34 = arith.constant 0 : index
    %get3A_35 = vector.load %arg7[%get3A_33, %get3A_34] : memref<64x128xf32, #tpu.memory_space<vmem>>, vector<64x128xf32>
    %add3A_36 = arith.addf %get3A_35, %dot_general3A_25 : vector<64x128xf32>
    %swap3A = arith.constant 0 : index
    %swap3A_37 = arith.constant 0 : index
    %swap3A_38 = vector.load %arg7[%swap3A, %swap3A_37] : memref<64x128xf32, #tpu.memory_space<vmem>>, vector<64x128xf32>
    tpu.vector_store %arg7[%swap3A, %swap3A_37], %add3A_36 {strides = array<i32>} : memref<64x128xf32, #tpu.memory_space<vmem>>, vector<64x128xf32>,
    %get3A_39 = arith.constant 0 : index
    %get3A_40 = arith.constant 0 : index
    %get3A_41 = vector.load %arg8[%get3A_39, %get3A_40] : memref<64x128xf32, #tpu.memory_space<vmem>>, vector<64x128xf32>
    %add3A_42 = arith.addf %get3A_41, %dot_general3A_28 : vector<64x128xf32>
    %swap3A_43 = arith.constant 0 : index
    %swap3A_44 = arith.constant 0 : index
    %swap3A_45 = vector.load %arg8[%swap3A_43, %swap3A_44] : memref<64x128xf32, #tpu.memory_space<vmem>>, vector<64x128xf32>
    tpu.vector_store %arg8[%swap3A_43, %swap3A_44], %add3A_42 {strides = array<i32>} : memref<64x128xf32, #tpu.memory_space<vmem>>, vector<64x128xf32>,
    %eq3A_46 = arith.constant 19 : i32
    %eq3A_47 = arith.cmpi eq, %arg0, %eq3A_46 : i32
    %convert_element_type3A_48 = arith.extui %eq3A_47 : i1 to i32
    %cond3A_49 = arith.constant 0 : i32
    %cond3A_50 = arith.cmpi ne, %convert_element_type3A_48, %cond3A_49 : i32
    scf.if %cond3A_50 {
      %get3A_51 = arith.constant 0 : index
      %get3A_52 = arith.constant 0 : index
      %get3A_53 = vector.load %arg7[%get3A_51, %get3A_52] : memref<64x128xf32, #tpu.memory_space<vmem>>, vector<64x128xf32>
      %get3A_54 = arith.constant 0 : index
      %get3A_55 = arith.constant 0 : index
      %get3A_56 = vector.load %arg8[%get3A_54, %get3A_55] : memref<64x128xf32, #tpu.memory_space<vmem>>, vector<64x128xf32>
      %max3A = arith.constant 1.000000e+00 : f32
      %max3A_57 = vector.broadcast %max3A : f32 to vector<64x128xf32>
      %max3A_58 = arith.maximumf %get3A_56, %max3A_57 : vector<64x128xf32>
      %div3A = arith.divf %get3A_53, %max3A_58 : vector<64x128xf32>
      %swap3A_59 = arith.constant 0 : index
      %swap3A_60 = arith.constant 0 : index
      %swap3A_61 = vector.load %arg7[%swap3A_59, %swap3A_60] : memref<64x128xf32, #tpu.memory_space<vmem>>, vector<64x128xf32>
      tpu.vector_store %arg7[%swap3A_59, %swap3A_60], %div3A {strides = array<i32>} : memref<64x128xf32, #tpu.memory_space<vmem>>, vector<64x128xf32>,
    } else {
    }
    return
  }
  func.func @transform_0(%arg0: i32) -> (i32, i32) {
    %c0_i32 = arith.constant 0 : i32
    %c0_i32_0 = arith.constant 0 : i32
    return %arg0, %c0_i32 : i32, i32
  }
  func.func @transform_1(%arg0: i32) -> (i32, i32) {
    %add3A = arith.constant 20 : i32
    %add3A_0 = arith.addi %add3A, %arg0 : i32
    %c0_i32 = arith.constant 0 : i32
    %c0_i32_1 = arith.constant 0 : i32
    return %add3A_0, %c0_i32 : i32, i32
  }
  func.func @transform_2(%arg0: i32) -> (i32, i32) {
    %c0_i32 = arith.constant 0 : i32
    %c0_i32_0 = arith.constant 0 : i32
    return %arg0, %c0_i32 : i32, i32
  }
  func.func @transform_3(%arg0: i32) -> (i32, i32) {
    %c0_i32 = arith.constant 0 : i32
    %c0_i32_0 = arith.constant 0 : i32
    return %arg0, %c0_i32 : i32, i32
  }
  func.func @transform_4(%arg0: i32) -> (i32, i32) {
    %c0_i32 = arith.constant 0 : i32
    %c0_i32_0 = arith.constant 0 : i32
    %c0_i32_1 = arith.constant 0 : i32
    return %c0_i32, %c0_i32_0 : i32, i32
  }
  func.func @transform_5(%arg0: i32) -> (i32, i32, i32) {
    %c0_i32 = arith.constant 0 : i32
    %c0_i32_0 = arith.constant 0 : i32
    %c0_i32_1 = arith.constant 0 : i32
    return %arg0, %c0_i32, %c0_i32_0 : i32, i32, i32
  }
  func.func @transform_6(%arg0: i32) -> (i32, i32) {
    %c0_i32 = arith.constant 0 : i32
    %c0_i32_0 = arith.constant 0 : i32
    %c0_i32_1 = arith.constant 0 : i32
    return %c0_i32, %c0_i32_0 : i32, i32
  }
}

</mosaic_0001>

<sc_bundles>
// kernel: kernel.11.cloned.1.call-start
scs
__scs_entry_jumppad:
0x0: {  	(pc) =	sbr.rel $0x88, $3  }
0x1: {  	(tag) =	ssettag $0x0;
	lr =	simm.s32 $0x1  }
0x2: {  	[smem:$0x3F9A] =	sst lr;
	_ =	strace $0xD0000000  }
0x3: {  	_ = 	snop  }
0x4: {  	_ = 	snop  }
0x5: {  	_ = 	snop  }
0x6: {  	_ = 	snop  }
0x7: {  	_ = 	snop  }
__scs_overlays_trampoline_lowered:
0x8: {  	[smem:$0x3FA9] =	sst s0  }
0x9: {  	[smem:$0x3FAA] =	sst s1  }
0xa: {  	[smem:$0x3FAB] =	sst s2  }
0xb: {  	[smem:$0x3FAC] =	sst s3  }
0xc: {  	[smem:$0x3FAD] =	sst s4  }
0xd: {  	[smem:$0x3FAE] =	sst s5  }
0xe: {  	[smem:$0x3FAF] =	sst s6  }
0xf: {  	[smem:$0x3FB0] =	sst s7  }
0x10: {  	[smem:$0x3FB1] =	sst s8  }
0x11: {  	[smem:$0x3FB2] =	sst s9;
	s0 =	simm.s32 @!p0 $0x0  }
0x12: {  	s1 =	sld [smem:$0x3F98];
	s0 =	simm.s32 @p0 $0x1  }
0x13: {  	[smem:$0x3FB3] =	sst s0;
	s0 =	simm.s32 @!p1 $0x0  }
0x14: {  	s2 =	sld [smem:$0x3F97];
	s0 =	simm.s32 @p1 $0x1  }
0x15: {  	[smem:$0x3FB4] =	sst s0;
	s0 =	simm.s32 @!p2 $0x0  }
0x16: {  	s3 =	sld [smem:$0x3FDB];
	s0 =	simm.s32 @p2 $0x1  }
0x17: {  	s4 =	simm.s32 $0x1BF5;
	[smem:$0x3FB6] =	sst s0  }
0x18: {  	s0 =	sld [smem:$0x3F99];
	_ =	swait.ge [sflag:s4], $0x0  }
0x19: {  	s7 =	sld [smem:$0x3F9A]  }
0x1a: {  	s8 =	sadd.s32 $0xFFFFE003, lr  }
0x1b: {  	s9 =	sadd.s32 $0xFFFFFEF7, lr;
	s5 =	simm.s32 $0xFFFFFFFF;
	p2 =	slt.u32 s8, $0xFFFFF086  }
0x1c: {  	p1 =	slt.u32 s9, $0xF7A;
	s5 =	simm.s32 @!p2 $0x0  }
0x1d: {  	s5 =	simm.s32 @p1 $0x1;
	p0 =	seq.s32 s7, s2  }
0x1e: {  	s7 =	smul.u32 @!p0 $0xF7A, s2;
	p2 =	seq.s32 @!p0 s5, $0x0  }
0x1f: {  	s9 =	smul.u32 $0xF7A, s1;
	s8 =	simm.s32 @!p0 $0x1BF5;
	p2 =	por !p2, p0  }
0x20: {  	[sflag:s8] =	ssyncset.s32 @!p0 $0xFFFFF086;
	s6 =	sadd.s32 @!p0 s3, s7;
	s7 =	simm.s32 @!p0 $0x108  }
0x21: {  	s3 =	sadd.s32 s3, s9;
	s6 =	sadd.s32 @!p0 $0x88, s6;
	s7 =	simm.s32 @p2 $0x1082  }
0x22: {  	[simem:s7], [sflag:s8] =	dma.local @!p0 [hbm:s6], $0xF7A  }
0x23: {  	s9 =	sor.u32 $0xD0000000, s2;
	s6 =	simm.s32 $0x108;
	_ =	swait.ge @!p0 [sflag:s8], $0x0  }
0x24: {  	s3 =	sadd.s32 $0x88, s3;
	s6 =	simm.s32 @!p1 $0x1082;
	[sflag:s4] =	ssyncset.s32 $0xFFFFF086  }
0x25: {  	[simem:s6], [sflag:s4] =	dma.local [hbm:s3], $0xF7A  }
0x26: {  	[smem:$0x3F9A] =	sst s1;
	(tag) =	ssettag s2;
	_ =	strace s9  }
0x27: {  	s1 =	sld [smem:$0x3FAA]  }
0x28: {  	s2 =	sld [smem:$0x3FAB]  }
0x29: {  	s4 =	sld [smem:$0x3FAD]  }
0x2a: {  	p0 =	seq.s32 s5, $0x0;
	s5 =	sld [smem:$0x3FAE]  }
0x2b: {  	s6 =	sld [smem:$0x3FAF]  }
0x2c: {  	s7 =	sld [smem:$0x3FB0]  }
0x2d: {  	s3 =	simm.s32 $0x108;
	s8 =	sld [smem:$0x3FB1]  }
0x2e: {  	s3 =	simm.s32 @!p0 $0x1082;
	s9 =	sld [smem:$0x3FB2]  }
0x2f: {  	lr =	sadd.s32 s0, s3;
	s0 =	sld [smem:$0x3FA9]  }
0x30: {  	s3 =	sld [smem:$0x3FAC]  }
0x31: {  	[smem:$0x3FB5] =	sst s10  }
0x32: {  	s10 =	sld [smem:$0x3FB3];
	_ =	sdelay $0x3  }
0x33: {  	p0 =	seq.s32 s10, $0x1;
	s10 =	sld [smem:$0x3FB5];
	_ =	sdelay $0x3  }
0x34: {  	[smem:$0x3FB5] =	sst s10  }
0x35: {  	s10 =	sld [smem:$0x3FB4];
	_ =	sdelay $0x3  }
0x36: {  	p1 =	seq.s32 s10, $0x1;
	s10 =	sld [smem:$0x3FB5];
	_ =	sdelay $0x3  }
0x37: {  	[smem:$0x3FB5] =	sst s10  }
0x38: {  	s10 =	sld [smem:$0x3FB6]  }
0x39: {  	_ = 	snop;
	(pc) =	sbr.ind lr, $3  }
0x3a: {  	_ = 	snop  }
0x3b: {  	_ = 	snop  }
0x3c: {  	p2 =	seq.s32 s10, $0x1;
	s10 =	sld [smem:$0x3FB5]  }
0x3d: {  	_ =	shalt  }
0x3e: {  	_ =	shalt  }
0x3f: {  	_ =	shalt  }
0x40: {  	_ =	shalt  }
0x41: {  	_ =	shalt  }
0x42: {  	_ =	shalt  }
0x43: {  	_ =	shalt  }
0x44: {  	_ =	shalt  }
0x45: {  	_ =	shalt  }
0x46: {  	_ =	shalt  }
0x47: {  	_ =	shalt  }
0x48: {  	_ =	shalt  }
0x49: {  	_ =	shalt  }
0x4a: {  	_ =	shalt  }
0x4b: {  	_ =	shalt  }
0x4c: {  	_ =	shalt  }
0x4d: {  	_ =	shalt  }
0x4e: {  	_ =	shalt  }
0x4f: {  	_ =	shalt  }
0x50: {  	_ =	shalt  }
0x51: {  	_ =	shalt  }
0x52: {  	_ =	shalt  }
0x53: {  	_ =	shalt  }
0x54: {  	_ =	shalt  }
0x55: {  	_ =	shalt  }
0x56: {  	_ =	shalt  }
0x57: {  	_ =	shalt  }
0x58: {  	_ =	shalt  }
0x59: {  	_ =	shalt  }
0x5a: {  	_ =	shalt  }
0x5b: {  	_ =	shalt  }
0x5c: {  	_ =	shalt  }
0x5d: {  	_ =	shalt  }
0x5e: {  	_ =	shalt  }
0x5f: {  	_ =	shalt  }
0x60: {  	_ =	shalt  }
0x61: {  	_ =	shalt  }
0x62: {  	_ =	shalt  }
0x63: {  	_ =	shalt  }
0x64: {  	_ =	shalt  }
0x65: {  	_ =	shalt  }
0x66: {  	_ =	shalt  }
0x67: {  	_ =	shalt  }
0x68: {  	_ =	shalt  }
0x69: {  	_ =	shalt  }
0x6a: {  	_ =	shalt  }
0x6b: {  	_ =	shalt  }
0x6c: {  	_ =	shalt  }
0x6d: {  	_ =	shalt  }
0x6e: {  	_ =	shalt  }
0x6f: {  	_ =	shalt  }
0x70: {  	_ =	shalt  }
0x71: {  	_ =	shalt  }
0x72: {  	_ =	shalt  }
0x73: {  	_ =	shalt  }
0x74: {  	_ =	shalt  }
0x75: {  	_ =	shalt  }
0x76: {  	_ =	shalt  }
0x77: {  	_ =	shalt  }
0x78: {  	_ =	shalt  }
0x79: {  	_ =	shalt  }
0x7a: {  	_ =	shalt  }
0x7b: {  	_ =	shalt  }
0x7c: {  	_ =	shalt  }
0x7d: {  	_ =	shalt  }
0x7e: {  	_ =	shalt  }
0x7f: {  	_ =	shalt  }
0x80: {  	_ =	shalt  }
0x81: {  	_ =	shalt  }
0x82: {  	_ =	shalt  }
0x83: {  	_ =	shalt  }
0x84: {  	_ =	shalt  }
0x85: {  	_ =	shalt  }
0x86: {  	_ =	shalt  }
0x87: {  	_ =	shalt  }
.Lfunc_end0:
.L_simem_size_0:
called_computation.1_lowered:
.L_overlay_start_0:
0x88: {  	s2 =	sld [smem:$0x3FD9]  }
0x89: {  	s3 =	sld [smem:$0x3FFE];
	_ =	sdelay $0x1  }
0x8a: {  	s1 =	srdreg.scid  }
0x8b: {  	s0 =	sand.u32 $0x1, s1  }
0x8c: {  	s16 =	sshll.u32 s0, $0xA;
	s2 =	sadd.s32 s3, s2  }
0x8d: {  	s2 =	sadd.s32 s2, s16  }
0x8e: {  	[smem:$0x3FC1] =	sst s2  }
0x8f: {  	_ = 	snop  }
0x90: {  	(tm) =	ssettm $0x1  }
0x91: {  	s17 =	sld [smem:$0x3FFB];
	_ =	sdelay $0x3  }
0x92: {  	_ =	strace s17  }
0x93: {  	s2 =	sld [smem:$0x3FFC];
	_ =	sdelay $0x3  }
0x94: {  	_ =	strace s2  }
0x95: {  	s2 =	sld [smem:$0x3FFD];
	_ =	sdelay $0x3  }
0x96: {  	_ =	strace s2  }
0x97: {  	_ =	strace $0x8FFFFFFF  }
0x98: {  	s18 =	sld [smem:$0x3FDB];
	_ =	sdelay $0x1  }
0x99: {  	s19 =	simm.s32 $_scs_section_size  }
0x9a: {  	s4 =	simm.s32 $_size__tile_overlayer_lowered;
	s5 =	simm.s32 $_tile_overlayer_lowered  }
0x9b: {  	s22 =	simm.s32 $0x1BFF;
	s21 =	sshll.u32 s5, $0x1;
	s2 =	sadd.s32 s19, s18  }
0x9c: {  	s6 =	simm.s32 $0x0;
	s20 =	sshll.u32 s4, $0x1;
	s4 =	sadd.s32 s21, s2  }
0x9d: {  	[timem:s6], [sflag:s22] =	dma.local [hbm:s4], s20  }
0x9e: {  	_ =	swait.ge [sflag:s22], s20  }
0x9f: {  	s3 =	ssub.s32 $0x0, s20;
	[sflag:s22] =	ssyncset.done $0x0  }
0xa0: {  	[sflag:s22] =	ssyncadd.s32 s3;
	_ =	sdelay $0x1  }
0xa1: {  	s23 =	simm.s32 $0x1B8B  }
0xa2: {  	_ =	swait.ge [sflag:s23], $0x1  }
0xa3: {  	[sflag:s23] =	ssyncset.done $0x0  }
0xa4: {  	s25 =	simm.s32 $0x1B8E;
	s24 =	sld [smem:$0x3FFE];
	[sflag:s23] =	ssyncadd.s32 $0xFFFFFFFF  }
0xa5: {  	s26 =	simm.s32 $execute0_lowered;
	[smem:$0x3FD2] =	sst s25  }
0xa6: {  	s4 =	sshll.u32 s26, $0x1;
	_ =	strace $0x80000049;
	[dreg:$0x1] =	wrdreg $0xFFFFFFFF  }
0xa7: {  	s28 =	simm.s32 $_size_execute0_lowered;
	s2 =	sadd.s32 s2, s4;
	[dreg:$0x0] =	wrdreg $0x0  }
0xa8: {  	s4 =	sshll.u32 s28, $0x1;
	[dreg:$0x2] =	wrdreg s2  }
0xa9: {  	[dreg:$0x3] =	wrdreg s4  }
0xaa: {  	[dreg:$0x4] =	wrdreg $0xC0  }
0xab: {  	_ =	task [dreg:s6], $0x5FFFF  }
0xac: {  	[dreg:$0x1] =	wrdreg $0xFFFFFFFF  }
0xad: {  	[dreg:$0x0] =	wrdreg $0x60  }
0xae: {  	[dreg:$0x2] =	wrdreg s24  }
0xaf: {  	[dreg:$0x3] =	wrdreg $0xA1000  }
0xb0: {  	[dreg:$0x4] =	wrdreg $0x9  }
0xb1: {  	_ =	task.clear_ibuf [dreg:s6], $0x5FFFF;
	_ =	strace $0x90000049  }
0xb2: {  	s29 =	simm.s32 $0x9;
	_ =	strace $0x8000004B  }
0xb3: {  	_ =	swait.ge [sflag:s29], $0x1  }
0xb4: {  	[sflag:s29] =	ssyncadd.s32 $0xFFFFFFFF  }
0xb5: {  	_ =	strace $0x9000004B  }
0xb6: {  	_ =	sfence  }
0xb7: {  	s30 =	sld [smem:$0x0];
	_ =	sdelay $0x2  }
0xb8: {  	s31 =	sshll.u32 s1, $0xD;
	s1 =	sshrl.u32 s1, $0x2  }
0xb9: {  	s3 =	sand.u32 $0x4000, s31;
	s1 =	sadd.s32 s1, s30  }
0xba: {  	s0 =	sor.u32 s3, s0;
	s1 =	sshll.u32 s1, $0x11  }
0xbb: {  	s0 =	sor.u32 s1, s0  }
0xbc: {  	s0 =	sadd.s32 $0x8F2B, s0  }
0xbd: {  	[sflag:s0] =	ssyncadd.remote.s32 $0x1  }
0xbe: {  	_ =	sfence.sel $0xFFFF  }
0xbf: {  	[dreg:$0x0] =	wrdreg $0xFFFFFFFF;
	(pc) =	sbr.abs _section_cstart, $3  }
0xc0: {  	[dreg:$0x1] =	wrdreg $0xFFFFFFFF  }
0xc1: {  	_ =	task.clear_ibuf [dreg:s6], $0x2FFFF;
	_ =	strace $0x9FFFFFFF  }
0xc2: {  	(tm) =	ssettm $0x7FFFFFFF  }
0xc3: {  	_ =	shalt  }
tec
execute0_lowered:
.L_overlay_start_1:
0x0: {  	(tag) =	ssettag $0x1  }
0x1: {  	s0 =	srdreg.scid;
	s1 =	rddreg [dreg:$0x0]  }
0x2: {  	s11 =	stileid.u32;
	s2 =	rddreg [dreg:$0x1]  }
0x3: {  	s28 =	simm.s32 $0x5100;
	s29 =	simm.s32 $0x2880;
	s6 =	smul.u32 $0x2800, s11  }
0x4: {  	s30 =	simm.s32 $0x7900;
	s31 =	simm.s32 $0x1;
	s10 =	smul.u32 $0x50000, s11  }
0x5: {  	s0 =	sand.u32 $0x1, s0;
	s5 =	sadd.s32 $0xC200, s1;
	s20 =	smul.u32 $0x2710, s11  }
0x6: {  	s3 =	sshll.u32 s0, $0x4;
	s7 =	smul.u32 $0x28000, s0;
	s13 =	ssub.s32 $0x2, s0  }
0x7: {  	s0 =	smul.u32 $0x27100, s0;
	s4 =	sor.u32 s11, s3;
	s3 =	simm.s32 $0x0  }
0x8: {  	s14 =	sshrl.u32 s13, $0x1;
	s10 =	sshrl.u32 s10, $0x2;
	s4 =	smul.u32 $0x2710, s4  }
0x9: {  	[smem:$0x7FF] =	sst s3;
	s6 =	sadd.s32 s6, s7;
	s7 =	sadd.s32 s10, s2  }
0xa: {  	s0 =	sadd.s32 s20, s0;
	_ =	strace $0x8000004A;
	s16 =	sadd.s32 $0x2800, s7  }
0xb: {  	s17 =	sadd.s32 $0x5000, s7;
	s18 =	sadd.s32 $0x7800, s7;
	[dreg:$0x4] =	wrdreg s16  }
0xc: {  	s19 =	sadd.s32 $0xA000, s7;
	s10 =	sadd.s32 $0xC800, s7;
	[dreg:$0x5] =	wrdreg s17  }
0xd: {  	s21 =	sadd.s32 $0xF000, s7;
	s22 =	sadd.s32 $0x11800, s7;
	[dreg:$0x6] =	wrdreg s18  }
0xe: {  	s24 =	sadd.s32 $0x140, s0;
	s25 =	sadd.s32 $0xA0, s0;
	[dreg:$0x7] =	wrdreg s19  }
0xf: {  	s20 =	sadd.s32 $0xF0, s0;
	s0 =	simm.s32 $0x2;
	[dreg:$0x8] =	wrdreg s10  }
0x10: {  	s8 =	sshrl.u32 s4, $0x3;
	s4 =	sadd.s32 $0x16000, s1;
	[dreg:$0x9] =	wrdreg s21  }
0x11: {  	[dreg:$0xa] =	wrdreg s22;
	s26 =	sshrl.u32 s25, $0x3;
	s22 =	simm.s32 $0x7  }
0x12: {  	s25 =	simm.s32 $0x50;
	s9 =	sadd.s32 s8, s1;
	s1 =	sadd.s32 s6, s1  }
0x13: {  	s6 =	ssub.s32 s13, s14;
	s14 =	sadd.s32 s5, s8;
	s15 =	sadd.s32 $0x2400, s9  }
0x14: {  	s10 =	simm.s32 $0x0;
	s23 =	sadd.s32 $0xA, s14;
	[dreg:$0x3] =	wrdreg s15  }
0x15: {  	s21 =	sadd.s32 s26, s5;
	s1 =	sadd.s32 $0x3E000, s1;
	[dreg:$0xb] =	wrdreg s23  }
0x16: {  	s26 =	simm.s32 $0x2800;
	s6 =	smax.u32 s6, $0x1;
	[dreg:$0xc] =	wrdreg s1  }
0x17: {  	s8 =	simm.s32 $0x3;
	s9 =	simm.s32 $0x6;
	[dreg:$0xd] =	wrdreg s6  }
0x18: {  	s1 =	sshrl.u32 s24, $0x3;
	s23 =	simm.s32 $0x2900;
	s24 =	simm.s32 $0x2780  }
0x19: {  	v0 =	vimm.f32 $0.0e+00;
	s6 =	simm.s32 $0x5;
	s19 =	sadd.s32 s1, s5;
	s1 =	simm.s32 $0x4  }
.LBB2_1:
0x1a: {  	s11 =	simm.s32 $0x0;
	s12 =	simm.s32 $0x200  }
.LBB2_2:
0x1b: {  	p0 =	sne.s32 s12, $0x9E00;
	[tilespmem:s11+$0x2970] =	vst v0  }
0x1c: {  	[tilespmem:s11+$0x2900] =	vst v0  }
0x1d: {  	[tilespmem:s11+$0x2910] =	vst v0  }
.Ltmp0:
0x1e: {  	[tilespmem:s11+$0x2920] =	vst v0;
	(pc) =	sbr.rel @p0 .LBB2_2-.Ltmp0, $4  }
0x1f: {  	[tilespmem:s11+$0x2930] =	vst v0  }
0x20: {  	[tilespmem:s11+$0x2940] =	vst v0  }
0x21: {  	[tilespmem:s11+$0x2950] =	vst v0  }
0x22: {  	[tilespmem:s11+$0x2960] =	vst v0;
	s11 =	sshra.s32 s12, $0x2;
	s12 =	sadd.s32 $0x200, s12  }
0x23: {  	[tilespmem:s11+$0x2970] =	vst v0  }
0x24: {  	[tilespmem:s11+$0x2900] =	vst v0  }
0x25: {  	[tilespmem:s11+$0x2910] =	vst v0  }
0x26: {  	[tilespmem:s11+$0x2920] =	vst v0  }
0x27: {  	[tilespmem:s11+$0x2930] =	vst v0  }
0x28: {  	[tilespmem:s11+$0x2940] =	vst v0  }
0x29: {  	[tilespmem:s11+$0x2950] =	vst v0  }
0x2a: {  	[tilespmem:s11+$0x2960] =	vst v0;
	s11 =	simm.s32 $0x0;
	s12 =	rddreg [dreg:$0x3]  }
0x2b: {  	[tilespmem:s11], [sflag:$0x7] =	stream.linear.gather [hbm4b:s12+s11], $0x2710, $0x38;
	[tilespmem:$0x1E100] =	vst v63  }
0x2c: {  	_ =	swait.ge [sflag:s22], $0x2710  }
0x2d: {  	[sflag:s22] =	ssyncset.done $0x0  }
0x2e: {  	[sflag:s22] =	ssyncadd.s32 $0xFFFFD8F0  }
0x2f: {  	[spmem:s7] =	stream.linear.scatter [tilespmem:s23], [sflag:$0x7], $0x2800, $0x38;
	[tilespmem:$0x1E100] =	vst v63  }
0x30: {  	_ =	swait.ge [sflag:s22], $0x2800  }
0x31: {  	[sflag:s22] =	ssyncset.done $0x0  }
0x32: {  	s17 =	rddreg [dreg:$0x4];
	[sflag:s22] =	ssyncadd.s32 $0xFFFFD800  }
0x33: {  	[spmem:s17] =	stream.linear.scatter [tilespmem:s23], [sflag:$0x7], $0x2800, $0x38;
	[tilespmem:$0x1E100] =	vst v63  }
0x34: {  	_ =	swait.ge [sflag:s22], $0x2800  }
0x35: {  	[sflag:s22] =	ssyncset.done $0x0  }
0x36: {  	s18 =	rddreg [dreg:$0x5];
	[sflag:s22] =	ssyncadd.s32 $0xFFFFD800  }
0x37: {  	[spmem:s18] =	stream.linear.scatter [tilespmem:s23], [sflag:$0x7], $0x2800, $0x38;
	[tilespmem:$0x1E100] =	vst v63  }
0x38: {  	_ =	swait.ge [sflag:s22], $0x2800  }
0x39: {  	[sflag:s22] =	ssyncset.done $0x0  }
0x3a: {  	s13 =	rddreg [dreg:$0x6];
	[sflag:s22] =	ssyncadd.s32 $0xFFFFD800  }
0x3b: {  	[spmem:s13] =	stream.linear.scatter [tilespmem:s23], [sflag:$0x7], $0x2800, $0x38;
	[tilespmem:$0x1E100] =	vst v63  }
0x3c: {  	_ =	swait.ge [sflag:s22], $0x2800  }
0x3d: {  	[sflag:s22] =	ssyncset.done $0x0  }
0x3e: {  	s15 =	rddreg [dreg:$0x7];
	[sflag:s22] =	ssyncadd.s32 $0xFFFFD800  }
0x3f: {  	[spmem:s15] =	stream.linear.scatter [tilespmem:s23], [sflag:$0x7], $0x2800, $0x38;
	[tilespmem:$0x1E100] =	vst v63  }
0x40: {  	_ =	swait.ge [sflag:s22], $0x2800  }
0x41: {  	[sflag:s22] =	ssyncset.done $0x0  }
0x42: {  	s16 =	rddreg [dreg:$0x8];
	[sflag:s22] =	ssyncadd.s32 $0xFFFFD800  }
0x43: {  	[spmem:s16] =	stream.linear.scatter [tilespmem:s23], [sflag:$0x7], $0x2800, $0x38;
	[tilespmem:$0x1E100] =	vst v63  }
0x44: {  	_ =	swait.ge [sflag:s22], $0x2800  }
0x45: {  	[sflag:s22] =	ssyncset.done $0x0  }
0x46: {  	s17 =	rddreg [dreg:$0x9];
	[sflag:s22] =	ssyncadd.s32 $0xFFFFD800  }
0x47: {  	[spmem:s17] =	stream.linear.scatter [tilespmem:s23], [sflag:$0x7], $0x2800, $0x38;
	[tilespmem:$0x1E100] =	vst v63  }
0x48: {  	_ =	swait.ge [sflag:s22], $0x2800  }
0x49: {  	[sflag:s22] =	ssyncset.done $0x0  }
0x4a: {  	s18 =	rddreg [dreg:$0xa];
	[sflag:s22] =	ssyncadd.s32 $0xFFFFD800  }
0x4b: {  	[spmem:s18] =	stream.linear.scatter [tilespmem:s23], [sflag:$0x7], $0x2800, $0x38;
	[tilespmem:$0x1E100] =	vst v63  }
0x4c: {  	_ =	swait.ge [sflag:s22], $0x2800  }
0x4d: {  	[sflag:s22] =	ssyncset.done $0x0  }
0x4e: {  	[sflag:s22] =	ssyncadd.s32 $0xFFFFD800  }
0x4f: {  	[bflag:$0x0] =	sbarrier.arrive $0xFFFF  }
0x50: {  	[tilespmem:s24], [sflag:$0x4] =	stream.linear.gather [hbm4b:s14+s11], $0x50, $0x38;
	[tilespmem:$0x1E100] =	vst v63  }
0x51: {  	_ = 	snop  }
0x52: {  	[tilespmem:s23], [sflag:$0x1] =	stream.indirect.gather [hbm4b:s4+s25], $0x80, s11, s25, $0xb8;
	[tilespmem:$0x1E100] =	vst v63  }
0x53: {  	s13 =	rddreg [dreg:$0xb]  }
0x54: {  	[tilespmem:s26], [sflag:$0x5] =	stream.linear.gather [hbm4b:s13+s11], $0x50, $0x38;
	[tilespmem:$0x1E100] =	vst v63  }
0x55: {  	_ = 	snop  }
0x56: {  	[tilespmem:s28], [sflag:$0x2] =	stream.indirect.gather [hbm4b:s4+s25], $0x80, s25, s25, $0xb8;
	[tilespmem:$0x1E100] =	vst v63  }
0x57: {  	_ = 	snop  }
0x58: {  	[tilespmem:s29], [sflag:$0x6] =	stream.linear.gather [hbm4b:s21+s3], $0x50, $0x38;
	[tilespmem:$0x1E100] =	vst v63  }
0x59: {  	s15 =	simm.s32 $0xA0  }
0x5a: {  	[tilespmem:s30], [sflag:$0x3] =	stream.indirect.gather [hbm4b:s4+s25], $0x80, s15, s25, $0xb8;
	[tilespmem:$0x1E100] =	vst v63  }
0x5b: {  	_ =	swait.ge [sflag:s31], $0x2800  }
0x5c: {  	[sflag:s31] =	ssyncset.done $0x0  }
0x5d: {  	[sflag:s31] =	ssyncadd.s32 $0xFFFFD800  }
0x5e: {  	_ =	swait.ge [sflag:s1], $0x50  }
0x5f: {  	[sflag:s1] =	ssyncset.done $0x0  }
0x60: {  	[sflag:s1] =	ssyncadd.s32 $0xFFFFFFB0  }
0x61: {  	[spmem:s2] =	stream.indirect.scatter.add.f32 [tilespmem:s23], [sflag:$0x7], $0x80, s24, s25, $0xb8;
	[tilespmem:$0x1E100] =	vst v63  }
0x62: {  	_ =	swait.ge [sflag:s22], $0x2800  }
0x63: {  	s16 =	sshrl.u32 s20, $0x3;
	[sflag:s22] =	ssyncset.done $0x0  }
0x64: {  	s11 =	sadd.s32 s5, s16;
	[sflag:s22] =	ssyncadd.s32 $0xFFFFD800  }
0x65: {  	[tilespmem:s24], [sflag:$0x4] =	stream.linear.gather [hbm4b:s11+s3], $0x50, $0x38;
	[tilespmem:$0x1E100] =	vst v63  }
0x66: {  	s17 =	simm.s32 $0xF0  }
0x67: {  	[tilespmem:s23], [sflag:$0x1] =	stream.indirect.gather [hbm4b:s4+s25], $0x80, s17, s25, $0xb8;
	[tilespmem:$0x1E100] =	vst v63  }
0x68: {  	_ =	swait.ge [sflag:s0], $0x2800  }
0x69: {  	[sflag:s0] =	ssyncset.done $0x0  }
0x6a: {  	[sflag:s0] =	ssyncadd.s32 $0xFFFFD800  }
0x6b: {  	_ =	swait.ge [sflag:s6], $0x50  }
0x6c: {  	[sflag:s6] =	ssyncset.done $0x0  }
0x6d: {  	[sflag:s6] =	ssyncadd.s32 $0xFFFFFFB0  }
0x6e: {  	[spmem:s2] =	stream.indirect.scatter.add.f32 [tilespmem:s28], [sflag:$0x7], $0x80, s26, s25, $0xb8;
	[tilespmem:$0x1E100] =	vst v63  }
0x6f: {  	_ =	swait.ge [sflag:s22], $0x2800  }
0x70: {  	[sflag:s22] =	ssyncset.done $0x0  }
0x71: {  	[sflag:s22] =	ssyncadd.s32 $0xFFFFD800  }
0x72: {  	[tilespmem:s26], [sflag:$0x5] =	stream.linear.gather [hbm4b:s19+s3], $0x50, $0x38;
	[tilespmem:$0x1E100] =	vst v63  }
0x73: {  	s18 =	simm.s32 $0x140  }
0x74: {  	[tilespmem:s28], [sflag:$0x2] =	stream.indirect.gather [hbm4b:s4+s25], $0x80, s18, s25, $0xb8;
	[tilespmem:$0x1E100] =	vst v63  }
0x75: {  	_ =	swait.ge [sflag:s8], $0x2800  }
0x76: {  	[sflag:s8] =	ssyncset.done $0x0  }
0x77: {  	[sflag:s8] =	ssyncadd.s32 $0xFFFFD800  }
0x78: {  	_ =	swait.ge [sflag:s9], $0x50  }
0x79: {  	[sflag:s9] =	ssyncset.done $0x0  }
0x7a: {  	[sflag:s9] =	ssyncadd.s32 $0xFFFFFFB0  }
0x7b: {  	[spmem:s2] =	stream.indirect.scatter.add.f32 [tilespmem:s30], [sflag:$0x7], $0x80, s29, s25, $0xb8;
	[tilespmem:$0x1E100] =	vst v63  }
0x7c: {  	s12 =	sadd.s32 $0x1E, s19;
	s13 =	sadd.s32 $0xF0, s20;
	_ =	swait.ge [sflag:s22], $0x2800  }
0x7d: {  	s15 =	simm.s32 $0x3C0;
	s11 =	sadd.s32 $0x1E, s21;
	[sflag:s22] =	ssyncset.done $0x0  }
.LBB2_4:
0x7e: {  	s16 =	smov.u32 s15  }
0x7f: {  	s17 =	sshra.s32 s15, $0x2;
	[sflag:s22] =	ssyncadd.s32 $0xFFFFD800;
	s16 =	sadd.s32 $0x3C0, s15  }
0x80: {  	[tilespmem:s29], [sflag:$0x6] =	stream.linear.gather [hbm4b:s11+s3], $0x50, $0x38;
	[tilespmem:$0x1E100] =	vst v63  }
0x81: {  	p0 =	sne.s32 s15, $0x9600;
	s18 =	sadd.s32 $0xA0, s17  }
0x82: {  	[tilespmem:s30], [sflag:$0x3] =	stream.indirect.gather [hbm4b:s4+s25], $0x80, s18, s25, $0xb8;
	[tilespmem:$0x1E100] =	vst v63  }
0x83: {  	_ =	swait.ge [sflag:s31], $0x2800  }
0x84: {  	[sflag:s31] =	ssyncset.done $0x0  }
0x85: {  	[sflag:s31] =	ssyncadd.s32 $0xFFFFD800  }
0x86: {  	_ =	swait.ge [sflag:s1], $0x50  }
0x87: {  	[sflag:s1] =	ssyncset.done $0x0  }
0x88: {  	[sflag:s1] =	ssyncadd.s32 $0xFFFFFFB0  }
0x89: {  	[spmem:s2] =	stream.indirect.scatter.add.f32 [tilespmem:s23], [sflag:$0x7], $0x80, s24, s25, $0xb8;
	[tilespmem:$0x1E100] =	vst v63  }
0x8a: {  	_ =	swait.ge [sflag:s22], $0x2800  }
0x8b: {  	s15 =	sshrl.u32 s13, $0x3;
	[sflag:s22] =	ssyncset.done $0x0  }
0x8c: {  	s15 =	sadd.s32 s5, s15;
	[sflag:s22] =	ssyncadd.s32 $0xFFFFD800  }
0x8d: {  	[tilespmem:s24], [sflag:$0x4] =	stream.linear.gather [hbm4b:s15+s3], $0x50, $0x38;
	[tilespmem:$0x1E100] =	vst v63  }
0x8e: {  	s15 =	sadd.s32 $0xF0, s17  }
0x8f: {  	[tilespmem:s23], [sflag:$0x1] =	stream.indirect.gather [hbm4b:s4+s25], $0x80, s15, s25, $0xb8;
	[tilespmem:$0x1E100] =	vst v63  }
0x90: {  	_ =	swait.ge [sflag:s0], $0x2800  }
0x91: {  	[sflag:s0] =	ssyncset.done $0x0  }
0x92: {  	[sflag:s0] =	ssyncadd.s32 $0xFFFFD800  }
0x93: {  	_ =	swait.ge [sflag:s6], $0x50  }
0x94: {  	[sflag:s6] =	ssyncset.done $0x0  }
0x95: {  	[sflag:s6] =	ssyncadd.s32 $0xFFFFFFB0  }
0x96: {  	[spmem:s2] =	stream.indirect.scatter.add.f32 [tilespmem:s28], [sflag:$0x7], $0x80, s26, s25, $0xb8;
	[tilespmem:$0x1E100] =	vst v63  }
0x97: {  	_ =	swait.ge [sflag:s22], $0x2800  }
0x98: {  	[sflag:s22] =	ssyncset.done $0x0  }
0x99: {  	[sflag:s22] =	ssyncadd.s32 $0xFFFFD800  }
0x9a: {  	[tilespmem:s26], [sflag:$0x5] =	stream.linear.gather [hbm4b:s12+s3], $0x50, $0x38;
	[tilespmem:$0x1E100] =	vst v63  }
0x9b: {  	s15 =	sadd.s32 $0x140, s17  }
0x9c: {  	[tilespmem:s28], [sflag:$0x2] =	stream.indirect.gather [hbm4b:s4+s25], $0x80, s15, s25, $0xb8;
	[tilespmem:$0x1E100] =	vst v63  }
0x9d: {  	_ =	swait.ge [sflag:s8], $0x2800  }
0x9e: {  	[sflag:s8] =	ssyncset.done $0x0  }
0x9f: {  	[sflag:s8] =	ssyncadd.s32 $0xFFFFD800  }
0xa0: {  	_ =	swait.ge [sflag:s9], $0x50  }
.Ltmp1:
0xa1: {  	[sflag:s9] =	ssyncset.done $0x0;
	(pc) =	sbr.rel @p0 .LBB2_4-.Ltmp1, $4  }
0xa2: {  	[sflag:s9] =	ssyncadd.s32 $0xFFFFFFB0  }
0xa3: {  	[spmem:s2] =	stream.indirect.scatter.add.f32 [tilespmem:s30], [sflag:$0x7], $0x80, s29, s25, $0xb8;
	[tilespmem:$0x1E100] =	vst v63  }
0xa4: {  	s13 =	sadd.s32 $0xF0, s13;
	s11 =	sadd.s32 $0x1E, s11;
	_ =	swait.ge [sflag:s22], $0x2800  }
0xa5: {  	s12 =	sadd.s32 $0x1E, s12;
	s15 =	smov.u32 s16;
	[sflag:s22] =	ssyncset.done $0x0  }
0xa6: {  	[sflag:s22] =	ssyncadd.s32 $0xFFFFD800  }
0xa7: {  	_ =	swait.ge [sflag:s31], $0x2800  }
0xa8: {  	[sflag:s31] =	ssyncset.done $0x0  }
0xa9: {  	[sflag:s31] =	ssyncadd.s32 $0xFFFFD800  }
0xaa: {  	_ =	swait.ge [sflag:s1], $0x50  }
0xab: {  	[sflag:s1] =	ssyncset.done $0x0  }
0xac: {  	[sflag:s1] =	ssyncadd.s32 $0xFFFFFFB0  }
0xad: {  	[spmem:s2] =	stream.indirect.scatter.add.f32 [tilespmem:s23], [sflag:$0x7], $0x80, s24, s25, $0xb8;
	[tilespmem:$0x1E100] =	vst v63  }
0xae: {  	_ =	swait.ge [sflag:s22], $0x2800  }
0xaf: {  	[sflag:s22] =	ssyncset.done $0x0  }
0xb0: {  	[sflag:s22] =	ssyncadd.s32 $0xFFFFD800  }
0xb1: {  	_ =	swait.ge [sflag:s0], $0x2800  }
0xb2: {  	[sflag:s0] =	ssyncset.done $0x0  }
0xb3: {  	[sflag:s0] =	ssyncadd.s32 $0xFFFFD800  }
0xb4: {  	_ =	swait.ge [sflag:s6], $0x50  }
0xb5: {  	[sflag:s6] =	ssyncset.done $0x0  }
0xb6: {  	[sflag:s6] =	ssyncadd.s32 $0xFFFFFFB0  }
0xb7: {  	[spmem:s2] =	stream.indirect.scatter.add.f32 [tilespmem:s28], [sflag:$0x7], $0x80, s26, s25, $0xb8;
	[tilespmem:$0x1E100] =	vst v63  }
0xb8: {  	_ =	swait.ge [sflag:s22], $0x2800  }
0xb9: {  	[sflag:s22] =	ssyncset.done $0x0  }
0xba: {  	s11 =	stileid.u32;
	[sflag:s22] =	ssyncadd.s32 $0xFFFFD800  }
0xbb: {  	s11 =	sshll.u32 s11, $0x6;
	[bflag:$0x0] =	sbarrier.arrive $0xFFFF  }
0xbc: {  	s12 =	sshrl.u32 s7, $0x3;
	s11 =	sor.u32 $0x1C07, s11;
	s13 =	rddreg [dreg:$0xc]  }
0xbd: {  	[hbm:s13], [sflag:s11] =	dma.local [spmem:s12], $0x2800  }
0xbe: {  	_ =	swait.ge [sflag:s22], $0x2800  }
0xbf: {  	s10 =	sadd.s32 $0x1, s10;
	s18 =	rddreg [dreg:$0xd]  }
0xc0: {  	p0 =	sne.s32 s10, s18  }
.Ltmp2:
0xc1: {  	_ = 	snop;
	(pc) =	sbr.rel @p0 .LBB2_1-.Ltmp2, $3  }
0xc2: {  	_ =	sdelay $0x1  }
0xc3: {  	[sflag:s22] =	ssyncset.done $0x0  }
0xc4: {  	[sflag:s22] =	ssyncadd.s32 $0xFFFFD800  }
0xc5: {  	_ =	sfence.sel $0x180000  }
0xc6: {  	[bflag:$0x0] =	sbarrier.arrive $0xFFFF  }
0xc7: {  	_ =	strace $0x9000004A  }
0xc8: {  	s0 =	stileid.u32;
	[bflag:$0x2] =	sbarrier.arrive $0xFFFF  }
0xc9: {  	p0 =	sne.s32 s0, $0x0;
	s0 =	rddreg [dreg:$0x2]  }
0xca: {  	s0 =	sadd.s32 @!p0 $0x100000, s0  }
0xcb: {  	[sflag:s0] =	ssyncadd.tile.s32 @!p0 $0x1;
	_ =	shalt  }
.Lfunc_end2:
_tile_overlayer_lowered:
.L_overlay_start_2:
0xcc: {  	(tag) =	ssettag $0x2  }
0xcd: {  	s0 =	rddreg [dreg:$0x0];
	s2 =	stileid.u32  }
0xce: {  	s1 =	rddreg [dreg:$0x1];
	p0 =	sne.s32 s2, $0x0  }
0xcf: {  	s3 =	rddreg [dreg:$0x2];
	[bflag:$0x3] =	sbarrier.arrive $0xFFFF;
	s2 =	simm.s32 @!p0 $0x1C07  }
0xd0: {  	[timem:s3], [sflag:s2] =	dma.local @!p0 [hbm:s0], s1  }
0xd1: {  	s0 =	simm.s32 @!p0 $0x7  }
0xd2: {  	_ =	swait.ge @!p0 [sflag:s0], s1  }
0xd3: {  	s1 =	ssub.s32 @!p0 $0x0, s1;
	[sflag:s0] =	ssyncset.done @!p0 $0x0  }
0xd4: {  	[sflag:s0] =	ssyncadd.s32 @!p0 s1  }
0xd5: {  	[bflag:$0x3] =	sbarrier.arrive $0xFFFF  }
0xd6: {  	_ =	shalt  }

// kernel: kernel.14.cloned.1.call-start
scs
__scs_entry_jumppad:
0x0: {  	(pc) =	sbr.rel $0x88, $3  }
0x1: {  	(tag) =	ssettag $0x0;
	lr =	simm.s32 $0x1  }
0x2: {  	[smem:$0x3F9A] =	sst lr;
	_ =	strace $0xD0000000  }
0x3: {  	_ = 	snop  }
0x4: {  	_ = 	snop  }
0x5: {  	_ = 	snop  }
0x6: {  	_ = 	snop  }
0x7: {  	_ = 	snop  }
__scs_overlays_trampoline_lowered:
0x8: {  	[smem:$0x3FA9] =	sst s0  }
0x9: {  	[smem:$0x3FAA] =	sst s1  }
0xa: {  	[smem:$0x3FAB] =	sst s2  }
0xb: {  	[smem:$0x3FAC] =	sst s3  }
0xc: {  	[smem:$0x3FAD] =	sst s4  }
0xd: {  	[smem:$0x3FAE] =	sst s5  }
0xe: {  	[smem:$0x3FAF] =	sst s6  }
0xf: {  	[smem:$0x3FB0] =	sst s7  }
0x10: {  	[smem:$0x3FB1] =	sst s8  }
0x11: {  	[smem:$0x3FB2] =	sst s9;
	s0 =	simm.s32 @!p0 $0x0  }
0x12: {  	s1 =	sld [smem:$0x3F98];
	s0 =	simm.s32 @p0 $0x1  }
0x13: {  	[smem:$0x3FB3] =	sst s0;
	s0 =	simm.s32 @!p1 $0x0  }
0x14: {  	s2 =	sld [smem:$0x3F97];
	s0 =	simm.s32 @p1 $0x1  }
0x15: {  	[smem:$0x3FB4] =	sst s0;
	s0 =	simm.s32 @!p2 $0x0  }
0x16: {  	s3 =	sld [smem:$0x3FDB];
	s0 =	simm.s32 @p2 $0x1  }
0x17: {  	s4 =	simm.s32 $0x1BF5;
	[smem:$0x3FB6] =	sst s0  }
0x18: {  	s0 =	sld [smem:$0x3F99];
	_ =	swait.ge [sflag:s4], $0x0  }
0x19: {  	s7 =	sld [smem:$0x3F9A]  }
0x1a: {  	s8 =	sadd.s32 $0xFFFFE003, lr  }
0x1b: {  	s9 =	sadd.s32 $0xFFFFFEF7, lr;
	s5 =	simm.s32 $0xFFFFFFFF;
	p2 =	slt.u32 s8, $0xFFFFF086  }
0x1c: {  	p1 =	slt.u32 s9, $0xF7A;
	s5 =	simm.s32 @!p2 $0x0  }
0x1d: {  	s5 =	simm.s32 @p1 $0x1;
	p0 =	seq.s32 s7, s2  }
0x1e: {  	s7 =	smul.u32 @!p0 $0xF7A, s2;
	p2 =	seq.s32 @!p0 s5, $0x0  }
0x1f: {  	s9 =	smul.u32 $0xF7A, s1;
	s8 =	simm.s32 @!p0 $0x1BF5;
	p2 =	por !p2, p0  }
0x20: {  	[sflag:s8] =	ssyncset.s32 @!p0 $0xFFFFF086;
	s6 =	sadd.s32 @!p0 s3, s7;
	s7 =	simm.s32 @!p0 $0x108  }
0x21: {  	s3 =	sadd.s32 s3, s9;
	s6 =	sadd.s32 @!p0 $0x88, s6;
	s7 =	simm.s32 @p2 $0x1082  }
0x22: {  	[simem:s7], [sflag:s8] =	dma.local @!p0 [hbm:s6], $0xF7A  }
0x23: {  	s9 =	sor.u32 $0xD0000000, s2;
	s6 =	simm.s32 $0x108;
	_ =	swait.ge @!p0 [sflag:s8], $0x0  }
0x24: {  	s3 =	sadd.s32 $0x88, s3;
	s6 =	simm.s32 @!p1 $0x1082;
	[sflag:s4] =	ssyncset.s32 $0xFFFFF086  }
0x25: {  	[simem:s6], [sflag:s4] =	dma.local [hbm:s3], $0xF7A  }
0x26: {  	[smem:$0x3F9A] =	sst s1;
	(tag) =	ssettag s2;
	_ =	strace s9  }
0x27: {  	s1 =	sld [smem:$0x3FAA]  }
0x28: {  	s2 =	sld [smem:$0x3FAB]  }
0x29: {  	s4 =	sld [smem:$0x3FAD]  }
0x2a: {  	p0 =	seq.s32 s5, $0x0;
	s5 =	sld [smem:$0x3FAE]  }
0x2b: {  	s6 =	sld [smem:$0x3FAF]  }
0x2c: {  	s7 =	sld [smem:$0x3FB0]  }
0x2d: {  	s3 =	simm.s32 $0x108;
	s8 =	sld [smem:$0x3FB1]  }
0x2e: {  	s3 =	simm.s32 @!p0 $0x1082;
	s9 =	sld [smem:$0x3FB2]  }
0x2f: {  	lr =	sadd.s32 s0, s3;
	s0 =	sld [smem:$0x3FA9]  }
0x30: {  	s3 =	sld [smem:$0x3FAC]  }
0x31: {  	[smem:$0x3FB5] =	sst s10  }
0x32: {  	s10 =	sld [smem:$0x3FB3];
	_ =	sdelay $0x3  }
0x33: {  	p0 =	seq.s32 s10, $0x1;
	s10 =	sld [smem:$0x3FB5];
	_ =	sdelay $0x3  }
0x34: {  	[smem:$0x3FB5] =	sst s10  }
0x35: {  	s10 =	sld [smem:$0x3FB4];
	_ =	sdelay $0x3  }
0x36: {  	p1 =	seq.s32 s10, $0x1;
	s10 =	sld [smem:$0x3FB5];
	_ =	sdelay $0x3  }
0x37: {  	[smem:$0x3FB5] =	sst s10  }
0x38: {  	s10 =	sld [smem:$0x3FB6]  }
0x39: {  	_ = 	snop;
	(pc) =	sbr.ind lr, $3  }
0x3a: {  	_ = 	snop  }
0x3b: {  	_ = 	snop  }
0x3c: {  	p2 =	seq.s32 s10, $0x1;
	s10 =	sld [smem:$0x3FB5]  }
0x3d: {  	_ =	shalt  }
0x3e: {  	_ =	shalt  }
0x3f: {  	_ =	shalt  }
0x40: {  	_ =	shalt  }
0x41: {  	_ =	shalt  }
0x42: {  	_ =	shalt  }
0x43: {  	_ =	shalt  }
0x44: {  	_ =	shalt  }
0x45: {  	_ =	shalt  }
0x46: {  	_ =	shalt  }
0x47: {  	_ =	shalt  }
0x48: {  	_ =	shalt  }
0x49: {  	_ =	shalt  }
0x4a: {  	_ =	shalt  }
0x4b: {  	_ =	shalt  }
0x4c: {  	_ =	shalt  }
0x4d: {  	_ =	shalt  }
0x4e: {  	_ =	shalt  }
0x4f: {  	_ =	shalt  }
0x50: {  	_ =	shalt  }
0x51: {  	_ =	shalt  }
0x52: {  	_ =	shalt  }
0x53: {  	_ =	shalt  }
0x54: {  	_ =	shalt  }
0x55: {  	_ =	shalt  }
0x56: {  	_ =	shalt  }
0x57: {  	_ =	shalt  }
0x58: {  	_ =	shalt  }
0x59: {  	_ =	shalt  }
0x5a: {  	_ =	shalt  }
0x5b: {  	_ =	shalt  }
0x5c: {  	_ =	shalt  }
0x5d: {  	_ =	shalt  }
0x5e: {  	_ =	shalt  }
0x5f: {  	_ =	shalt  }
0x60: {  	_ =	shalt  }
0x61: {  	_ =	shalt  }
0x62: {  	_ =	shalt  }
0x63: {  	_ =	shalt  }
0x64: {  	_ =	shalt  }
0x65: {  	_ =	shalt  }
0x66: {  	_ =	shalt  }
0x67: {  	_ =	shalt  }
0x68: {  	_ =	shalt  }
0x69: {  	_ =	shalt  }
0x6a: {  	_ =	shalt  }
0x6b: {  	_ =	shalt  }
0x6c: {  	_ =	shalt  }
0x6d: {  	_ =	shalt  }
0x6e: {  	_ =	shalt  }
0x6f: {  	_ =	shalt  }
0x70: {  	_ =	shalt  }
0x71: {  	_ =	shalt  }
0x72: {  	_ =	shalt  }
0x73: {  	_ =	shalt  }
0x74: {  	_ =	shalt  }
0x75: {  	_ =	shalt  }
0x76: {  	_ =	shalt  }
0x77: {  	_ =	shalt  }
0x78: {  	_ =	shalt  }
0x79: {  	_ =	shalt  }
0x7a: {  	_ =	shalt  }
0x7b: {  	_ =	shalt  }
0x7c: {  	_ =	shalt  }
0x7d: {  	_ =	shalt  }
0x7e: {  	_ =	shalt  }
0x7f: {  	_ =	shalt  }
0x80: {  	_ =	shalt  }
0x81: {  	_ =	shalt  }
0x82: {  	_ =	shalt  }
0x83: {  	_ =	shalt  }
0x84: {  	_ =	shalt  }
0x85: {  	_ =	shalt  }
0x86: {  	_ =	shalt  }
0x87: {  	_ =	shalt  }
.Lfunc_end0:
.L_simem_size_0:
called_computation.2_lowered:
.L_overlay_start_0:
0x88: {  	s2 =	sld [smem:$0x3FD9]  }
0x89: {  	s3 =	sld [smem:$0x3FFE];
	_ =	sdelay $0x1  }
0x8a: {  	s1 =	srdreg.scid  }
0x8b: {  	s0 =	sand.u32 $0x1, s1  }
0x8c: {  	s16 =	sshll.u32 s0, $0xA;
	s2 =	sadd.s32 s3, s2  }
0x8d: {  	s2 =	sadd.s32 s2, s16  }
0x8e: {  	[smem:$0x3FC1] =	sst s2  }
0x8f: {  	_ = 	snop  }
0x90: {  	(tm) =	ssettm $0x1  }
0x91: {  	s17 =	sld [smem:$0x3FFB];
	_ =	sdelay $0x3  }
0x92: {  	_ =	strace s17  }
0x93: {  	s2 =	sld [smem:$0x3FFC];
	_ =	sdelay $0x3  }
0x94: {  	_ =	strace s2  }
0x95: {  	s2 =	sld [smem:$0x3FFD];
	_ =	sdelay $0x3  }
0x96: {  	_ =	strace s2  }
0x97: {  	_ =	strace $0x8FFFFFFF  }
0x98: {  	s18 =	sld [smem:$0x3FDB];
	_ =	sdelay $0x1  }
0x99: {  	s19 =	simm.s32 $_scs_section_size  }
0x9a: {  	s4 =	simm.s32 $_size__tile_overlayer_lowered;
	s5 =	simm.s32 $_tile_overlayer_lowered  }
0x9b: {  	s22 =	simm.s32 $0x1BFF;
	s21 =	sshll.u32 s5, $0x1;
	s2 =	sadd.s32 s19, s18  }
0x9c: {  	s6 =	simm.s32 $0x0;
	s20 =	sshll.u32 s4, $0x1;
	s4 =	sadd.s32 s21, s2  }
0x9d: {  	[timem:s6], [sflag:s22] =	dma.local [hbm:s4], s20  }
0x9e: {  	_ =	swait.ge [sflag:s22], s20  }
0x9f: {  	s3 =	ssub.s32 $0x0, s20;
	[sflag:s22] =	ssyncset.done $0x0  }
0xa0: {  	[sflag:s22] =	ssyncadd.s32 s3;
	_ =	sdelay $0x1  }
0xa1: {  	s23 =	simm.s32 $0x1B8B  }
0xa2: {  	_ =	swait.ge [sflag:s23], $0x1  }
0xa3: {  	[sflag:s23] =	ssyncset.done $0x0  }
0xa4: {  	s25 =	simm.s32 $0x1B8E;
	s24 =	sld [smem:$0x3FFE];
	[sflag:s23] =	ssyncadd.s32 $0xFFFFFFFF  }
0xa5: {  	s26 =	simm.s32 $execute0_lowered;
	[smem:$0x3FD2] =	sst s25  }
0xa6: {  	s4 =	sshll.u32 s26, $0x1;
	_ =	strace $0x8000004C;
	[dreg:$0x1] =	wrdreg $0xFFFFFFFF  }
0xa7: {  	s28 =	simm.s32 $_size_execute0_lowered;
	s2 =	sadd.s32 s2, s4;
	[dreg:$0x0] =	wrdreg $0x0  }
0xa8: {  	s4 =	sshll.u32 s28, $0x1;
	[dreg:$0x2] =	wrdreg s2  }
0xa9: {  	[dreg:$0x3] =	wrdreg s4  }
0xaa: {  	[dreg:$0x4] =	wrdreg $0xC0  }
0xab: {  	_ =	task [dreg:s6], $0x5FFFF  }
0xac: {  	[dreg:$0x1] =	wrdreg $0xFFFFFFFF  }
0xad: {  	[dreg:$0x0] =	wrdreg $0x60  }
0xae: {  	[dreg:$0x2] =	wrdreg s24  }
0xaf: {  	[dreg:$0x3] =	wrdreg $0xA1000  }
0xb0: {  	[dreg:$0x4] =	wrdreg $0x9  }
0xb1: {  	_ =	task.clear_ibuf [dreg:s6], $0x5FFFF;
	_ =	strace $0x9000004C  }
0xb2: {  	s29 =	simm.s32 $0x9;
	_ =	strace $0x8000004E  }
0xb3: {  	_ =	swait.ge [sflag:s29], $0x1  }
0xb4: {  	[sflag:s29] =	ssyncadd.s32 $0xFFFFFFFF  }
0xb5: {  	_ =	strace $0x9000004E  }
0xb6: {  	_ =	sfence  }
0xb7: {  	s30 =	sld [smem:$0x0];
	_ =	sdelay $0x2  }
0xb8: {  	s31 =	sshll.u32 s1, $0xD;
	s1 =	sshrl.u32 s1, $0x2  }
0xb9: {  	s3 =	sand.u32 $0x4000, s31;
	s1 =	sadd.s32 s1, s30  }
0xba: {  	s0 =	sor.u32 s3, s0;
	s1 =	sshll.u32 s1, $0x11  }
0xbb: {  	s0 =	sor.u32 s1, s0  }
0xbc: {  	s0 =	sadd.s32 $0x8F2B, s0  }
0xbd: {  	[sflag:s0] =	ssyncadd.remote.s32 $0x1  }
0xbe: {  	_ =	sfence.sel $0xFFFF  }
0xbf: {  	[dreg:$0x0] =	wrdreg $0xFFFFFFFF;
	(pc) =	sbr.abs _section_cstart, $3  }
0xc0: {  	[dreg:$0x1] =	wrdreg $0xFFFFFFFF  }
0xc1: {  	_ =	task.clear_ibuf [dreg:s6], $0x2FFFF;
	_ =	strace $0x9FFFFFFF  }
0xc2: {  	(tm) =	ssettm $0x7FFFFFFF  }
0xc3: {  	_ =	shalt  }
tec
execute0_lowered:
.L_overlay_start_1:
0x0: {  	(tag) =	ssettag $0x1  }
0x1: {  	s0 =	srdreg.scid;
	s1 =	rddreg [dreg:$0x0]  }
0x2: {  	s11 =	stileid.u32;
	s2 =	rddreg [dreg:$0x1]  }
0x3: {  	s28 =	simm.s32 $0x5100;
	s29 =	simm.s32 $0x2880;
	s6 =	smul.u32 $0x2800, s11  }
0x4: {  	s30 =	simm.s32 $0x7900;
	s31 =	simm.s32 $0x1;
	s10 =	smul.u32 $0x50000, s11  }
0x5: {  	s0 =	sand.u32 $0x1, s0;
	s5 =	sadd.s32 $0xC200, s1;
	s20 =	smul.u32 $0x2710, s11  }
0x6: {  	s3 =	sshll.u32 s0, $0x4;
	s7 =	smul.u32 $0x28000, s0;
	s13 =	ssub.s32 $0x2, s0  }
0x7: {  	s0 =	smul.u32 $0x27100, s0;
	s4 =	sor.u32 s11, s3;
	s3 =	simm.s32 $0x0  }
0x8: {  	s14 =	sshrl.u32 s13, $0x1;
	s10 =	sshrl.u32 s10, $0x2;
	s4 =	smul.u32 $0x2710, s4  }
0x9: {  	[smem:$0x7FF] =	sst s3;
	s6 =	sadd.s32 s6, s7;
	s7 =	sadd.s32 s10, s2  }
0xa: {  	s0 =	sadd.s32 s20, s0;
	_ =	strace $0x8000004D;
	s16 =	sadd.s32 $0x2800, s7  }
0xb: {  	s17 =	sadd.s32 $0x5000, s7;
	s18 =	sadd.s32 $0x7800, s7;
	[dreg:$0x4] =	wrdreg s16  }
0xc: {  	s19 =	sadd.s32 $0xA000, s7;
	s10 =	sadd.s32 $0xC800, s7;
	[dreg:$0x5] =	wrdreg s17  }
0xd: {  	s21 =	sadd.s32 $0xF000, s7;
	s22 =	sadd.s32 $0x11800, s7;
	[dreg:$0x6] =	wrdreg s18  }
0xe: {  	s24 =	sadd.s32 $0x140, s0;
	s25 =	sadd.s32 $0xA0, s0;
	[dreg:$0x7] =	wrdreg s19  }
0xf: {  	s20 =	sadd.s32 $0xF0, s0;
	s0 =	simm.s32 $0x2;
	[dreg:$0x8] =	wrdreg s10  }
0x10: {  	s8 =	sshrl.u32 s4, $0x3;
	s4 =	sadd.s32 $0x16000, s1;
	[dreg:$0x9] =	wrdreg s21  }
0x11: {  	[dreg:$0xa] =	wrdreg s22;
	s26 =	sshrl.u32 s25, $0x3;
	s22 =	simm.s32 $0x7  }
0x12: {  	s25 =	simm.s32 $0x50;
	s9 =	sadd.s32 s8, s1;
	s1 =	sadd.s32 s6, s1  }
0x13: {  	s6 =	ssub.s32 s13, s14;
	s14 =	sadd.s32 s5, s8;
	s15 =	sadd.s32 $0x2400, s9  }
0x14: {  	s10 =	simm.s32 $0x0;
	s23 =	sadd.s32 $0xA, s14;
	[dreg:$0x3] =	wrdreg s15  }
0x15: {  	s21 =	sadd.s32 s26, s5;
	s1 =	sadd.s32 $0x3E000, s1;
	[dreg:$0xb] =	wrdreg s23  }
0x16: {  	s26 =	simm.s32 $0x2800;
	s6 =	smax.u32 s6, $0x1;
	[dreg:$0xc] =	wrdreg s1  }
0x17: {  	s8 =	simm.s32 $0x3;
	s9 =	simm.s32 $0x6;
	[dreg:$0xd] =	wrdreg s6  }
0x18: {  	s1 =	sshrl.u32 s24, $0x3;
	s23 =	simm.s32 $0x2900;
	s24 =	simm.s32 $0x2780  }
0x19: {  	v0 =	vimm.f32 $0.0e+00;
	s6 =	simm.s32 $0x5;
	s19 =	sadd.s32 s1, s5;
	s1 =	simm.s32 $0x4  }
.LBB2_1:
0x1a: {  	s11 =	simm.s32 $0x0;
	s12 =	simm.s32 $0x200  }
.LBB2_2:
0x1b: {  	p0 =	sne.s32 s12, $0x9E00;
	[tilespmem:s11+$0x2970] =	vst v0  }
0x1c: {  	[tilespmem:s11+$0x2900] =	vst v0  }
0x1d: {  	[tilespmem:s11+$0x2910] =	vst v0  }
.Ltmp0:
0x1e: {  	[tilespmem:s11+$0x2920] =	vst v0;
	(pc) =	sbr.rel @p0 .LBB2_2-.Ltmp0, $4  }
0x1f: {  	[tilespmem:s11+$0x2930] =	vst v0  }
0x20: {  	[tilespmem:s11+$0x2940] =	vst v0  }
0x21: {  	[tilespmem:s11+$0x2950] =	vst v0  }
0x22: {  	[tilespmem:s11+$0x2960] =	vst v0;
	s11 =	sshra.s32 s12, $0x2;
	s12 =	sadd.s32 $0x200, s12  }
0x23: {  	[tilespmem:s11+$0x2970] =	vst v0  }
0x24: {  	[tilespmem:s11+$0x2900] =	vst v0  }
0x25: {  	[tilespmem:s11+$0x2910] =	vst v0  }
0x26: {  	[tilespmem:s11+$0x2920] =	vst v0  }
0x27: {  	[tilespmem:s11+$0x2930] =	vst v0  }
0x28: {  	[tilespmem:s11+$0x2940] =	vst v0  }
0x29: {  	[tilespmem:s11+$0x2950] =	vst v0  }
0x2a: {  	[tilespmem:s11+$0x2960] =	vst v0;
	s11 =	simm.s32 $0x0;
	s12 =	rddreg [dreg:$0x3]  }
0x2b: {  	[tilespmem:s11], [sflag:$0x7] =	stream.linear.gather [hbm4b:s12+s11], $0x2710, $0x38;
	[tilespmem:$0x1E100] =	vst v63  }
0x2c: {  	_ =	swait.ge [sflag:s22], $0x2710  }
0x2d: {  	[sflag:s22] =	ssyncset.done $0x0  }
0x2e: {  	[sflag:s22] =	ssyncadd.s32 $0xFFFFD8F0  }
0x2f: {  	[spmem:s7] =	stream.linear.scatter [tilespmem:s23], [sflag:$0x7], $0x2800, $0x38;
	[tilespmem:$0x1E100] =	vst v63  }
0x30: {  	_ =	swait.ge [sflag:s22], $0x2800  }
0x31: {  	[sflag:s22] =	ssyncset.done $0x0  }
0x32: {  	s17 =	rddreg [dreg:$0x4];
	[sflag:s22] =	ssyncadd.s32 $0xFFFFD800  }
0x33: {  	[spmem:s17] =	stream.linear.scatter [tilespmem:s23], [sflag:$0x7], $0x2800, $0x38;
	[tilespmem:$0x1E100] =	vst v63  }
0x34: {  	_ =	swait.ge [sflag:s22], $0x2800  }
0x35: {  	[sflag:s22] =	ssyncset.done $0x0  }
0x36: {  	s18 =	rddreg [dreg:$0x5];
	[sflag:s22] =	ssyncadd.s32 $0xFFFFD800  }
0x37: {  	[spmem:s18] =	stream.linear.scatter [tilespmem:s23], [sflag:$0x7], $0x2800, $0x38;
	[tilespmem:$0x1E100] =	vst v63  }
0x38: {  	_ =	swait.ge [sflag:s22], $0x2800  }
0x39: {  	[sflag:s22] =	ssyncset.done $0x0  }
0x3a: {  	s13 =	rddreg [dreg:$0x6];
	[sflag:s22] =	ssyncadd.s32 $0xFFFFD800  }
0x3b: {  	[spmem:s13] =	stream.linear.scatter [tilespmem:s23], [sflag:$0x7], $0x2800, $0x38;
	[tilespmem:$0x1E100] =	vst v63  }
0x3c: {  	_ =	swait.ge [sflag:s22], $0x2800  }
0x3d: {  	[sflag:s22] =	ssyncset.done $0x0  }
0x3e: {  	s15 =	rddreg [dreg:$0x7];
	[sflag:s22] =	ssyncadd.s32 $0xFFFFD800  }
0x3f: {  	[spmem:s15] =	stream.linear.scatter [tilespmem:s23], [sflag:$0x7], $0x2800, $0x38;
	[tilespmem:$0x1E100] =	vst v63  }
0x40: {  	_ =	swait.ge [sflag:s22], $0x2800  }
0x41: {  	[sflag:s22] =	ssyncset.done $0x0  }
0x42: {  	s16 =	rddreg [dreg:$0x8];
	[sflag:s22] =	ssyncadd.s32 $0xFFFFD800  }
0x43: {  	[spmem:s16] =	stream.linear.scatter [tilespmem:s23], [sflag:$0x7], $0x2800, $0x38;
	[tilespmem:$0x1E100] =	vst v63  }
0x44: {  	_ =	swait.ge [sflag:s22], $0x2800  }
0x45: {  	[sflag:s22] =	ssyncset.done $0x0  }
0x46: {  	s17 =	rddreg [dreg:$0x9];
	[sflag:s22] =	ssyncadd.s32 $0xFFFFD800  }
0x47: {  	[spmem:s17] =	stream.linear.scatter [tilespmem:s23], [sflag:$0x7], $0x2800, $0x38;
	[tilespmem:$0x1E100] =	vst v63  }
0x48: {  	_ =	swait.ge [sflag:s22], $0x2800  }
0x49: {  	[sflag:s22] =	ssyncset.done $0x0  }
0x4a: {  	s18 =	rddreg [dreg:$0xa];
	[sflag:s22] =	ssyncadd.s32 $0xFFFFD800  }
0x4b: {  	[spmem:s18] =	stream.linear.scatter [tilespmem:s23], [sflag:$0x7], $0x2800, $0x38;
	[tilespmem:$0x1E100] =	vst v63  }
0x4c: {  	_ =	swait.ge [sflag:s22], $0x2800  }
0x4d: {  	[sflag:s22] =	ssyncset.done $0x0  }
0x4e: {  	[sflag:s22] =	ssyncadd.s32 $0xFFFFD800  }
0x4f: {  	[bflag:$0x0] =	sbarrier.arrive $0xFFFF  }
0x50: {  	[tilespmem:s24], [sflag:$0x4] =	stream.linear.gather [hbm4b:s14+s11], $0x50, $0x38;
	[tilespmem:$0x1E100] =	vst v63  }
0x51: {  	_ = 	snop  }
0x52: {  	[tilespmem:s23], [sflag:$0x1] =	stream.indirect.gather [hbm4b:s4+s25], $0x80, s11, s25, $0xb8;
	[tilespmem:$0x1E100] =	vst v63  }
0x53: {  	s13 =	rddreg [dreg:$0xb]  }
0x54: {  	[tilespmem:s26], [sflag:$0x5] =	stream.linear.gather [hbm4b:s13+s11], $0x50, $0x38;
	[tilespmem:$0x1E100] =	vst v63  }
0x55: {  	_ = 	snop  }
0x56: {  	[tilespmem:s28], [sflag:$0x2] =	stream.indirect.gather [hbm4b:s4+s25], $0x80, s25, s25, $0xb8;
	[tilespmem:$0x1E100] =	vst v63  }
0x57: {  	_ = 	snop  }
0x58: {  	[tilespmem:s29], [sflag:$0x6] =	stream.linear.gather [hbm4b:s21+s3], $0x50, $0x38;
	[tilespmem:$0x1E100] =	vst v63  }
0x59: {  	s15 =	simm.s32 $0xA0  }
0x5a: {  	[tilespmem:s30], [sflag:$0x3] =	stream.indirect.gather [hbm4b:s4+s25], $0x80, s15, s25, $0xb8;
	[tilespmem:$0x1E100] =	vst v63  }
0x5b: {  	_ =	swait.ge [sflag:s31], $0x2800  }
0x5c: {  	[sflag:s31] =	ssyncset.done $0x0  }
0x5d: {  	[sflag:s31] =	ssyncadd.s32 $0xFFFFD800  }
0x5e: {  	_ =	swait.ge [sflag:s1], $0x50  }
0x5f: {  	[sflag:s1] =	ssyncset.done $0x0  }
0x60: {  	[sflag:s1] =	ssyncadd.s32 $0xFFFFFFB0  }
0x61: {  	[spmem:s2] =	stream.indirect.scatter.add.f32 [tilespmem:s23], [sflag:$0x7], $0x80, s24, s25, $0xb8;
	[tilespmem:$0x1E100] =	vst v63  }
0x62: {  	_ =	swait.ge [sflag:s22], $0x2800  }
0x63: {  	s16 =	sshrl.u32 s20, $0x3;
	[sflag:s22] =	ssyncset.done $0x0  }
0x64: {  	s11 =	sadd.s32 s5, s16;
	[sflag:s22] =	ssyncadd.s32 $0xFFFFD800  }
0x65: {  	[tilespmem:s24], [sflag:$0x4] =	stream.linear.gather [hbm4b:s11+s3], $0x50, $0x38;
	[tilespmem:$0x1E100] =	vst v63  }
0x66: {  	s17 =	simm.s32 $0xF0  }
0x67: {  	[tilespmem:s23], [sflag:$0x1] =	stream.indirect.gather [hbm4b:s4+s25], $0x80, s17, s25, $0xb8;
	[tilespmem:$0x1E100] =	vst v63  }
0x68: {  	_ =	swait.ge [sflag:s0], $0x2800  }
0x69: {  	[sflag:s0] =	ssyncset.done $0x0  }
0x6a: {  	[sflag:s0] =	ssyncadd.s32 $0xFFFFD800  }
0x6b: {  	_ =	swait.ge [sflag:s6], $0x50  }
0x6c: {  	[sflag:s6] =	ssyncset.done $0x0  }
0x6d: {  	[sflag:s6] =	ssyncadd.s32 $0xFFFFFFB0  }
0x6e: {  	[spmem:s2] =	stream.indirect.scatter.add.f32 [tilespmem:s28], [sflag:$0x7], $0x80, s26, s25, $0xb8;
	[tilespmem:$0x1E100] =	vst v63  }
0x6f: {  	_ =	swait.ge [sflag:s22], $0x2800  }
0x70: {  	[sflag:s22] =	ssyncset.done $0x0  }
0x71: {  	[sflag:s22] =	ssyncadd.s32 $0xFFFFD800  }
0x72: {  	[tilespmem:s26], [sflag:$0x5] =	stream.linear.gather [hbm4b:s19+s3], $0x50, $0x38;
	[tilespmem:$0x1E100] =	vst v63  }
0x73: {  	s18 =	simm.s32 $0x140  }
0x74: {  	[tilespmem:s28], [sflag:$0x2] =	stream.indirect.gather [hbm4b:s4+s25], $0x80, s18, s25, $0xb8;
	[tilespmem:$0x1E100] =	vst v63  }
0x75: {  	_ =	swait.ge [sflag:s8], $0x2800  }
0x76: {  	[sflag:s8] =	ssyncset.done $0x0  }
0x77: {  	[sflag:s8] =	ssyncadd.s32 $0xFFFFD800  }
0x78: {  	_ =	swait.ge [sflag:s9], $0x50  }
0x79: {  	[sflag:s9] =	ssyncset.done $0x0  }
0x7a: {  	[sflag:s9] =	ssyncadd.s32 $0xFFFFFFB0  }
0x7b: {  	[spmem:s2] =	stream.indirect.scatter.add.f32 [tilespmem:s30], [sflag:$0x7], $0x80, s29, s25, $0xb8;
	[tilespmem:$0x1E100] =	vst v63  }
0x7c: {  	s12 =	sadd.s32 $0x1E, s19;
	s13 =	sadd.s32 $0xF0, s20;
	_ =	swait.ge [sflag:s22], $0x2800  }
0x7d: {  	s15 =	simm.s32 $0x3C0;
	s11 =	sadd.s32 $0x1E, s21;
	[sflag:s22] =	ssyncset.done $0x0  }
.LBB2_4:
0x7e: {  	s16 =	smov.u32 s15  }
0x7f: {  	s17 =	sshra.s32 s15, $0x2;
	[sflag:s22] =	ssyncadd.s32 $0xFFFFD800;
	s16 =	sadd.s32 $0x3C0, s15  }
0x80: {  	[tilespmem:s29], [sflag:$0x6] =	stream.linear.gather [hbm4b:s11+s3], $0x50, $0x38;
	[tilespmem:$0x1E100] =	vst v63  }
0x81: {  	p0 =	sne.s32 s15, $0x9600;
	s18 =	sadd.s32 $0xA0, s17  }
0x82: {  	[tilespmem:s30], [sflag:$0x3] =	stream.indirect.gather [hbm4b:s4+s25], $0x80, s18, s25, $0xb8;
	[tilespmem:$0x1E100] =	vst v63  }
0x83: {  	_ =	swait.ge [sflag:s31], $0x2800  }
0x84: {  	[sflag:s31] =	ssyncset.done $0x0  }
0x85: {  	[sflag:s31] =	ssyncadd.s32 $0xFFFFD800  }
0x86: {  	_ =	swait.ge [sflag:s1], $0x50  }
0x87: {  	[sflag:s1] =	ssyncset.done $0x0  }
0x88: {  	[sflag:s1] =	ssyncadd.s32 $0xFFFFFFB0  }
0x89: {  	[spmem:s2] =	stream.indirect.scatter.add.f32 [tilespmem:s23], [sflag:$0x7], $0x80, s24, s25, $0xb8;
	[tilespmem:$0x1E100] =	vst v63  }
0x8a: {  	_ =	swait.ge [sflag:s22], $0x2800  }
0x8b: {  	s15 =	sshrl.u32 s13, $0x3;
	[sflag:s22] =	ssyncset.done $0x0  }
0x8c: {  	s15 =	sadd.s32 s5, s15;
	[sflag:s22] =	ssyncadd.s32 $0xFFFFD800  }
0x8d: {  	[tilespmem:s24], [sflag:$0x4] =	stream.linear.gather [hbm4b:s15+s3], $0x50, $0x38;
	[tilespmem:$0x1E100] =	vst v63  }
0x8e: {  	s15 =	sadd.s32 $0xF0, s17  }
0x8f: {  	[tilespmem:s23], [sflag:$0x1] =	stream.indirect.gather [hbm4b:s4+s25], $0x80, s15, s25, $0xb8;
	[tilespmem:$0x1E100] =	vst v63  }
0x90: {  	_ =	swait.ge [sflag:s0], $0x2800  }
0x91: {  	[sflag:s0] =	ssyncset.done $0x0  }
0x92: {  	[sflag:s0] =	ssyncadd.s32 $0xFFFFD800  }
0x93: {  	_ =	swait.ge [sflag:s6], $0x50  }
0x94: {  	[sflag:s6] =	ssyncset.done $0x0  }
0x95: {  	[sflag:s6] =	ssyncadd.s32 $0xFFFFFFB0  }
0x96: {  	[spmem:s2] =	stream.indirect.scatter.add.f32 [tilespmem:s28], [sflag:$0x7], $0x80, s26, s25, $0xb8;
	[tilespmem:$0x1E100] =	vst v63  }
0x97: {  	_ =	swait.ge [sflag:s22], $0x2800  }
0x98: {  	[sflag:s22] =	ssyncset.done $0x0  }
0x99: {  	[sflag:s22] =	ssyncadd.s32 $0xFFFFD800  }
0x9a: {  	[tilespmem:s26], [sflag:$0x5] =	stream.linear.gather [hbm4b:s12+s3], $0x50, $0x38;
	[tilespmem:$0x1E100] =	vst v63  }
0x9b: {  	s15 =	sadd.s32 $0x140, s17  }
0x9c: {  	[tilespmem:s28], [sflag:$0x2] =	stream.indirect.gather [hbm4b:s4+s25], $0x80, s15, s25, $0xb8;
	[tilespmem:$0x1E100] =	vst v63  }
0x9d: {  	_ =	swait.ge [sflag:s8], $0x2800  }
0x9e: {  	[sflag:s8] =	ssyncset.done $0x0  }
0x9f: {  	[sflag:s8] =	ssyncadd.s32 $0xFFFFD800  }
0xa0: {  	_ =	swait.ge [sflag:s9], $0x50  }
.Ltmp1:
0xa1: {  	[sflag:s9] =	ssyncset.done $0x0;
	(pc) =	sbr.rel @p0 .LBB2_4-.Ltmp1, $4  }
0xa2: {  	[sflag:s9] =	ssyncadd.s32 $0xFFFFFFB0  }
0xa3: {  	[spmem:s2] =	stream.indirect.scatter.add.f32 [tilespmem:s30], [sflag:$0x7], $0x80, s29, s25, $0xb8;
	[tilespmem:$0x1E100] =	vst v63  }
0xa4: {  	s13 =	sadd.s32 $0xF0, s13;
	s11 =	sadd.s32 $0x1E, s11;
	_ =	swait.ge [sflag:s22], $0x2800  }
0xa5: {  	s12 =	sadd.s32 $0x1E, s12;
	s15 =	smov.u32 s16;
	[sflag:s22] =	ssyncset.done $0x0  }
0xa6: {  	[sflag:s22] =	ssyncadd.s32 $0xFFFFD800  }
0xa7: {  	_ =	swait.ge [sflag:s31], $0x2800  }
0xa8: {  	[sflag:s31] =	ssyncset.done $0x0  }
0xa9: {  	[sflag:s31] =	ssyncadd.s32 $0xFFFFD800  }
0xaa: {  	_ =	swait.ge [sflag:s1], $0x50  }
0xab: {  	[sflag:s1] =	ssyncset.done $0x0  }
0xac: {  	[sflag:s1] =	ssyncadd.s32 $0xFFFFFFB0  }
0xad: {  	[spmem:s2] =	stream.indirect.scatter.add.f32 [tilespmem:s23], [sflag:$0x7], $0x80, s24, s25, $0xb8;
	[tilespmem:$0x1E100] =	vst v63  }
0xae: {  	_ =	swait.ge [sflag:s22], $0x2800  }
0xaf: {  	[sflag:s22] =	ssyncset.done $0x0  }
0xb0: {  	[sflag:s22] =	ssyncadd.s32 $0xFFFFD800  }
0xb1: {  	_ =	swait.ge [sflag:s0], $0x2800  }
0xb2: {  	[sflag:s0] =	ssyncset.done $0x0  }
0xb3: {  	[sflag:s0] =	ssyncadd.s32 $0xFFFFD800  }
0xb4: {  	_ =	swait.ge [sflag:s6], $0x50  }
0xb5: {  	[sflag:s6] =	ssyncset.done $0x0  }
0xb6: {  	[sflag:s6] =	ssyncadd.s32 $0xFFFFFFB0  }
0xb7: {  	[spmem:s2] =	stream.indirect.scatter.add.f32 [tilespmem:s28], [sflag:$0x7], $0x80, s26, s25, $0xb8;
	[tilespmem:$0x1E100] =	vst v63  }
0xb8: {  	_ =	swait.ge [sflag:s22], $0x2800  }
0xb9: {  	[sflag:s22] =	ssyncset.done $0x0  }
0xba: {  	s11 =	stileid.u32;
	[sflag:s22] =	ssyncadd.s32 $0xFFFFD800  }
0xbb: {  	s11 =	sshll.u32 s11, $0x6;
	[bflag:$0x0] =	sbarrier.arrive $0xFFFF  }
0xbc: {  	s12 =	sshrl.u32 s7, $0x3;
	s11 =	sor.u32 $0x1C07, s11;
	s13 =	rddreg [dreg:$0xc]  }
0xbd: {  	[hbm:s13], [sflag:s11] =	dma.local [spmem:s12], $0x2800  }
0xbe: {  	_ =	swait.ge [sflag:s22], $0x2800  }
0xbf: {  	s10 =	sadd.s32 $0x1, s10;
	s18 =	rddreg [dreg:$0xd]  }
0xc0: {  	p0 =	sne.s32 s10, s18  }
.Ltmp2:
0xc1: {  	_ = 	snop;
	(pc) =	sbr.rel @p0 .LBB2_1-.Ltmp2, $3  }
0xc2: {  	_ =	sdelay $0x1  }
0xc3: {  	[sflag:s22] =	ssyncset.done $0x0  }
0xc4: {  	[sflag:s22] =	ssyncadd.s32 $0xFFFFD800  }
0xc5: {  	_ =	sfence.sel $0x180000  }
0xc6: {  	[bflag:$0x0] =	sbarrier.arrive $0xFFFF  }
0xc7: {  	_ =	strace $0x9000004D  }
0xc8: {  	s0 =	stileid.u32;
	[bflag:$0x2] =	sbarrier.arrive $0xFFFF  }
0xc9: {  	p0 =	sne.s32 s0, $0x0;
	s0 =	rddreg [dreg:$0x2]  }
0xca: {  	s0 =	sadd.s32 @!p0 $0x100000, s0  }
0xcb: {  	[sflag:s0] =	ssyncadd.tile.s32 @!p0 $0x1;
	_ =	shalt  }
.Lfunc_end2:
_tile_overlayer_lowered:
.L_overlay_start_2:
0xcc: {  	(tag) =	ssettag $0x2  }
0xcd: {  	s0 =	rddreg [dreg:$0x0];
	s2 =	stileid.u32  }
0xce: {  	s1 =	rddreg [dreg:$0x1];
	p0 =	sne.s32 s2, $0x0  }
0xcf: {  	s3 =	rddreg [dreg:$0x2];
	[bflag:$0x3] =	sbarrier.arrive $0xFFFF;
	s2 =	simm.s32 @!p0 $0x1C07  }
0xd0: {  	[timem:s3], [sflag:s2] =	dma.local @!p0 [hbm:s0], s1  }
0xd1: {  	s0 =	simm.s32 @!p0 $0x7  }
0xd2: {  	_ =	swait.ge @!p0 [sflag:s0], s1  }
0xd3: {  	s1 =	ssub.s32 @!p0 $0x0, s1;
	[sflag:s0] =	ssyncset.done @!p0 $0x0  }
0xd4: {  	[sflag:s0] =	ssyncadd.s32 @!p0 s1  }
0xd5: {  	[bflag:$0x3] =	sbarrier.arrive $0xFFFF  }
0xd6: {  	_ =	shalt  }

// kernel: kernel.8.cloned.1.call-start
scs
__scs_entry_jumppad:
0x0: {  	(pc) =	sbr.rel $0x88, $3  }
0x1: {  	(tag) =	ssettag $0x0;
	lr =	simm.s32 $0x1  }
0x2: {  	[smem:$0x3F9A] =	sst lr;
	_ =	strace $0xD0000000  }
0x3: {  	_ = 	snop  }
0x4: {  	_ = 	snop  }
0x5: {  	_ = 	snop  }
0x6: {  	_ = 	snop  }
0x7: {  	_ = 	snop  }
__scs_overlays_trampoline_lowered:
0x8: {  	[smem:$0x3FA9] =	sst s0  }
0x9: {  	[smem:$0x3FAA] =	sst s1  }
0xa: {  	[smem:$0x3FAB] =	sst s2  }
0xb: {  	[smem:$0x3FAC] =	sst s3  }
0xc: {  	[smem:$0x3FAD] =	sst s4  }
0xd: {  	[smem:$0x3FAE] =	sst s5  }
0xe: {  	[smem:$0x3FAF] =	sst s6  }
0xf: {  	[smem:$0x3FB0] =	sst s7  }
0x10: {  	[smem:$0x3FB1] =	sst s8  }
0x11: {  	[smem:$0x3FB2] =	sst s9;
	s0 =	simm.s32 @!p0 $0x0  }
0x12: {  	s1 =	sld [smem:$0x3F98];
	s0 =	simm.s32 @p0 $0x1  }
0x13: {  	[smem:$0x3FB3] =	sst s0;
	s0 =	simm.s32 @!p1 $0x0  }
0x14: {  	s2 =	sld [smem:$0x3F97];
	s0 =	simm.s32 @p1 $0x1  }
0x15: {  	[smem:$0x3FB4] =	sst s0;
	s0 =	simm.s32 @!p2 $0x0  }
0x16: {  	s3 =	sld [smem:$0x3FDB];
	s0 =	simm.s32 @p2 $0x1  }
0x17: {  	s4 =	simm.s32 $0x1BF5;
	[smem:$0x3FB6] =	sst s0  }
0x18: {  	s0 =	sld [smem:$0x3F99];
	_ =	swait.ge [sflag:s4], $0x0  }
0x19: {  	s7 =	sld [smem:$0x3F9A]  }
0x1a: {  	s8 =	sadd.s32 $0xFFFFE003, lr  }
0x1b: {  	s9 =	sadd.s32 $0xFFFFFEF7, lr;
	s5 =	simm.s32 $0xFFFFFFFF;
	p2 =	slt.u32 s8, $0xFFFFF086  }
0x1c: {  	p1 =	slt.u32 s9, $0xF7A;
	s5 =	simm.s32 @!p2 $0x0  }
0x1d: {  	s5 =	simm.s32 @p1 $0x1;
	p0 =	seq.s32 s7, s2  }
0x1e: {  	s7 =	smul.u32 @!p0 $0xF7A, s2;
	p2 =	seq.s32 @!p0 s5, $0x0  }
0x1f: {  	s9 =	smul.u32 $0xF7A, s1;
	s8 =	simm.s32 @!p0 $0x1BF5;
	p2 =	por !p2, p0  }
0x20: {  	[sflag:s8] =	ssyncset.s32 @!p0 $0xFFFFF086;
	s6 =	sadd.s32 @!p0 s3, s7;
	s7 =	simm.s32 @!p0 $0x108  }
0x21: {  	s3 =	sadd.s32 s3, s9;
	s6 =	sadd.s32 @!p0 $0x88, s6;
	s7 =	simm.s32 @p2 $0x1082  }
0x22: {  	[simem:s7], [sflag:s8] =	dma.local @!p0 [hbm:s6], $0xF7A  }
0x23: {  	s9 =	sor.u32 $0xD0000000, s2;
	s6 =	simm.s32 $0x108;
	_ =	swait.ge @!p0 [sflag:s8], $0x0  }
0x24: {  	s3 =	sadd.s32 $0x88, s3;
	s6 =	simm.s32 @!p1 $0x1082;
	[sflag:s4] =	ssyncset.s32 $0xFFFFF086  }
0x25: {  	[simem:s6], [sflag:s4] =	dma.local [hbm:s3], $0xF7A  }
0x26: {  	[smem:$0x3F9A] =	sst s1;
	(tag) =	ssettag s2;
	_ =	strace s9  }
0x27: {  	s1 =	sld [smem:$0x3FAA]  }
0x28: {  	s2 =	sld [smem:$0x3FAB]  }
0x29: {  	s4 =	sld [smem:$0x3FAD]  }
0x2a: {  	p0 =	seq.s32 s5, $0x0;
	s5 =	sld [smem:$0x3FAE]  }
0x2b: {  	s6 =	sld [smem:$0x3FAF]  }
0x2c: {  	s7 =	sld [smem:$0x3FB0]  }
0x2d: {  	s3 =	simm.s32 $0x108;
	s8 =	sld [smem:$0x3FB1]  }
0x2e: {  	s3 =	simm.s32 @!p0 $0x1082;
	s9 =	sld [smem:$0x3FB2]  }
0x2f: {  	lr =	sadd.s32 s0, s3;
	s0 =	sld [smem:$0x3FA9]  }
0x30: {  	s3 =	sld [smem:$0x3FAC]  }
0x31: {  	[smem:$0x3FB5] =	sst s10  }
0x32: {  	s10 =	sld [smem:$0x3FB3];
	_ =	sdelay $0x3  }
0x33: {  	p0 =	seq.s32 s10, $0x1;
	s10 =	sld [smem:$0x3FB5];
	_ =	sdelay $0x3  }
0x34: {  	[smem:$0x3FB5] =	sst s10  }
0x35: {  	s10 =	sld [smem:$0x3FB4];
	_ =	sdelay $0x3  }
0x36: {  	p1 =	seq.s32 s10, $0x1;
	s10 =	sld [smem:$0x3FB5];
	_ =	sdelay $0x3  }
0x37: {  	[smem:$0x3FB5] =	sst s10  }
0x38: {  	s10 =	sld [smem:$0x3FB6]  }
0x39: {  	_ = 	snop;
	(pc) =	sbr.ind lr, $3  }
0x3a: {  	_ = 	snop  }
0x3b: {  	_ = 	snop  }
0x3c: {  	p2 =	seq.s32 s10, $0x1;
	s10 =	sld [smem:$0x3FB5]  }
0x3d: {  	_ =	shalt  }
0x3e: {  	_ =	shalt  }
0x3f: {  	_ =	shalt  }
0x40: {  	_ =	shalt  }
0x41: {  	_ =	shalt  }
0x42: {  	_ =	shalt  }
0x43: {  	_ =	shalt  }
0x44: {  	_ =	shalt  }
0x45: {  	_ =	shalt  }
0x46: {  	_ =	shalt  }
0x47: {  	_ =	shalt  }
0x48: {  	_ =	shalt  }
0x49: {  	_ =	shalt  }
0x4a: {  	_ =	shalt  }
0x4b: {  	_ =	shalt  }
0x4c: {  	_ =	shalt  }
0x4d: {  	_ =	shalt  }
0x4e: {  	_ =	shalt  }
0x4f: {  	_ =	shalt  }
0x50: {  	_ =	shalt  }
0x51: {  	_ =	shalt  }
0x52: {  	_ =	shalt  }
0x53: {  	_ =	shalt  }
0x54: {  	_ =	shalt  }
0x55: {  	_ =	shalt  }
0x56: {  	_ =	shalt  }
0x57: {  	_ =	shalt  }
0x58: {  	_ =	shalt  }
0x59: {  	_ =	shalt  }
0x5a: {  	_ =	shalt  }
0x5b: {  	_ =	shalt  }
0x5c: {  	_ =	shalt  }
0x5d: {  	_ =	shalt  }
0x5e: {  	_ =	shalt  }
0x5f: {  	_ =	shalt  }
0x60: {  	_ =	shalt  }
0x61: {  	_ =	shalt  }
0x62: {  	_ =	shalt  }
0x63: {  	_ =	shalt  }
0x64: {  	_ =	shalt  }
0x65: {  	_ =	shalt  }
0x66: {  	_ =	shalt  }
0x67: {  	_ =	shalt  }
0x68: {  	_ =	shalt  }
0x69: {  	_ =	shalt  }
0x6a: {  	_ =	shalt  }
0x6b: {  	_ =	shalt  }
0x6c: {  	_ =	shalt  }
0x6d: {  	_ =	shalt  }
0x6e: {  	_ =	shalt  }
0x6f: {  	_ =	shalt  }
0x70: {  	_ =	shalt  }
0x71: {  	_ =	shalt  }
0x72: {  	_ =	shalt  }
0x73: {  	_ =	shalt  }
0x74: {  	_ =	shalt  }
0x75: {  	_ =	shalt  }
0x76: {  	_ =	shalt  }
0x77: {  	_ =	shalt  }
0x78: {  	_ =	shalt  }
0x79: {  	_ =	shalt  }
0x7a: {  	_ =	shalt  }
0x7b: {  	_ =	shalt  }
0x7c: {  	_ =	shalt  }
0x7d: {  	_ =	shalt  }
0x7e: {  	_ =	shalt  }
0x7f: {  	_ =	shalt  }
0x80: {  	_ =	shalt  }
0x81: {  	_ =	shalt  }
0x82: {  	_ =	shalt  }
0x83: {  	_ =	shalt  }
0x84: {  	_ =	shalt  }
0x85: {  	_ =	shalt  }
0x86: {  	_ =	shalt  }
0x87: {  	_ =	shalt  }
.Lfunc_end0:
.L_simem_size_0:
called_computation_lowered:
.L_overlay_start_0:
0x88: {  	s2 =	sld [smem:$0x3FD9]  }
0x89: {  	s3 =	sld [smem:$0x3FFE];
	_ =	sdelay $0x1  }
0x8a: {  	s1 =	srdreg.scid  }
0x8b: {  	s0 =	sand.u32 $0x1, s1  }
0x8c: {  	s16 =	sshll.u32 s0, $0xA;
	s2 =	sadd.s32 s3, s2  }
0x8d: {  	s2 =	sadd.s32 s2, s16  }
0x8e: {  	[smem:$0x3FC1] =	sst s2  }
0x8f: {  	_ = 	snop  }
0x90: {  	(tm) =	ssettm $0x1  }
0x91: {  	s17 =	sld [smem:$0x3FFB];
	_ =	sdelay $0x3  }
0x92: {  	_ =	strace s17  }
0x93: {  	s2 =	sld [smem:$0x3FFC];
	_ =	sdelay $0x3  }
0x94: {  	_ =	strace s2  }
0x95: {  	s2 =	sld [smem:$0x3FFD];
	_ =	sdelay $0x3  }
0x96: {  	_ =	strace s2  }
0x97: {  	_ =	strace $0x8FFFFFFF  }
0x98: {  	s18 =	sld [smem:$0x3FDB];
	_ =	sdelay $0x1  }
0x99: {  	s19 =	simm.s32 $_scs_section_size  }
0x9a: {  	s4 =	simm.s32 $_size__tile_overlayer_lowered;
	s5 =	simm.s32 $_tile_overlayer_lowered  }
0x9b: {  	s22 =	simm.s32 $0x1BFF;
	s21 =	sshll.u32 s5, $0x1;
	s2 =	sadd.s32 s19, s18  }
0x9c: {  	s6 =	simm.s32 $0x0;
	s20 =	sshll.u32 s4, $0x1;
	s4 =	sadd.s32 s21, s2  }
0x9d: {  	[timem:s6], [sflag:s22] =	dma.local [hbm:s4], s20  }
0x9e: {  	_ =	swait.ge [sflag:s22], s20  }
0x9f: {  	s3 =	ssub.s32 $0x0, s20;
	[sflag:s22] =	ssyncset.done $0x0  }
0xa0: {  	[sflag:s22] =	ssyncadd.s32 s3;
	_ =	sdelay $0x1  }
0xa1: {  	s23 =	simm.s32 $0x1B8B  }
0xa2: {  	_ =	swait.ge [sflag:s23], $0x1  }
0xa3: {  	[sflag:s23] =	ssyncset.done $0x0  }
0xa4: {  	s25 =	simm.s32 $0x1B8E;
	s24 =	sld [smem:$0x3FFE];
	[sflag:s23] =	ssyncadd.s32 $0xFFFFFFFF  }
0xa5: {  	s26 =	simm.s32 $execute0_lowered;
	[smem:$0x3FD2] =	sst s25  }
0xa6: {  	s4 =	sshll.u32 s26, $0x1;
	_ =	strace $0x80000046;
	[dreg:$0x1] =	wrdreg $0xFFFFFFFF  }
0xa7: {  	s28 =	simm.s32 $_size_execute0_lowered;
	s2 =	sadd.s32 s2, s4;
	[dreg:$0x0] =	wrdreg $0x0  }
0xa8: {  	s4 =	sshll.u32 s28, $0x1;
	[dreg:$0x2] =	wrdreg s2  }
0xa9: {  	[dreg:$0x3] =	wrdreg s4  }
0xaa: {  	[dreg:$0x4] =	wrdreg $0xC0  }
0xab: {  	_ =	task [dreg:s6], $0x5FFFF  }
0xac: {  	[dreg:$0x1] =	wrdreg $0xFFFFFFFF  }
0xad: {  	[dreg:$0x0] =	wrdreg $0x60  }
0xae: {  	[dreg:$0x2] =	wrdreg s24  }
0xaf: {  	[dreg:$0x3] =	wrdreg $0x7A000  }
0xb0: {  	[dreg:$0x4] =	wrdreg $0x9  }
0xb1: {  	_ =	task.clear_ibuf [dreg:s6], $0x5FFFF;
	_ =	strace $0x90000046  }
0xb2: {  	s29 =	simm.s32 $0x9;
	_ =	strace $0x80000048  }
0xb3: {  	_ =	swait.ge [sflag:s29], $0x1  }
0xb4: {  	[sflag:s29] =	ssyncadd.s32 $0xFFFFFFFF  }
0xb5: {  	_ =	strace $0x90000048  }
0xb6: {  	_ =	sfence  }
0xb7: {  	s30 =	sld [smem:$0x0];
	_ =	sdelay $0x2  }
0xb8: {  	s31 =	sshll.u32 s1, $0xD;
	s1 =	sshrl.u32 s1, $0x2  }
0xb9: {  	s3 =	sand.u32 $0x4000, s31;
	s1 =	sadd.s32 s1, s30  }
0xba: {  	s0 =	sor.u32 s3, s0;
	s1 =	sshll.u32 s1, $0x11  }
0xbb: {  	s0 =	sor.u32 s1, s0  }
0xbc: {  	s0 =	sadd.s32 $0x8F2B, s0  }
0xbd: {  	[sflag:s0] =	ssyncadd.remote.s32 $0x1  }
0xbe: {  	_ =	sfence.sel $0xFFFF  }
0xbf: {  	[dreg:$0x0] =	wrdreg $0xFFFFFFFF;
	(pc) =	sbr.abs _section_cstart, $3  }
0xc0: {  	[dreg:$0x1] =	wrdreg $0xFFFFFFFF  }
0xc1: {  	_ =	task.clear_ibuf [dreg:s6], $0x2FFFF;
	_ =	strace $0x9FFFFFFF  }
0xc2: {  	(tm) =	ssettm $0x7FFFFFFF  }
0xc3: {  	_ =	shalt  }
tec
execute0_lowered:
.L_overlay_start_1:
0x0: {  	(tag) =	ssettag $0x1  }
0x1: {  	s3 =	rddreg [dreg:$0x0]  }
0x2: {  	s5 =	rddreg [dreg:$0x1]  }
0x3: {  	s0 =	rddreg [dreg:$0x2];
	s4 =	srdreg.scid  }
0x4: {  	s1 =	stileid.u32;
	s2 =	simm.s32 $0x0;
	s12 =	simm.s32 $0x1400  }
0x5: {  	s13 =	simm.s32 $0x14000;
	s14 =	simm.s32 $0x4F80;
	s15 =	simm.s32 $0x7780  }
0x6: {  	s16 =	simm.s32 $0x0;
	s4 =	sand.u32 $0x1, s4;
	s6 =	smul.u32 $0x280, s1  }
0x7: {  	[smem:$0x7FF] =	sst s2;
	s28 =	sshrl.u32 s1, $0x3;
	s10 =	smul.u32 $0x5000, s1  }
0x8: {  	s9 =	sshll.u32 s1, $0x7;
	s7 =	sshll.u32 s4, $0x4;
	s8 =	smul.u32 $0x2800, s4  }
0x9: {  	_ =	strace $0x80000047;
	s4 =	ssub.s32 $0x2, s4;
	s7 =	sor.u32 s1, s7  }
0xa: {  	s30 =	sand.u32 $0x380, s9;
	s9 =	simm.s32 $0x2780;
	s7 =	smul.u32 $0x4E2, s7  }
0xb: {  	s29 =	sshrl.u32 s4, $0x1;
	s6 =	sadd.s32 s6, s8;
	s8 =	smul.u32 $0x50000, s28  }
0xc: {  	s31 =	sshrl.u32 s10, $0x2;
	s10 =	simm.s32 $0x80;
	s11 =	ssub.s32 s4, s29  }
0xd: {  	s6 =	sshrl.u32 s6, $0x3;
	s7 =	sadd.s32 s7, s3;
	s8 =	sshrl.u32 s8, $0x2  }
0xe: {  	s6 =	sadd.s32 s6, s3;
	s8 =	sadd.s32 s8, s5;
	s3 =	sadd.s32 $0xC200, s7  }
0xf: {  	s5 =	sadd.s32 s31, s5;
	s6 =	sadd.s32 $0x16000, s6;
	s7 =	smax.u32 s11, $0x1  }
0x10: {  	v0 =	vimm.f32 $0.0e+00;
	v1 =	vimm.f32 $1.000000000e+00;
	s11 =	simm.s32 $0x400;
	s4 =	sadd.s32 s30, s8;
	s8 =	simm.s32 $0x1  }
.LBB2_1:
0x11: {  	s17 =	simm.s32 $0x40;
	s18 =	simm.s32 $0x0  }
.LBB2_2:
0x12: {  	p0 =	sne.s32 s17, $0x9FC0;
	[tilespmem:s18+$0x2780] =	vst v0;
	s18 =	smov.u32 s17;
	s17 =	sadd.s32 $0x40, s17  }
.Ltmp0:
0x13: {  	(pc) =	sbr.rel @p0 .LBB2_2-.Ltmp0, $2  }
0x14: {  	_ =	sdelay $0x2  }
0x15: {  	s18 =	sshra.s32 s18, $0x2  }
0x16: {  	[tilespmem:s18+$0x2780] =	vst v0;
	s17 =	simm.s32 $0x0  }
0x17: {  	[tilespmem:s17], [sflag:$0x1] =	stream.linear.gather [hbm4b:s3+s17], $0x2710, $0x38;
	[tilespmem:$0xA200] =	vst v63  }
0x18: {  	_ =	swait.ge [sflag:s8], $0x2710  }
0x19: {  	[sflag:s8] =	ssyncset.done $0x0  }
0x1a: {  	s18 =	simm.s32 $0x0;
	s17 =	simm.s32 $0x40;
	[sflag:s8] =	ssyncadd.s32 $0xFFFFD8F0  }
.LBB2_4:
0x1b: {  	p0 =	sne.s32 s17, $0x9C00;
	v2 =	vld [tilespmem:s18+$0x0];
	_ =	sdelay $0x3  }
.Ltmp1:
0x1c: {  	(pc) =	sbr.rel @p0 .LBB2_4-.Ltmp1, $2  }
0x1d: {  	_ =	sdelay $0x2  }
0x1e: {  	s18 =	sshra.s32 s17, $0x2;
	s17 =	sadd.s32 $0x40, s17;
	[tilespmem:v2+s9+$0x0] =	vst.idx.add.f32.msk $0xffff, v1  }
0x1f: {  	v2 =	vld [tilespmem:s18+$0x0];
	_ =	sdelay $0x7  }
0x20: {  	[tilespmem:v2+s9+$0x0] =	vst.idx.add.f32.msk $0xffff, v1  }
0x21: {  	[spmem:s4] =	stream.strided.scatter [tilespmem:s9], [sflag:$0x1], $0x2800, s11, s10, $0x38;
	[tilespmem:$0xA200] =	vst v63  }
0x22: {  	_ =	swait.ge [sflag:s8], $0x2800  }
0x23: {  	[sflag:s8] =	ssyncset.done $0x0  }
0x24: {  	[sflag:s8] =	ssyncadd.s32 $0xFFFFD800  }
0x25: {  	[bflag:$0x0] =	sbarrier.arrive $0xFFFF  }
0x26: {  	[tilespmem:s14], [sflag:$0x1] =	stream.strided.gather [spmem:s5], $0x2800, s13, s12, $0x38;
	[tilespmem:$0xA200] =	vst v63  }
0x27: {  	s17 =	simm.s32 $0x0;
	_ =	swait.ge [sflag:s8], $0x2800  }
0x28: {  	s30 =	sand.u32 $0x70, s17;
	s17 =	sand.u32 $0x1C00, s17;
	[sflag:s8] =	ssyncset.done $0x0  }
0x29: {  	s17 =	sor.u32 s30, s17;
	[sflag:s8] =	ssyncadd.s32 $0xFFFFD800  }
0x2a: {  	v2 =	vld [tilespmem:s17+$0x5000]  }
0x2b: {  	v3 =	vld [tilespmem:s17+$0x4F80];
	_ =	sdelay $0x1  }
0x2c: {  	v4 =	vld [tilespmem:s17+$0x5080];
	_ =	sdelay $0x1  }
0x2d: {  	v5 =	vld [tilespmem:s17+$0x5100]  }
0x2e: {  	v2 =	vadd.f32 v2, v3  }
0x2f: {  	v3 =	vld [tilespmem:s17+$0x5180]  }
0x30: {  	v2 =	vadd.f32 v4, v2  }
0x31: {  	v56 =	vld [tilespmem:s17+$0x5200]  }
0x32: {  	v2 =	vadd.f32 v5, v2  }
0x33: {  	v57 =	vld [tilespmem:s17+$0x5280]  }
0x34: {  	v2 =	vadd.f32 v3, v2  }
0x35: {  	v3 =	vld [tilespmem:s17+$0x5300]  }
0x36: {  	v2 =	vadd.f32 v56, v2  }
0x37: {  	v58 =	vld [tilespmem:s17+$0x6380]  }
0x38: {  	v2 =	vadd.f32 v57, v2  }
0x39: {  	v59 =	vld [tilespmem:s17+$0x6400]  }
0x3a: {  	v2 =	vadd.f32 v3, v2  }
0x3b: {  	v3 =	vld [tilespmem:s17+$0x6480]  }
0x3c: {  	v2 =	vadd.f32 v58, v2  }
0x3d: {  	v60 =	vld [tilespmem:s17+$0x6500]  }
0x3e: {  	v2 =	vadd.f32 v59, v2  }
0x3f: {  	v61 =	vld [tilespmem:s17+$0x6580]  }
0x40: {  	v2 =	vadd.f32 v3, v2  }
0x41: {  	v3 =	vld [tilespmem:s17+$0x6600]  }
0x42: {  	v2 =	vadd.f32 v60, v2  }
0x43: {  	v62 =	vld [tilespmem:s17+$0x6680]  }
0x44: {  	v2 =	vadd.f32 v61, v2  }
0x45: {  	v63 =	vld [tilespmem:s17+$0x6700]  }
0x46: {  	v2 =	vadd.f32 v3, v2;
	_ =	sdelay $0x1  }
0x47: {  	v2 =	vadd.f32 v62, v2;
	_ =	sdelay $0x1  }
0x48: {  	s31 =	simm.s32 $0x10;
	s19 =	simm.s32 $0x80;
	v2 =	vadd.f32 v63, v2  }
0x49: {  	s18 =	sand.u32 $0x70, s31;
	s20 =	sand.u32 $0x1C00, s19;
	s17 =	simm.s32 $0x7780  }
0x4a: {  	s18 =	sor.u32 s18, s20;
	s20 =	simm.s32 $0x20;
	[tilespmem:s17+$0x0] =	vst v2  }
.LBB2_6:
0x4b: {  	p0 =	sne.s32 s20, $0x270;
	v2 =	vld [tilespmem:s18+$0x5000]  }
0x4c: {  	v3 =	vld [tilespmem:s18+$0x4F80];
	_ =	sdelay $0x1  }
0x4d: {  	v4 =	vld [tilespmem:s18+$0x5080];
	_ =	sdelay $0x1  }
0x4e: {  	v5 =	vld [tilespmem:s18+$0x5100]  }
0x4f: {  	v2 =	vadd.f32 v2, v3  }
0x50: {  	v3 =	vld [tilespmem:s18+$0x5180]  }
0x51: {  	v2 =	vadd.f32 v4, v2  }
0x52: {  	v4 =	vld [tilespmem:s18+$0x5200]  }
0x53: {  	v2 =	vadd.f32 v5, v2  }
0x54: {  	v5 =	vld [tilespmem:s18+$0x5280]  }
0x55: {  	v2 =	vadd.f32 v3, v2  }
0x56: {  	v3 =	vld [tilespmem:s18+$0x5300]  }
0x57: {  	v2 =	vadd.f32 v4, v2  }
0x58: {  	v4 =	vld [tilespmem:s18+$0x6380]  }
0x59: {  	v2 =	vadd.f32 v5, v2  }
0x5a: {  	v5 =	vld [tilespmem:s18+$0x6400]  }
0x5b: {  	v2 =	vadd.f32 v3, v2  }
0x5c: {  	v3 =	vld [tilespmem:s18+$0x6480]  }
0x5d: {  	v2 =	vadd.f32 v4, v2  }
0x5e: {  	v4 =	vld [tilespmem:s18+$0x6500]  }
0x5f: {  	v2 =	vadd.f32 v5, v2  }
0x60: {  	v5 =	vld [tilespmem:s18+$0x6580]  }
0x61: {  	v2 =	vadd.f32 v3, v2  }
0x62: {  	v3 =	vld [tilespmem:s18+$0x6600]  }
0x63: {  	v2 =	vadd.f32 v4, v2  }
0x64: {  	v4 =	vld [tilespmem:s18+$0x6680]  }
0x65: {  	v2 =	vadd.f32 v5, v2  }
0x66: {  	v5 =	vld [tilespmem:s18+$0x6700]  }
0x67: {  	v2 =	vadd.f32 v3, v2;
	_ =	sdelay $0x1  }
.Ltmp2:
0x68: {  	v2 =	vadd.f32 v4, v2;
	(pc) =	sbr.rel @p0 .LBB2_6-.Ltmp2, $4  }
0x69: {  	_ = 	snop  }
0x6a: {  	s19 =	sadd.s32 $0x80, s19;
	v2 =	vadd.f32 v5, v2  }
0x6b: {  	s17 =	sadd.s32 $0x10, s17;
	s21 =	sand.u32 $0x1C00, s19;
	s18 =	sand.u32 $0x70, s20  }
0x6c: {  	s20 =	sadd.s32 $0x10, s20;
	s18 =	sor.u32 s18, s21;
	[tilespmem:s17+$0x0] =	vst v2  }
0x6d: {  	v2 =	vld [tilespmem:s18+$0x5000]  }
0x6e: {  	v3 =	vld [tilespmem:s18+$0x4F80];
	_ =	sdelay $0x1  }
0x6f: {  	v4 =	vld [tilespmem:s18+$0x5080];
	_ =	sdelay $0x1  }
0x70: {  	v5 =	vld [tilespmem:s18+$0x5100]  }
0x71: {  	v2 =	vadd.f32 v2, v3  }
0x72: {  	v3 =	vld [tilespmem:s18+$0x5180]  }
0x73: {  	v2 =	vadd.f32 v4, v2  }
0x74: {  	v56 =	vld [tilespmem:s18+$0x5200]  }
0x75: {  	v2 =	vadd.f32 v5, v2  }
0x76: {  	v57 =	vld [tilespmem:s18+$0x5280]  }
0x77: {  	v2 =	vadd.f32 v3, v2  }
0x78: {  	v3 =	vld [tilespmem:s18+$0x5300]  }
0x79: {  	v2 =	vadd.f32 v56, v2  }
0x7a: {  	v58 =	vld [tilespmem:s18+$0x6380]  }
0x7b: {  	v2 =	vadd.f32 v57, v2  }
0x7c: {  	v59 =	vld [tilespmem:s18+$0x6400]  }
0x7d: {  	v2 =	vadd.f32 v3, v2  }
0x7e: {  	v3 =	vld [tilespmem:s18+$0x6480]  }
0x7f: {  	v2 =	vadd.f32 v58, v2  }
0x80: {  	v60 =	vld [tilespmem:s18+$0x6500]  }
0x81: {  	v2 =	vadd.f32 v59, v2  }
0x82: {  	v61 =	vld [tilespmem:s18+$0x6580]  }
0x83: {  	v2 =	vadd.f32 v3, v2  }
0x84: {  	v3 =	vld [tilespmem:s18+$0x6600]  }
0x85: {  	v2 =	vadd.f32 v60, v2  }
0x86: {  	v62 =	vld [tilespmem:s18+$0x6680]  }
0x87: {  	v2 =	vadd.f32 v61, v2  }
0x88: {  	v63 =	vld [tilespmem:s18+$0x6700]  }
0x89: {  	v2 =	vadd.f32 v3, v2;
	_ =	sdelay $0x1  }
0x8a: {  	v2 =	vadd.f32 v62, v2;
	_ =	sdelay $0x1  }
0x8b: {  	s16 =	sadd.s32 $0x1, s16;
	v2 =	vadd.f32 v63, v2  }
0x8c: {  	s17 =	sadd.s32 $0x10, s17;
	p0 =	sne.s32 s16, s7  }
.Ltmp3:
0x8d: {  	[tilespmem:s17+$0x0] =	vst v2;
	(pc) =	sbr.rel @p0 .LBB2_1-.Ltmp3, $4  }
0x8e: {  	[hbm4b:s6+s2] =	stream.linear.scatter [tilespmem:s15], [sflag:$0x1], $0x280, $0x38;
	[tilespmem:$0xA200] =	vst v63  }
0x8f: {  	_ =	swait.ge [sflag:s8], $0x280  }
0x90: {  	[sflag:s8] =	ssyncset.done $0x0  }
0x91: {  	[sflag:s8] =	ssyncadd.s32 $0xFFFFFD80  }
0x92: {  	_ =	sfence.sel $0x180000  }
0x93: {  	[bflag:$0x0] =	sbarrier.arrive $0xFFFF  }
0x94: {  	p0 =	sne.s32 s1, $0x0;
	_ =	strace $0x90000047  }
0x95: {  	s0 =	sadd.s32 @!p0 $0x100000, s0;
	[bflag:$0x2] =	sbarrier.arrive $0xFFFF  }
0x96: {  	[sflag:s0] =	ssyncadd.tile.s32 @!p0 $0x1;
	_ =	shalt  }
.Lfunc_end2:
_tile_overlayer_lowered:
.L_overlay_start_2:
0x97: {  	(tag) =	ssettag $0x2  }
0x98: {  	s0 =	rddreg [dreg:$0x0];
	s2 =	stileid.u32  }
0x99: {  	s1 =	rddreg [dreg:$0x1];
	p0 =	sne.s32 s2, $0x0  }
0x9a: {  	s3 =	rddreg [dreg:$0x2];
	[bflag:$0x3] =	sbarrier.arrive $0xFFFF;
	s2 =	simm.s32 @!p0 $0x1C01  }
0x9b: {  	[timem:s3], [sflag:s2] =	dma.local @!p0 [hbm:s0], s1  }
0x9c: {  	s0 =	simm.s32 @!p0 $0x1  }
0x9d: {  	_ =	swait.ge @!p0 [sflag:s0], s1  }
0x9e: {  	s1 =	ssub.s32 @!p0 $0x0, s1;
	[sflag:s0] =	ssyncset.done @!p0 $0x0  }
0x9f: {  	[sflag:s0] =	ssyncadd.s32 @!p0 s1  }
0xa0: {  	[bflag:$0x3] =	sbarrier.arrive $0xFFFF  }
0xa1: {  	_ =	shalt  }

</sc_bundles>
